<compile_context>
chip_gen: v7x
topology: tpu7x:2x2x1
jax: 0.10.2.dev20260603
libtpu: 0.0.44.dev20260713+nightly
codegen_flags: <defaults>
</compile_context>

<pallas_src>
import functools

import jax
import jax.numpy as jnp
from jax import lax
from jax.experimental import pallas as pl
from jax.experimental.pallas import tpu as pltpu
from jax.experimental.pallas import tpu_sc as plsc

N = 10000
E = 320000
IN_FEATS = 128
H_FEATS = 64
NUM_CLASSES = 40

NC = 2
NS = 16
NW = NC * NS
CH = 128
EPT = E // NW
NCHUNK = -(-EPT // CH)
EPT_PAD = NCHUNK * CH
SLAB = 624
TAIL = N - NS * SLAB


def _tc_proj(x, W, al, ar):
  n, _ = x.shape
  d = W.shape[1]

  def body(x_ref, w_ref, al_ref, ar_ref, oh, oel, oer, ogm):
    h = jnp.dot(x_ref[...], w_ref[...], preferred_element_type=jnp.float32)
    oh[...] = h
    el = jnp.sum(h * al_ref[...], axis=1, keepdims=True)
    er = jnp.sum(h * ar_ref[...], axis=1, keepdims=True)
    oel[...] = el
    oer[...] = er
    ogm[...] = jnp.full((8, 128), jnp.max(el), dtype=jnp.float32)

  return pl.pallas_call(
      body,
      out_shape=(
          jax.ShapeDtypeStruct((n, d), jnp.float32),
          jax.ShapeDtypeStruct((n, 1), jnp.float32),
          jax.ShapeDtypeStruct((n, 1), jnp.float32),
          jax.ShapeDtypeStruct((8, 128), jnp.float32),
      ),
  )(x, W, al, ar)


def _tc_combine_proj(parts, dw, b, W, al, ar):
  n = parts.shape[1]
  d2 = W.shape[1]

  def body(p_ref, b_ref, w_ref, al_ref, ar_ref, oh, oel, oer, ogm):
    s = p_ref[0] + p_ref[1]
    x = s[:, :dw] / (s[:, dw:dw + 1] + 1e-9) + b_ref[...]
    x = jnp.where(x > 0, x, jnp.exp(jnp.minimum(x, 0.0)) - 1.0)
    h = jnp.dot(x, w_ref[...], preferred_element_type=jnp.float32)
    oh[...] = h
    el = jnp.sum(h * al_ref[...], axis=1, keepdims=True)
    er = jnp.sum(h * ar_ref[...], axis=1, keepdims=True)
    oel[...] = el
    oer[...] = er
    ogm[...] = jnp.full((8, 128), jnp.max(el), dtype=jnp.float32)

  return pl.pallas_call(
      body,
      out_shape=(
          jax.ShapeDtypeStruct((n, d2), jnp.float32),
          jax.ShapeDtypeStruct((n, 1), jnp.float32),
          jax.ShapeDtypeStruct((n, 1), jnp.float32),
          jax.ShapeDtypeStruct((8, 128), jnp.float32),
      ),
  )(parts, b, W, al, ar)


def _tc_finish(parts, dw, b):
  n = parts.shape[1]

  def body(p_ref, b_ref, o):
    s = p_ref[0] + p_ref[1]
    o[...] = s[:, :dw] / (s[:, dw:dw + 1] + 1e-9) + b_ref[...]

  return pl.pallas_call(
      body,
      out_shape=jax.ShapeDtypeStruct((n, dw), jnp.float32),
  )(parts, b)


def _make_sc_gat(D, DW):
  NG = -(-DW // 16)
  mesh = plsc.VectorSubcoreMesh(
      core_axis_name="c", subcore_axis_name="s", num_cores=NC, num_subcores=NS)

  @functools.partial(
      pl.kernel,
      out_type=jax.ShapeDtypeStruct((NC, N, D), jnp.float32),
      mesh=mesh,
      compiler_params=pltpu.CompilerParams(
          needs_layout_passes=False, use_tc_tiling_on_sc=False),
      scratch_types=[
          pltpu.VMEM((NCHUNK, CH), jnp.int32),
          pltpu.VMEM((NCHUNK, CH), jnp.int32),
          pltpu.VMEM((N,), jnp.float32),
          pltpu.VMEM((N,), jnp.float32),
          pltpu.VMEM((16,), jnp.float32),
          pltpu.VMEM((CH, D), jnp.float32),
          pltpu.VMEM((CH,), jnp.float32),
          pltpu.VMEM_SHARED((N, D), jnp.float32),
          pltpu.SemaphoreType.DMA,
      ],
  )
  def sc_gat(h_hbm, el_hbm, er_hbm, gm_hbm, srcm_hbm, dstm_hbm, zrow_hbm,
             out_hbm, src_v, dst_v, el_v, er_v, gm_v, rows_v, w_v,
             acc_sh, sem):
    c = lax.axis_index("c")
    s = lax.axis_index("s")
    wid = c * NS + s

    pltpu.sync_copy(zrow_hbm, acc_sh.at[pl.ds(s * SLAB, SLAB)])

    @pl.when(s == 0)
    def _zero_tail():
      pltpu.sync_copy(zrow_hbm.at[pl.ds(0, TAIL)],
                      acc_sh.at[pl.ds(NS * SLAB, TAIL)])

    pltpu.sync_copy(el_hbm, el_v)
    pltpu.sync_copy(er_hbm, er_v)
    pltpu.sync_copy(gm_hbm, gm_v)
    pltpu.sync_copy(srcm_hbm.at[wid], src_v)
    pltpu.sync_copy(dstm_hbm.at[wid], dst_v)
    plsc.subcore_barrier()

    def chunk_body(j, carry):
      pltpu.async_copy(h_hbm.at[src_v.at[j]], rows_v, sem).wait()

      def w_body(g, carry2):
        si = src_v[j, pl.ds(g * 16, 16)]
        di = dst_v[j, pl.ds(g * 16, 16)]
        els = plsc.load_gather(el_v, [si])
        erd = plsc.load_gather(er_v, [di])
        e = els + erd
        e = jnp.maximum(e, 0.2 * e)
        t = gm_v[...] + erd
        m = jnp.maximum(t, 0.2 * t)
        w = jnp.exp(e - m)
        pos = j * CH + g * 16 + lax.iota(jnp.int32, 16)
        w = jnp.where(pos < EPT, w, 0.0)
        w_v[pl.ds(g * 16, 16)] = w
        return carry2

      lax.fori_loop(0, CH // 16, w_body, 0, unroll=2)

      def scale_body(g, carry2):
        wg = w_v[pl.ds(g * 16, 16)]
        base = g * 16
        for k in range(16):
          wc = wg[k]
          i = base + k
          for q in range(NG):
            rows_v[i, pl.ds(q * 16, 16)] = rows_v[i, pl.ds(q * 16, 16)] * wc
        row16 = base + lax.iota(jnp.int32, 16)
        col16 = jnp.full((16,), DW, dtype=jnp.int32)
        plsc.store_scatter(rows_v, [row16, col16], wg)
        return carry2

      lax.fori_loop(0, CH // 16, scale_body, 0)

      pltpu.sync_copy(rows_v, acc_sh.at[dst_v.at[j]], add=True)
      return carry

    lax.fori_loop(0, NCHUNK, chunk_body, 0)

    plsc.subcore_barrier()
    pltpu.sync_copy(acc_sh.at[pl.ds(s * SLAB, SLAB)],
                    out_hbm.at[c, pl.ds(s * SLAB, SLAB)])

    @pl.when(s == 0)
    def _out_tail():
      pltpu.sync_copy(acc_sh.at[pl.ds(NS * SLAB, TAIL)],
                      out_hbm.at[c, pl.ds(NS * SLAB, TAIL)])

  return sc_gat


_sc_gat_l1 = _make_sc_gat(72, 64)
_sc_gat_l2 = _make_sc_gat(48, 40)


def kernel(in_feat, edge_index, W1, a_l1, a_r1, b1, W2, a_l2, a_r2, b2):
  f32 = jnp.float32
  src = edge_index[0]
  dst = edge_index[1]
  pad = EPT_PAD - EPT
  srcm = jnp.pad(src.reshape(NW, EPT), ((0, 0), (0, pad))).reshape(
      NW, NCHUNK, CH)
  dstm = jnp.pad(dst.reshape(NW, EPT), ((0, 0), (0, pad))).reshape(
      NW, NCHUNK, CH)

  W1a = jnp.pad(W1, ((0, 0), (0, 8)))
  al1 = jnp.pad(a_l1, (0, 8)).reshape(1, 72)
  ar1 = jnp.pad(a_r1, (0, 8)).reshape(1, 72)
  h1, el1, er1, gm1 = _tc_proj(in_feat, W1a, al1, ar1)
  gm1v = jnp.full((16,), gm1[0, 0], dtype=f32)
  z72 = jnp.zeros((SLAB, 72), dtype=f32)
  parts1 = _sc_gat_l1(h1, el1.reshape(N), er1.reshape(N), gm1v,
                      srcm, dstm, z72)

  W2a = jnp.pad(W2, ((0, 0), (0, 8)))
  al2 = jnp.pad(a_l2, (0, 8)).reshape(1, 48)
  ar2 = jnp.pad(a_r2, (0, 8)).reshape(1, 48)
  h2, el2, er2, gm2 = _tc_combine_proj(parts1, 64, b1.reshape(1, 64),
                                       W2a, al2, ar2)
  gm2v = jnp.full((16,), gm2[0, 0], dtype=f32)
  z48 = jnp.zeros((SLAB, 48), dtype=f32)
  parts2 = _sc_gat_l2(h2, el2.reshape(N), er2.reshape(N), gm2v,
                      srcm, dstm, z48)

  return _tc_finish(parts2, 40, b2.reshape(1, 40))

# --- scband reference (transcript-rebuilt; emitter-appended) ---
"""Pipeline reference for scband-gat-80006650790247 (READ-ONLY COPY).

The authoritative reference and input builder live on the scoring server;
editing this copy changes nothing except your own understanding.
"""

import jax, jax.numpy as jnp
import numpy as np

N = 10000
E = 320000
IN_FEATS = 128
H_FEATS = 64
NUM_CLASSES = 40


def setup_inputs(seed: int = 0) -> dict:
    key = jax.random.key(seed)
    ks = jax.random.split(key, 12)
    in_feat = jax.random.normal(ks[0], (N, IN_FEATS), dtype=jnp.float32)
    edge_index = jax.random.randint(ks[1], (2, E), 0, N).astype(jnp.int32)
    # Layer 1 params (GATConv(in_feats, h_feats, num_heads=1))
    W1 = jax.random.normal(ks[2], (IN_FEATS, H_FEATS), dtype=jnp.float32) * (1.0 / np.sqrt(IN_FEATS))
    a_l1 = jax.random.normal(ks[3], (H_FEATS,), dtype=jnp.float32) * 0.1
    a_r1 = jax.random.normal(ks[4], (H_FEATS,), dtype=jnp.float32) * 0.1
    b1 = jnp.zeros((H_FEATS,), dtype=jnp.float32)
    # Layer 2 params (GATConv(h_feats, num_classes, num_heads=1))
    W2 = jax.random.normal(ks[5], (H_FEATS, NUM_CLASSES), dtype=jnp.float32) * (1.0 / np.sqrt(H_FEATS))
    a_l2 = jax.random.normal(ks[6], (NUM_CLASSES,), dtype=jnp.float32) * 0.1
    a_r2 = jax.random.normal(ks[7], (NUM_CLASSES,), dtype=jnp.float32) * 0.1
    b2 = jnp.zeros((NUM_CLASSES,), dtype=jnp.float32)
    return {"in_feat": in_feat, "edge_index": edge_index,
            "W1": W1, "a_l1": a_l1, "a_r1": a_r1, "b1": b1,
            "W2": W2, "a_l2": a_l2, "a_r2": a_r2, "b2": b2}


def _gat_layer(x, src, dst, W, a_l, a_r, b, n_nodes):
    # linear projection (fc)
    h = x @ W                                   # [N, d_out]
    # attention logits split into left (src) and right (dst) halves
    el = jnp.sum(h * a_l, axis=-1)              # [N]
    er = jnp.sum(h * a_r, axis=-1)              # [N]
    e = jax.nn.leaky_relu(el[src] + er[dst], negative_slope=0.2)  # [E]
    # edge softmax over incoming edges of each dst node
    m = jax.ops.segment_max(e, dst, num_segments=n_nodes)         # [N]
    m = jnp.where(jnp.isfinite(m), m, 0.0)
    e_exp = jnp.exp(e - m[dst])                                   # [E]
    denom = jax.ops.segment_sum(e_exp, dst, num_segments=n_nodes) # [N]
    alpha = e_exp / (denom[dst] + 1e-9)                           # [E]
    # message passing: gather src features, weight by alpha, scatter-add to dst
    msgs = h[src] * alpha[:, None]                                # [E, d_out]
    out = jax.ops.segment_sum(msgs, dst, num_segments=n_nodes)    # [N, d_out]
    return out + b


def reference(in_feat, edge_index, W1, a_l1, a_r1, b1, W2, a_l2, a_r2, b2):
    src = edge_index[0]
    dst = edge_index[1]
    h = _gat_layer(in_feat, src, dst, W1, a_l1, a_r1, b1, N)
    h = jax.nn.elu(h)
    h = _gat_layer(h, src, dst, W2, a_l2, a_r2, b2, N)
    return h

if __name__ == "__main__":
    import jax
    _d = setup_inputs()
    print(jax.jit(kernel)(*tuple(_d.values())))

</pallas_src>

<mosaic_0001>
#map = affine_map<(d0, d1) -> (0, 0)>
#map1 = affine_map<(d0, d1) -> (0)>
#map2 = affine_map<(d0, d1) -> (0, 0, 0)>
module attributes {stable_mosaic.version = 14 : i64} {
  func.func @sc_gat(%arg0: i32, %arg1: i32, %arg2: memref<10000x48xf32, #tpu.memory_space<hbm>>, %arg3: memref<10000xf32, #tpu.memory_space<hbm>>, %arg4: memref<10000xf32, #tpu.memory_space<hbm>>, %arg5: memref<16xf32, #tpu.memory_space<hbm>>, %arg6: memref<32x79x128xi32, #tpu.memory_space<hbm>>, %arg7: memref<32x79x128xi32, #tpu.memory_space<hbm>>, %arg8: memref<624x48xf32, #tpu.memory_space<hbm>>, %arg9: memref<2x10000x48xf32, #tpu.memory_space<hbm>>, %arg10: memref<79x128xi32, #tpu.memory_space<vmem>>, %arg11: memref<79x128xi32, #tpu.memory_space<vmem>>, %arg12: memref<10000xf32, #tpu.memory_space<vmem>>, %arg13: memref<10000xf32, #tpu.memory_space<vmem>>, %arg14: memref<16xf32, #tpu.memory_space<vmem>>, %arg15: memref<128x48xf32, #tpu.memory_space<vmem>>, %arg16: memref<128xf32, #tpu.memory_space<vmem>>, %arg17: memref<10000x48xf32, #tpu.memory_space<vmem_shared>>, %arg18: memref<!tpu.dma_semaphore, #tpu.memory_space<semaphore_mem>>) attributes {dimension_semantics = [#tpu.dimension_semantics<core_parallel>, #tpu.dimension_semantics<subcore_parallel>], iteration_bounds = array<i64: 2, 16>, scalar_prefetch = 0 : i64, scratch_operands = 9 : i64, tpu.core_type = #tpu.core_type<sc_vector_subcore>, window_params = [{transform_indices = #map}, {transform_indices = #map1}, {transform_indices = #map1}, {transform_indices = #map1}, {transform_indices = #map2}, {transform_indices = #map2}, {transform_indices = #map}, {transform_indices = #map2}]} {
    %mul3A = arith.constant 16 : i32
    %mul3A_0 = arith.muli %arg0, %mul3A : i32
    %add3A = arith.addi %mul3A_0, %arg1 : i32
    %mul3A_1 = arith.constant 624 : i32
    %mul3A_2 = arith.muli %arg1, %mul3A_1 : i32
    "tpu.region"() ({
      %run_scoped3A = tpu.sem_alloc : memref<!tpu.dma_semaphore, #tpu.memory_space<semaphore_mem>>
      %dma_start3A = arith.constant 0 : i32
      %dma_start3A_20 = tpu.memref_slice %arg17[%mul3A_2, %dma_start3A] : memref<10000x48xf32, #tpu.memory_space<vmem_shared>> -> memref<624x48xf32, #tpu.memory_space<vmem_shared>>
      tpu.enqueue_dma source(%arg8 : memref<624x48xf32, #tpu.memory_space<hbm>>) target(%dma_start3A_20 : memref<624x48xf32, #tpu.memory_space<vmem_shared>>) target_semaphore(%run_scoped3A : memref<!tpu.dma_semaphore, #tpu.memory_space<semaphore_mem>>)
      %dma_wait3A = arith.constant 0 : i32
      %dma_wait3A_21 = tpu.memref_slice %arg17[%mul3A_2, %dma_wait3A] : memref<10000x48xf32, #tpu.memory_space<vmem_shared>> -> memref<624x48xf32, #tpu.memory_space<vmem_shared>>
      tpu.wait_dma2 semaphore(%run_scoped3A : memref<!tpu.dma_semaphore, #tpu.memory_space<semaphore_mem>>) src(%arg8 : memref<624x48xf32, #tpu.memory_space<hbm>>) dst(%dma_wait3A_21 : memref<624x48xf32, #tpu.memory_space<vmem_shared>>)
      tpu.yield
    }) : () -> ()
    %eq3A = arith.constant 0 : i32
    %eq3A_3 = arith.cmpi eq, %arg1, %eq3A : i32
    %convert_element_type3A = arith.extui %eq3A_3 : i1 to i32
    %cond3A = arith.constant 0 : i32
    %cond3A_4 = arith.cmpi ne, %convert_element_type3A, %cond3A : i32
    scf.if %cond3A_4 {
      "tpu.region"() ({
        %run_scoped3A = tpu.sem_alloc : memref<!tpu.dma_semaphore, #tpu.memory_space<semaphore_mem>>
        %dma_start3A = arith.constant 9984 : i32
        %dma_start3A_20 = arith.constant 0 : i32
        %dma_start3A_21 = tpu.memref_slice %arg17[%dma_start3A, %dma_start3A_20] : memref<10000x48xf32, #tpu.memory_space<vmem_shared>> -> memref<16x48xf32, #tpu.memory_space<vmem_shared>>
        %dma_start3A_22 = arith.constant 0 : i32
        %dma_start3A_23 = arith.constant 0 : i32
        %dma_start3A_24 = tpu.memref_slice %arg8[%dma_start3A_22, %dma_start3A_23] : memref<624x48xf32, #tpu.memory_space<hbm>> -> memref<16x48xf32, #tpu.memory_space<hbm>>
        tpu.enqueue_dma source(%dma_start3A_24 : memref<16x48xf32, #tpu.memory_space<hbm>>) target(%dma_start3A_21 : memref<16x48xf32, #tpu.memory_space<vmem_shared>>) target_semaphore(%run_scoped3A : memref<!tpu.dma_semaphore, #tpu.memory_space<semaphore_mem>>)
        %dma_wait3A = arith.constant 9984 : i32
        %dma_wait3A_25 = arith.constant 0 : i32
        %dma_wait3A_26 = tpu.memref_slice %arg17[%dma_wait3A, %dma_wait3A_25] : memref<10000x48xf32, #tpu.memory_space<vmem_shared>> -> memref<16x48xf32, #tpu.memory_space<vmem_shared>>
        %dma_wait3A_27 = arith.constant 0 : i32
        %dma_wait3A_28 = arith.constant 0 : i32
        %dma_wait3A_29 = tpu.memref_slice %arg8[%dma_wait3A_27, %dma_wait3A_28] : memref<624x48xf32, #tpu.memory_space<hbm>> -> memref<16x48xf32, #tpu.memory_space<hbm>>
        tpu.wait_dma2 semaphore(%run_scoped3A : memref<!tpu.dma_semaphore, #tpu.memory_space<semaphore_mem>>) src(%dma_wait3A_29 : memref<16x48xf32, #tpu.memory_space<hbm>>) dst(%dma_wait3A_26 : memref<16x48xf32, #tpu.memory_space<vmem_shared>>)
        tpu.yield
      }) : () -> ()
    } else {
    }
    "tpu.region"() ({
      %run_scoped3A = tpu.sem_alloc : memref<!tpu.dma_semaphore, #tpu.memory_space<semaphore_mem>>
      tpu.enqueue_dma source(%arg3 : memref<10000xf32, #tpu.memory_space<hbm>>) target(%arg12 : memref<10000xf32, #tpu.memory_space<vmem>>) target_semaphore(%run_scoped3A : memref<!tpu.dma_semaphore, #tpu.memory_space<semaphore_mem>>)
      tpu.wait_dma2 semaphore(%run_scoped3A : memref<!tpu.dma_semaphore, #tpu.memory_space<semaphore_mem>>) src(%arg3 : memref<10000xf32, #tpu.memory_space<hbm>>) dst(%arg12 : memref<10000xf32, #tpu.memory_space<vmem>>)
      tpu.yield
    }) : () -> ()
    "tpu.region"() ({
      %run_scoped3A = tpu.sem_alloc : memref<!tpu.dma_semaphore, #tpu.memory_space<semaphore_mem>>
      tpu.enqueue_dma source(%arg4 : memref<10000xf32, #tpu.memory_space<hbm>>) target(%arg13 : memref<10000xf32, #tpu.memory_space<vmem>>) target_semaphore(%run_scoped3A : memref<!tpu.dma_semaphore, #tpu.memory_space<semaphore_mem>>)
      tpu.wait_dma2 semaphore(%run_scoped3A : memref<!tpu.dma_semaphore, #tpu.memory_space<semaphore_mem>>) src(%arg4 : memref<10000xf32, #tpu.memory_space<hbm>>) dst(%arg13 : memref<10000xf32, #tpu.memory_space<vmem>>)
      tpu.yield
    }) : () -> ()
    "tpu.region"() ({
      %run_scoped3A = tpu.sem_alloc : memref<!tpu.dma_semaphore, #tpu.memory_space<semaphore_mem>>
      tpu.enqueue_dma source(%arg5 : memref<16xf32, #tpu.memory_space<hbm>>) target(%arg14 : memref<16xf32, #tpu.memory_space<vmem>>) target_semaphore(%run_scoped3A : memref<!tpu.dma_semaphore, #tpu.memory_space<semaphore_mem>>)
      tpu.wait_dma2 semaphore(%run_scoped3A : memref<!tpu.dma_semaphore, #tpu.memory_space<semaphore_mem>>) src(%arg5 : memref<16xf32, #tpu.memory_space<hbm>>) dst(%arg14 : memref<16xf32, #tpu.memory_space<vmem>>)
      tpu.yield
    }) : () -> ()
    "tpu.region"() ({
      %run_scoped3A = tpu.sem_alloc : memref<!tpu.dma_semaphore, #tpu.memory_space<semaphore_mem>>
      %dma_start3A = arith.constant 0 : i32
      %dma_start3A_20 = arith.constant 0 : i32
      %dma_start3A_21 = tpu.memref_slice %arg6[%add3A, %dma_start3A, %dma_start3A_20] : memref<32x79x128xi32, #tpu.memory_space<hbm>> -> memref<1x79x128xi32, #tpu.memory_space<hbm>>
      %dma_start3A_22 = tpu.memref_squeeze %dma_start3A_21 : memref<1x79x128xi32, #tpu.memory_space<hbm>> -> memref<79x128xi32, #tpu.memory_space<hbm>>
      %dma_start3A_23 = arith.constant 0 : i32
      %dma_start3A_24 = arith.constant 0 : i32
      %dma_start3A_25 = tpu.memref_slice %arg6[%add3A, %dma_start3A_23, %dma_start3A_24] : memref<32x79x128xi32, #tpu.memory_space<hbm>> -> memref<1x79x128xi32, #tpu.memory_space<hbm>>
      %dma_start3A_26 = tpu.memref_squeeze %dma_start3A_25 : memref<1x79x128xi32, #tpu.memory_space<hbm>> -> memref<79x128xi32, #tpu.memory_space<hbm>>
      tpu.enqueue_dma source(%dma_start3A_26 : memref<79x128xi32, #tpu.memory_space<hbm>>) target(%arg10 : memref<79x128xi32, #tpu.memory_space<vmem>>) target_semaphore(%run_scoped3A : memref<!tpu.dma_semaphore, #tpu.memory_space<semaphore_mem>>)
      %dma_wait3A = arith.constant 0 : i32
      %dma_wait3A_27 = arith.constant 0 : i32
      %dma_wait3A_28 = tpu.memref_slice %arg6[%add3A, %dma_wait3A, %dma_wait3A_27] : memref<32x79x128xi32, #tpu.memory_space<hbm>> -> memref<1x79x128xi32, #tpu.memory_space<hbm>>
      %dma_wait3A_29 = tpu.memref_squeeze %dma_wait3A_28 : memref<1x79x128xi32, #tpu.memory_space<hbm>> -> memref<79x128xi32, #tpu.memory_space<hbm>>
      %dma_wait3A_30 = arith.constant 0 : i32
      %dma_wait3A_31 = arith.constant 0 : i32
      %dma_wait3A_32 = tpu.memref_slice %arg6[%add3A, %dma_wait3A_30, %dma_wait3A_31] : memref<32x79x128xi32, #tpu.memory_space<hbm>> -> memref<1x79x128xi32, #tpu.memory_space<hbm>>
      %dma_wait3A_33 = tpu.memref_squeeze %dma_wait3A_32 : memref<1x79x128xi32, #tpu.memory_space<hbm>> -> memref<79x128xi32, #tpu.memory_space<hbm>>
      tpu.wait_dma2 semaphore(%run_scoped3A : memref<!tpu.dma_semaphore, #tpu.memory_space<semaphore_mem>>) src(%dma_wait3A_33 : memref<79x128xi32, #tpu.memory_space<hbm>>) dst(%arg10 : memref<79x128xi32, #tpu.memory_space<vmem>>)
      tpu.yield
    }) : () -> ()
    "tpu.region"() ({
      %run_scoped3A = tpu.sem_alloc : memref<!tpu.dma_semaphore, #tpu.memory_space<semaphore_mem>>
      %dma_start3A = arith.constant 0 : i32
      %dma_start3A_20 = arith.constant 0 : i32
      %dma_start3A_21 = tpu.memref_slice %arg7[%add3A, %dma_start3A, %dma_start3A_20] : memref<32x79x128xi32, #tpu.memory_space<hbm>> -> memref<1x79x128xi32, #tpu.memory_space<hbm>>
      %dma_start3A_22 = tpu.memref_squeeze %dma_start3A_21 : memref<1x79x128xi32, #tpu.memory_space<hbm>> -> memref<79x128xi32, #tpu.memory_space<hbm>>
      %dma_start3A_23 = arith.constant 0 : i32
      %dma_start3A_24 = arith.constant 0 : i32
      %dma_start3A_25 = tpu.memref_slice %arg7[%add3A, %dma_start3A_23, %dma_start3A_24] : memref<32x79x128xi32, #tpu.memory_space<hbm>> -> memref<1x79x128xi32, #tpu.memory_space<hbm>>
      %dma_start3A_26 = tpu.memref_squeeze %dma_start3A_25 : memref<1x79x128xi32, #tpu.memory_space<hbm>> -> memref<79x128xi32, #tpu.memory_space<hbm>>
      tpu.enqueue_dma source(%dma_start3A_26 : memref<79x128xi32, #tpu.memory_space<hbm>>) target(%arg11 : memref<79x128xi32, #tpu.memory_space<vmem>>) target_semaphore(%run_scoped3A : memref<!tpu.dma_semaphore, #tpu.memory_space<semaphore_mem>>)
      %dma_wait3A = arith.constant 0 : i32
      %dma_wait3A_27 = arith.constant 0 : i32
      %dma_wait3A_28 = tpu.memref_slice %arg7[%add3A, %dma_wait3A, %dma_wait3A_27] : memref<32x79x128xi32, #tpu.memory_space<hbm>> -> memref<1x79x128xi32, #tpu.memory_space<hbm>>
      %dma_wait3A_29 = tpu.memref_squeeze %dma_wait3A_28 : memref<1x79x128xi32, #tpu.memory_space<hbm>> -> memref<79x128xi32, #tpu.memory_space<hbm>>
      %dma_wait3A_30 = arith.constant 0 : i32
      %dma_wait3A_31 = arith.constant 0 : i32
      %dma_wait3A_32 = tpu.memref_slice %arg7[%add3A, %dma_wait3A_30, %dma_wait3A_31] : memref<32x79x128xi32, #tpu.memory_space<hbm>> -> memref<1x79x128xi32, #tpu.memory_space<hbm>>
      %dma_wait3A_33 = tpu.memref_squeeze %dma_wait3A_32 : memref<1x79x128xi32, #tpu.memory_space<hbm>> -> memref<79x128xi32, #tpu.memory_space<hbm>>
      tpu.wait_dma2 semaphore(%run_scoped3A : memref<!tpu.dma_semaphore, #tpu.memory_space<semaphore_mem>>) src(%dma_wait3A_33 : memref<79x128xi32, #tpu.memory_space<hbm>>) dst(%arg11 : memref<79x128xi32, #tpu.memory_space<vmem>>)
      tpu.yield
    }) : () -> ()
    %barrier3A = arith.constant 0 : index
    tpu.barrier barrier_id(%barrier3A)
    %scan3A = arith.constant 0 : i32
    %scan3A_5 = arith.constant 0 : i32
    %scan3A_6 = arith.constant 79 : i32
    %scan3A_7 = arith.addi %scan3A_5, %scan3A_6 : i32
    %scan3A_8 = arith.constant 1 : i32
    scf.for %scan3A_20 = %scan3A_5 to %scan3A_7 step %scan3A_8  : i32 {
      %dma_start3A = arith.constant 0 : i32
      %dma_start3A_21 = tpu.memref_slice %arg10[%scan3A_20, %dma_start3A] : memref<79x128xi32, #tpu.memory_space<vmem>> -> memref<1x128xi32, #tpu.memory_space<vmem>>
      %dma_start3A_22 = tpu.memref_squeeze %dma_start3A_21 : memref<1x128xi32, #tpu.memory_space<vmem>> -> memref<128xi32, #tpu.memory_space<vmem>>
      %dma_start3A_23 = arith.constant 0 : i32
      %dma_start3A_24 = arith.constant 0 : i32
      %dma_start3A_25 = tpu.memref_slice %arg2[%dma_start3A_23, %dma_start3A_24] : memref<10000x48xf32, #tpu.memory_space<hbm>> -> memref<10000x48xf32, #tpu.memory_space<hbm>>
      tpu.enqueue_indirect_dma source(%dma_start3A_25 : memref<10000x48xf32, #tpu.memory_space<hbm>>) target(%arg15 : memref<128x48xf32, #tpu.memory_space<vmem>>) offsets(%dma_start3A_22 : memref<128xi32, #tpu.memory_space<vmem>>) semaphore(%arg18 : memref<!tpu.dma_semaphore, #tpu.memory_space<semaphore_mem>>)
      %dma_wait3A = arith.constant 0 : i32
      %dma_wait3A_26 = tpu.memref_slice %arg10[%scan3A_20, %dma_wait3A] : memref<79x128xi32, #tpu.memory_space<vmem>> -> memref<1x128xi32, #tpu.memory_space<vmem>>
      %dma_wait3A_27 = tpu.memref_squeeze %dma_wait3A_26 : memref<1x128xi32, #tpu.memory_space<vmem>> -> memref<128xi32, #tpu.memory_space<vmem>>
      %dma_wait3A_28 = arith.constant 0 : i32
      %dma_wait3A_29 = arith.constant 0 : i32
      %dma_wait3A_30 = tpu.memref_slice %arg2[%dma_wait3A_28, %dma_wait3A_29] : memref<10000x48xf32, #tpu.memory_space<hbm>> -> memref<10000x48xf32, #tpu.memory_space<hbm>>
      tpu.wait_indirect_dma semaphore(%arg18 : memref<!tpu.dma_semaphore, #tpu.memory_space<semaphore_mem>>) src(%dma_wait3A_30 : memref<10000x48xf32, #tpu.memory_space<hbm>>) dst(%arg15 : memref<128x48xf32, #tpu.memory_space<vmem>>)
      %scan3A_31 = arith.constant 0 : i32
      %scan3A_32 = arith.constant 0 : i32
      %scan3A_33 = arith.constant 8 : i32
      %scan3A_34 = arith.addi %scan3A_32, %scan3A_33 : i32
      %scan3A_35 = arith.constant 2 : i32
      scf.for %scan3A_43 = %scan3A_32 to %scan3A_34 step %scan3A_35  : i32 {
        %mul3A_44 = arith.constant 16 : i32
        %mul3A_45 = arith.muli %scan3A_43, %mul3A_44 : i32
        %get3A = arith.index_cast %scan3A_20 : i32 to index
        %get3A_46 = arith.index_cast %mul3A_45 : i32 to index
        %get3A_47 = tpu.vector_load %arg10[%get3A, %get3A_46] {strides = array<i32>} : memref<79x128xi32, #tpu.memory_space<vmem>>, vector<16xi32>,
        %mul3A_48 = arith.constant 16 : i32
        %mul3A_49 = arith.muli %scan3A_43, %mul3A_48 : i32
        %get3A_50 = arith.index_cast %scan3A_20 : i32 to index
        %get3A_51 = arith.index_cast %mul3A_49 : i32 to index
        %get3A_52 = tpu.vector_load %arg11[%get3A_50, %get3A_51] {strides = array<i32>} : memref<79x128xi32, #tpu.memory_space<vmem>>, vector<16xi32>,
        %gather3A = tpu.vector_load_idx %arg12[%get3A_47] : memref<10000xf32, #tpu.memory_space<vmem>>[vector<16xi32>], vector<16xf32>,
        %gather3A_53 = tpu.vector_load_idx %arg13[%get3A_52] : memref<10000xf32, #tpu.memory_space<vmem>>[vector<16xi32>], vector<16xf32>,
        %add3A_54 = arith.addf %gather3A, %gather3A_53 : vector<16xf32>
        %mul3A_55 = arith.constant 2.000000e-01 : f32
        %mul3A_56 = vector.broadcast %mul3A_55 : f32 to vector<16xf32>
        %mul3A_57 = arith.mulf %mul3A_56, %add3A_54 : vector<16xf32>
        %max3A = arith.maximumf %add3A_54, %mul3A_57 : vector<16xf32>
        %get3A_58 = arith.constant 0 : index
        %get3A_59 = tpu.vector_load %arg14[%get3A_58] {strides = array<i32>} : memref<16xf32, #tpu.memory_space<vmem>>, vector<16xf32>,
        %add3A_60 = arith.addf %get3A_59, %gather3A_53 : vector<16xf32>
        %mul3A_61 = arith.constant 2.000000e-01 : f32
        %mul3A_62 = vector.broadcast %mul3A_61 : f32 to vector<16xf32>
        %mul3A_63 = arith.mulf %mul3A_62, %add3A_60 : vector<16xf32>
        %max3A_64 = arith.maximumf %add3A_60, %mul3A_63 : vector<16xf32>
        %sub3A = arith.subf %max3A, %max3A_64 : vector<16xf32>
        %exp3A = math.exp %sub3A : vector<16xf32>
        %mul3A_65 = arith.constant 128 : i32
        %mul3A_66 = arith.muli %scan3A_20, %mul3A_65 : i32
        %mul3A_67 = arith.constant 16 : i32
        %mul3A_68 = arith.muli %scan3A_43, %mul3A_67 : i32
        %add3A_69 = arith.addi %mul3A_66, %mul3A_68 : i32
        %iota3A = tpu.iota {dimensions = array<i32: 0>} : vector<16xi32>
        %add3A_70 = vector.broadcast %add3A_69 : i32 to vector<16xi32>
        %add3A_71 = arith.addi %add3A_70, %iota3A : vector<16xi32>
        %lt3A = arith.constant 10000 : i32
        %lt3A_72 = vector.broadcast %lt3A : i32 to vector<16xi32>
        %lt3A_73 = arith.cmpi slt, %add3A_71, %lt3A_72 : vector<16xi32>
        %jit3A = arith.constant 0.000000e+00 : f32
        %broadcast_in_dim3A = vector.broadcast %jit3A : f32 to vector<16xf32>
        %select_n3A = arith.select %lt3A_73, %exp3A, %broadcast_in_dim3A : vector<16xi1>, vector<16xf32>
        %mul3A_74 = arith.constant 16 : i32
        %mul3A_75 = arith.muli %scan3A_43, %mul3A_74 : i32
        %swap3A = arith.index_cast %mul3A_75 : i32 to index
        %swap3A_76 = tpu.vector_load %arg16[%swap3A] {strides = array<i32>} : memref<128xf32, #tpu.memory_space<vmem>>, vector<16xf32>,
        tpu.vector_store %arg16[%swap3A], %select_n3A {strides = array<i32>} : memref<128xf32, #tpu.memory_space<vmem>>, vector<16xf32>,
        %scan3A_77 = arith.constant 1 : i32
        %scan3A_78 = arith.addi %scan3A_43, %scan3A_77 : i32
        %mul3A_79 = arith.constant 16 : i32
        %mul3A_80 = arith.muli %scan3A_78, %mul3A_79 : i32
        %get3A_81 = arith.index_cast %scan3A_20 : i32 to index
        %get3A_82 = arith.index_cast %mul3A_80 : i32 to index
        %get3A_83 = tpu.vector_load %arg10[%get3A_81, %get3A_82] {strides = array<i32>} : memref<79x128xi32, #tpu.memory_space<vmem>>, vector<16xi32>,
        %mul3A_84 = arith.constant 16 : i32
        %mul3A_85 = arith.muli %scan3A_78, %mul3A_84 : i32
        %get3A_86 = arith.index_cast %scan3A_20 : i32 to index
        %get3A_87 = arith.index_cast %mul3A_85 : i32 to index
        %get3A_88 = tpu.vector_load %arg11[%get3A_86, %get3A_87] {strides = array<i32>} : memref<79x128xi32, #tpu.memory_space<vmem>>, vector<16xi32>,
        %gather3A_89 = tpu.vector_load_idx %arg12[%get3A_83] : memref<10000xf32, #tpu.memory_space<vmem>>[vector<16xi32>], vector<16xf32>,
        %gather3A_90 = tpu.vector_load_idx %arg13[%get3A_88] : memref<10000xf32, #tpu.memory_space<vmem>>[vector<16xi32>], vector<16xf32>,
        %add3A_91 = arith.addf %gather3A_89, %gather3A_90 : vector<16xf32>
        %mul3A_92 = arith.constant 2.000000e-01 : f32
        %mul3A_93 = vector.broadcast %mul3A_92 : f32 to vector<16xf32>
        %mul3A_94 = arith.mulf %mul3A_93, %add3A_91 : vector<16xf32>
        %max3A_95 = arith.maximumf %add3A_91, %mul3A_94 : vector<16xf32>
        %get3A_96 = arith.constant 0 : index
        %get3A_97 = tpu.vector_load %arg14[%get3A_96] {strides = array<i32>} : memref<16xf32, #tpu.memory_space<vmem>>, vector<16xf32>,
        %add3A_98 = arith.addf %get3A_97, %gather3A_90 : vector<16xf32>
        %mul3A_99 = arith.constant 2.000000e-01 : f32
        %mul3A_100 = vector.broadcast %mul3A_99 : f32 to vector<16xf32>
        %mul3A_101 = arith.mulf %mul3A_100, %add3A_98 : vector<16xf32>
        %max3A_102 = arith.maximumf %add3A_98, %mul3A_101 : vector<16xf32>
        %sub3A_103 = arith.subf %max3A_95, %max3A_102 : vector<16xf32>
        %exp3A_104 = math.exp %sub3A_103 : vector<16xf32>
        %mul3A_105 = arith.constant 128 : i32
        %mul3A_106 = arith.muli %scan3A_20, %mul3A_105 : i32
        %mul3A_107 = arith.constant 16 : i32
        %mul3A_108 = arith.muli %scan3A_78, %mul3A_107 : i32
        %add3A_109 = arith.addi %mul3A_106, %mul3A_108 : i32
        %iota3A_110 = tpu.iota {dimensions = array<i32: 0>} : vector<16xi32>
        %add3A_111 = vector.broadcast %add3A_109 : i32 to vector<16xi32>
        %add3A_112 = arith.addi %add3A_111, %iota3A_110 : vector<16xi32>
        %lt3A_113 = arith.constant 10000 : i32
        %lt3A_114 = vector.broadcast %lt3A_113 : i32 to vector<16xi32>
        %lt3A_115 = arith.cmpi slt, %add3A_112, %lt3A_114 : vector<16xi32>
        %jit3A_116 = arith.constant 0.000000e+00 : f32
        %broadcast_in_dim3A_117 = vector.broadcast %jit3A_116 : f32 to vector<16xf32>
        %select_n3A_118 = arith.select %lt3A_115, %exp3A_104, %broadcast_in_dim3A_117 : vector<16xi1>, vector<16xf32>
        %mul3A_119 = arith.constant 16 : i32
        %mul3A_120 = arith.muli %scan3A_78, %mul3A_119 : i32
        %swap3A_121 = arith.index_cast %mul3A_120 : i32 to index
        %swap3A_122 = tpu.vector_load %arg16[%swap3A_121] {strides = array<i32>} : memref<128xf32, #tpu.memory_space<vmem>>, vector<16xf32>,
        tpu.vector_store %arg16[%swap3A_121], %select_n3A_118 {strides = array<i32>} : memref<128xf32, #tpu.memory_space<vmem>>, vector<16xf32>,
      }
      %scan3A_36 = arith.constant 8 : i32
      %scan3A_37 = arith.constant 0 : i32
      %scan3A_38 = arith.constant 0 : i32
      %scan3A_39 = arith.constant 8 : i32
      %scan3A_40 = arith.addi %scan3A_38, %scan3A_39 : i32
      %scan3A_41 = arith.constant 1 : i32
      scf.for %scan3A_43 = %scan3A_38 to %scan3A_40 step %scan3A_41  : i32 {
        %mul3A_44 = arith.constant 16 : i32
        %mul3A_45 = arith.muli %scan3A_43, %mul3A_44 : i32
        %get3A = arith.index_cast %mul3A_45 : i32 to index
        %get3A_46 = tpu.vector_load %arg16[%get3A] {strides = array<i32>} : memref<128xf32, #tpu.memory_space<vmem>>, vector<16xf32>,
        %mul3A_47 = arith.constant 16 : i32
        %mul3A_48 = arith.muli %scan3A_43, %mul3A_47 : i32
        %slice3A = vector.extract_strided_slice %get3A_46 {offsets = [0], sizes = [1], strides = [1]} : vector<16xf32> to vector<1xf32>
        %squeeze3A = vector.extract %slice3A[0] : f32 from vector<1xf32>
        %add3A_49 = arith.constant 0 : i32
        %add3A_50 = arith.addi %mul3A_48, %add3A_49 : i32
        %get3A_51 = arith.index_cast %add3A_50 : i32 to index
        %get3A_52 = arith.constant 0 : index
        %get3A_53 = tpu.vector_load %arg15[%get3A_51, %get3A_52] {strides = array<i32>} : memref<128x48xf32, #tpu.memory_space<vmem>>, vector<16xf32>,
        %mul3A_54 = vector.broadcast %squeeze3A : f32 to vector<16xf32>
        %mul3A_55 = arith.mulf %get3A_53, %mul3A_54 : vector<16xf32>
        %swap3A = arith.index_cast %add3A_50 : i32 to index
        %swap3A_56 = arith.constant 0 : index
        %swap3A_57 = tpu.vector_load %arg15[%swap3A, %swap3A_56] {strides = array<i32>} : memref<128x48xf32, #tpu.memory_space<vmem>>, vector<16xf32>,
        tpu.vector_store %arg15[%swap3A, %swap3A_56], %mul3A_55 {strides = array<i32>} : memref<128x48xf32, #tpu.memory_space<vmem>>, vector<16xf32>,
        %get3A_58 = arith.index_cast %add3A_50 : i32 to index
        %get3A_59 = arith.constant 16 : index
        %get3A_60 = tpu.vector_load %arg15[%get3A_58, %get3A_59] {strides = array<i32>} : memref<128x48xf32, #tpu.memory_space<vmem>>, vector<16xf32>,
        %mul3A_61 = vector.broadcast %squeeze3A : f32 to vector<16xf32>
        %mul3A_62 = arith.mulf %get3A_60, %mul3A_61 : vector<16xf32>
        %swap3A_63 = arith.index_cast %add3A_50 : i32 to index
        %swap3A_64 = arith.constant 16 : index
        %swap3A_65 = tpu.vector_load %arg15[%swap3A_63, %swap3A_64] {strides = array<i32>} : memref<128x48xf32, #tpu.memory_space<vmem>>, vector<16xf32>,
        tpu.vector_store %arg15[%swap3A_63, %swap3A_64], %mul3A_62 {strides = array<i32>} : memref<128x48xf32, #tpu.memory_space<vmem>>, vector<16xf32>,
        %get3A_66 = arith.index_cast %add3A_50 : i32 to index
        %get3A_67 = arith.constant 32 : index
        %get3A_68 = tpu.vector_load %arg15[%get3A_66, %get3A_67] {strides = array<i32>} : memref<128x48xf32, #tpu.memory_space<vmem>>, vector<16xf32>,
        %mul3A_69 = vector.broadcast %squeeze3A : f32 to vector<16xf32>
        %mul3A_70 = arith.mulf %get3A_68, %mul3A_69 : vector<16xf32>
        %swap3A_71 = arith.index_cast %add3A_50 : i32 to index
        %swap3A_72 = arith.constant 32 : index
        %swap3A_73 = tpu.vector_load %arg15[%swap3A_71, %swap3A_72] {strides = array<i32>} : memref<128x48xf32, #tpu.memory_space<vmem>>, vector<16xf32>,
        tpu.vector_store %arg15[%swap3A_71, %swap3A_72], %mul3A_70 {strides = array<i32>} : memref<128x48xf32, #tpu.memory_space<vmem>>, vector<16xf32>,
        %slice3A_74 = vector.extract_strided_slice %get3A_46 {offsets = [1], sizes = [1], strides = [1]} : vector<16xf32> to vector<1xf32>
        %squeeze3A_75 = vector.extract %slice3A_74[0] : f32 from vector<1xf32>
        %add3A_76 = arith.constant 1 : i32
        %add3A_77 = arith.addi %mul3A_48, %add3A_76 : i32
        %get3A_78 = arith.index_cast %add3A_77 : i32 to index
        %get3A_79 = arith.constant 0 : index
        %get3A_80 = tpu.vector_load %arg15[%get3A_78, %get3A_79] {strides = array<i32>} : memref<128x48xf32, #tpu.memory_space<vmem>>, vector<16xf32>,
        %mul3A_81 = vector.broadcast %squeeze3A_75 : f32 to vector<16xf32>
        %mul3A_82 = arith.mulf %get3A_80, %mul3A_81 : vector<16xf32>
        %swap3A_83 = arith.index_cast %add3A_77 : i32 to index
        %swap3A_84 = arith.constant 0 : index
        %swap3A_85 = tpu.vector_load %arg15[%swap3A_83, %swap3A_84] {strides = array<i32>} : memref<128x48xf32, #tpu.memory_space<vmem>>, vector<16xf32>,
        tpu.vector_store %arg15[%swap3A_83, %swap3A_84], %mul3A_82 {strides = array<i32>} : memref<128x48xf32, #tpu.memory_space<vmem>>, vector<16xf32>,
        %get3A_86 = arith.index_cast %add3A_77 : i32 to index
        %get3A_87 = arith.constant 16 : index
        %get3A_88 = tpu.vector_load %arg15[%get3A_86, %get3A_87] {strides = array<i32>} : memref<128x48xf32, #tpu.memory_space<vmem>>, vector<16xf32>,
        %mul3A_89 = vector.broadcast %squeeze3A_75 : f32 to vector<16xf32>
        %mul3A_90 = arith.mulf %get3A_88, %mul3A_89 : vector<16xf32>
        %swap3A_91 = arith.index_cast %add3A_77 : i32 to index
        %swap3A_92 = arith.constant 16 : index
        %swap3A_93 = tpu.vector_load %arg15[%swap3A_91, %swap3A_92] {strides = array<i32>} : memref<128x48xf32, #tpu.memory_space<vmem>>, vector<16xf32>,
        tpu.vector_store %arg15[%swap3A_91, %swap3A_92], %mul3A_90 {strides = array<i32>} : memref<128x48xf32, #tpu.memory_space<vmem>>, vector<16xf32>,
        %get3A_94 = arith.index_cast %add3A_77 : i32 to index
        %get3A_95 = arith.constant 32 : index
        %get3A_96 = tpu.vector_load %arg15[%get3A_94, %get3A_95] {strides = array<i32>} : memref<128x48xf32, #tpu.memory_space<vmem>>, vector<16xf32>,
        %mul3A_97 = vector.broadcast %squeeze3A_75 : f32 to vector<16xf32>
        %mul3A_98 = arith.mulf %get3A_96, %mul3A_97 : vector<16xf32>
        %swap3A_99 = arith.index_cast %add3A_77 : i32 to index
        %swap3A_100 = arith.constant 32 : index
        %swap3A_101 = tpu.vector_load %arg15[%swap3A_99, %swap3A_100] {strides = array<i32>} : memref<128x48xf32, #tpu.memory_space<vmem>>, vector<16xf32>,
        tpu.vector_store %arg15[%swap3A_99, %swap3A_100], %mul3A_98 {strides = array<i32>} : memref<128x48xf32, #tpu.memory_space<vmem>>, vector<16xf32>,
        %slice3A_102 = vector.extract_strided_slice %get3A_46 {offsets = [2], sizes = [1], strides = [1]} : vector<16xf32> to vector<1xf32>
        %squeeze3A_103 = vector.extract %slice3A_102[0] : f32 from vector<1xf32>
        %add3A_104 = arith.constant 2 : i32
        %add3A_105 = arith.addi %mul3A_48, %add3A_104 : i32
        %get3A_106 = arith.index_cast %add3A_105 : i32 to index
        %get3A_107 = arith.constant 0 : index
        %get3A_108 = tpu.vector_load %arg15[%get3A_106, %get3A_107] {strides = array<i32>} : memref<128x48xf32, #tpu.memory_space<vmem>>, vector<16xf32>,
        %mul3A_109 = vector.broadcast %squeeze3A_103 : f32 to vector<16xf32>
        %mul3A_110 = arith.mulf %get3A_108, %mul3A_109 : vector<16xf32>
        %swap3A_111 = arith.index_cast %add3A_105 : i32 to index
        %swap3A_112 = arith.constant 0 : index
        %swap3A_113 = tpu.vector_load %arg15[%swap3A_111, %swap3A_112] {strides = array<i32>} : memref<128x48xf32, #tpu.memory_space<vmem>>, vector<16xf32>,
        tpu.vector_store %arg15[%swap3A_111, %swap3A_112], %mul3A_110 {strides = array<i32>} : memref<128x48xf32, #tpu.memory_space<vmem>>, vector<16xf32>,
        %get3A_114 = arith.index_cast %add3A_105 : i32 to index
        %get3A_115 = arith.constant 16 : index
        %get3A_116 = tpu.vector_load %arg15[%get3A_114, %get3A_115] {strides = array<i32>} : memref<128x48xf32, #tpu.memory_space<vmem>>, vector<16xf32>,
        %mul3A_117 = vector.broadcast %squeeze3A_103 : f32 to vector<16xf32>
        %mul3A_118 = arith.mulf %get3A_116, %mul3A_117 : vector<16xf32>
        %swap3A_119 = arith.index_cast %add3A_105 : i32 to index
        %swap3A_120 = arith.constant 16 : index
        %swap3A_121 = tpu.vector_load %arg15[%swap3A_119, %swap3A_120] {strides = array<i32>} : memref<128x48xf32, #tpu.memory_space<vmem>>, vector<16xf32>,
        tpu.vector_store %arg15[%swap3A_119, %swap3A_120], %mul3A_118 {strides = array<i32>} : memref<128x48xf32, #tpu.memory_space<vmem>>, vector<16xf32>,
        %get3A_122 = arith.index_cast %add3A_105 : i32 to index
        %get3A_123 = arith.constant 32 : index
        %get3A_124 = tpu.vector_load %arg15[%get3A_122, %get3A_123] {strides = array<i32>} : memref<128x48xf32, #tpu.memory_space<vmem>>, vector<16xf32>,
        %mul3A_125 = vector.broadcast %squeeze3A_103 : f32 to vector<16xf32>
        %mul3A_126 = arith.mulf %get3A_124, %mul3A_125 : vector<16xf32>
        %swap3A_127 = arith.index_cast %add3A_105 : i32 to index
        %swap3A_128 = arith.constant 32 : index
        %swap3A_129 = tpu.vector_load %arg15[%swap3A_127, %swap3A_128] {strides = array<i32>} : memref<128x48xf32, #tpu.memory_space<vmem>>, vector<16xf32>,
        tpu.vector_store %arg15[%swap3A_127, %swap3A_128], %mul3A_126 {strides = array<i32>} : memref<128x48xf32, #tpu.memory_space<vmem>>, vector<16xf32>,
        %slice3A_130 = vector.extract_strided_slice %get3A_46 {offsets = [3], sizes = [1], strides = [1]} : vector<16xf32> to vector<1xf32>
        %squeeze3A_131 = vector.extract %slice3A_130[0] : f32 from vector<1xf32>
        %add3A_132 = arith.constant 3 : i32
        %add3A_133 = arith.addi %mul3A_48, %add3A_132 : i32
        %get3A_134 = arith.index_cast %add3A_133 : i32 to index
        %get3A_135 = arith.constant 0 : index
        %get3A_136 = tpu.vector_load %arg15[%get3A_134, %get3A_135] {strides = array<i32>} : memref<128x48xf32, #tpu.memory_space<vmem>>, vector<16xf32>,
        %mul3A_137 = vector.broadcast %squeeze3A_131 : f32 to vector<16xf32>
        %mul3A_138 = arith.mulf %get3A_136, %mul3A_137 : vector<16xf32>
        %swap3A_139 = arith.index_cast %add3A_133 : i32 to index
        %swap3A_140 = arith.constant 0 : index
        %swap3A_141 = tpu.vector_load %arg15[%swap3A_139, %swap3A_140] {strides = array<i32>} : memref<128x48xf32, #tpu.memory_space<vmem>>, vector<16xf32>,
        tpu.vector_store %arg15[%swap3A_139, %swap3A_140], %mul3A_138 {strides = array<i32>} : memref<128x48xf32, #tpu.memory_space<vmem>>, vector<16xf32>,
        %get3A_142 = arith.index_cast %add3A_133 : i32 to index
        %get3A_143 = arith.constant 16 : index
        %get3A_144 = tpu.vector_load %arg15[%get3A_142, %get3A_143] {strides = array<i32>} : memref<128x48xf32, #tpu.memory_space<vmem>>, vector<16xf32>,
        %mul3A_145 = vector.broadcast %squeeze3A_131 : f32 to vector<16xf32>
        %mul3A_146 = arith.mulf %get3A_144, %mul3A_145 : vector<16xf32>
        %swap3A_147 = arith.index_cast %add3A_133 : i32 to index
        %swap3A_148 = arith.constant 16 : index
        %swap3A_149 = tpu.vector_load %arg15[%swap3A_147, %swap3A_148] {strides = array<i32>} : memref<128x48xf32, #tpu.memory_space<vmem>>, vector<16xf32>,
        tpu.vector_store %arg15[%swap3A_147, %swap3A_148], %mul3A_146 {strides = array<i32>} : memref<128x48xf32, #tpu.memory_space<vmem>>, vector<16xf32>,
        %get3A_150 = arith.index_cast %add3A_133 : i32 to index
        %get3A_151 = arith.constant 32 : index
        %get3A_152 = tpu.vector_load %arg15[%get3A_150, %get3A_151] {strides = array<i32>} : memref<128x48xf32, #tpu.memory_space<vmem>>, vector<16xf32>,
        %mul3A_153 = vector.broadcast %squeeze3A_131 : f32 to vector<16xf32>
        %mul3A_154 = arith.mulf %get3A_152, %mul3A_153 : vector<16xf32>
        %swap3A_155 = arith.index_cast %add3A_133 : i32 to index
        %swap3A_156 = arith.constant 32 : index
        %swap3A_157 = tpu.vector_load %arg15[%swap3A_155, %swap3A_156] {strides = array<i32>} : memref<128x48xf32, #tpu.memory_space<vmem>>, vector<16xf32>,
        tpu.vector_store %arg15[%swap3A_155, %swap3A_156], %mul3A_154 {strides = array<i32>} : memref<128x48xf32, #tpu.memory_space<vmem>>, vector<16xf32>,
        %slice3A_158 = vector.extract_strided_slice %get3A_46 {offsets = [4], sizes = [1], strides = [1]} : vector<16xf32> to vector<1xf32>
        %squeeze3A_159 = vector.extract %slice3A_158[0] : f32 from vector<1xf32>
        %add3A_160 = arith.constant 4 : i32
        %add3A_161 = arith.addi %mul3A_48, %add3A_160 : i32
        %get3A_162 = arith.index_cast %add3A_161 : i32 to index
        %get3A_163 = arith.constant 0 : index
        %get3A_164 = tpu.vector_load %arg15[%get3A_162, %get3A_163] {strides = array<i32>} : memref<128x48xf32, #tpu.memory_space<vmem>>, vector<16xf32>,
        %mul3A_165 = vector.broadcast %squeeze3A_159 : f32 to vector<16xf32>
        %mul3A_166 = arith.mulf %get3A_164, %mul3A_165 : vector<16xf32>
        %swap3A_167 = arith.index_cast %add3A_161 : i32 to index
        %swap3A_168 = arith.constant 0 : index
        %swap3A_169 = tpu.vector_load %arg15[%swap3A_167, %swap3A_168] {strides = array<i32>} : memref<128x48xf32, #tpu.memory_space<vmem>>, vector<16xf32>,
        tpu.vector_store %arg15[%swap3A_167, %swap3A_168], %mul3A_166 {strides = array<i32>} : memref<128x48xf32, #tpu.memory_space<vmem>>, vector<16xf32>,
        %get3A_170 = arith.index_cast %add3A_161 : i32 to index
        %get3A_171 = arith.constant 16 : index
        %get3A_172 = tpu.vector_load %arg15[%get3A_170, %get3A_171] {strides = array<i32>} : memref<128x48xf32, #tpu.memory_space<vmem>>, vector<16xf32>,
        %mul3A_173 = vector.broadcast %squeeze3A_159 : f32 to vector<16xf32>
        %mul3A_174 = arith.mulf %get3A_172, %mul3A_173 : vector<16xf32>
        %swap3A_175 = arith.index_cast %add3A_161 : i32 to index
        %swap3A_176 = arith.constant 16 : index
        %swap3A_177 = tpu.vector_load %arg15[%swap3A_175, %swap3A_176] {strides = array<i32>} : memref<128x48xf32, #tpu.memory_space<vmem>>, vector<16xf32>,
        tpu.vector_store %arg15[%swap3A_175, %swap3A_176], %mul3A_174 {strides = array<i32>} : memref<128x48xf32, #tpu.memory_space<vmem>>, vector<16xf32>,
        %get3A_178 = arith.index_cast %add3A_161 : i32 to index
        %get3A_179 = arith.constant 32 : index
        %get3A_180 = tpu.vector_load %arg15[%get3A_178, %get3A_179] {strides = array<i32>} : memref<128x48xf32, #tpu.memory_space<vmem>>, vector<16xf32>,
        %mul3A_181 = vector.broadcast %squeeze3A_159 : f32 to vector<16xf32>
        %mul3A_182 = arith.mulf %get3A_180, %mul3A_181 : vector<16xf32>
        %swap3A_183 = arith.index_cast %add3A_161 : i32 to index
        %swap3A_184 = arith.constant 32 : index
        %swap3A_185 = tpu.vector_load %arg15[%swap3A_183, %swap3A_184] {strides = array<i32>} : memref<128x48xf32, #tpu.memory_space<vmem>>, vector<16xf32>,
        tpu.vector_store %arg15[%swap3A_183, %swap3A_184], %mul3A_182 {strides = array<i32>} : memref<128x48xf32, #tpu.memory_space<vmem>>, vector<16xf32>,
        %slice3A_186 = vector.extract_strided_slice %get3A_46 {offsets = [5], sizes = [1], strides = [1]} : vector<16xf32> to vector<1xf32>
        %squeeze3A_187 = vector.extract %slice3A_186[0] : f32 from vector<1xf32>
        %add3A_188 = arith.constant 5 : i32
        %add3A_189 = arith.addi %mul3A_48, %add3A_188 : i32
        %get3A_190 = arith.index_cast %add3A_189 : i32 to index
        %get3A_191 = arith.constant 0 : index
        %get3A_192 = tpu.vector_load %arg15[%get3A_190, %get3A_191] {strides = array<i32>} : memref<128x48xf32, #tpu.memory_space<vmem>>, vector<16xf32>,
        %mul3A_193 = vector.broadcast %squeeze3A_187 : f32 to vector<16xf32>
        %mul3A_194 = arith.mulf %get3A_192, %mul3A_193 : vector<16xf32>
        %swap3A_195 = arith.index_cast %add3A_189 : i32 to index
        %swap3A_196 = arith.constant 0 : index
        %swap3A_197 = tpu.vector_load %arg15[%swap3A_195, %swap3A_196] {strides = array<i32>} : memref<128x48xf32, #tpu.memory_space<vmem>>, vector<16xf32>,
        tpu.vector_store %arg15[%swap3A_195, %swap3A_196], %mul3A_194 {strides = array<i32>} : memref<128x48xf32, #tpu.memory_space<vmem>>, vector<16xf32>,
        %get3A_198 = arith.index_cast %add3A_189 : i32 to index
        %get3A_199 = arith.constant 16 : index
        %get3A_200 = tpu.vector_load %arg15[%get3A_198, %get3A_199] {strides = array<i32>} : memref<128x48xf32, #tpu.memory_space<vmem>>, vector<16xf32>,
        %mul3A_201 = vector.broadcast %squeeze3A_187 : f32 to vector<16xf32>
        %mul3A_202 = arith.mulf %get3A_200, %mul3A_201 : vector<16xf32>
        %swap3A_203 = arith.index_cast %add3A_189 : i32 to index
        %swap3A_204 = arith.constant 16 : index
        %swap3A_205 = tpu.vector_load %arg15[%swap3A_203, %swap3A_204] {strides = array<i32>} : memref<128x48xf32, #tpu.memory_space<vmem>>, vector<16xf32>,
        tpu.vector_store %arg15[%swap3A_203, %swap3A_204], %mul3A_202 {strides = array<i32>} : memref<128x48xf32, #tpu.memory_space<vmem>>, vector<16xf32>,
        %get3A_206 = arith.index_cast %add3A_189 : i32 to index
        %get3A_207 = arith.constant 32 : index
        %get3A_208 = tpu.vector_load %arg15[%get3A_206, %get3A_207] {strides = array<i32>} : memref<128x48xf32, #tpu.memory_space<vmem>>, vector<16xf32>,
        %mul3A_209 = vector.broadcast %squeeze3A_187 : f32 to vector<16xf32>
        %mul3A_210 = arith.mulf %get3A_208, %mul3A_209 : vector<16xf32>
        %swap3A_211 = arith.index_cast %add3A_189 : i32 to index
        %swap3A_212 = arith.constant 32 : index
        %swap3A_213 = tpu.vector_load %arg15[%swap3A_211, %swap3A_212] {strides = array<i32>} : memref<128x48xf32, #tpu.memory_space<vmem>>, vector<16xf32>,
        tpu.vector_store %arg15[%swap3A_211, %swap3A_212], %mul3A_210 {strides = array<i32>} : memref<128x48xf32, #tpu.memory_space<vmem>>, vector<16xf32>,
        %slice3A_214 = vector.extract_strided_slice %get3A_46 {offsets = [6], sizes = [1], strides = [1]} : vector<16xf32> to vector<1xf32>
        %squeeze3A_215 = vector.extract %slice3A_214[0] : f32 from vector<1xf32>
        %add3A_216 = arith.constant 6 : i32
        %add3A_217 = arith.addi %mul3A_48, %add3A_216 : i32
        %get3A_218 = arith.index_cast %add3A_217 : i32 to index
        %get3A_219 = arith.constant 0 : index
        %get3A_220 = tpu.vector_load %arg15[%get3A_218, %get3A_219] {strides = array<i32>} : memref<128x48xf32, #tpu.memory_space<vmem>>, vector<16xf32>,
        %mul3A_221 = vector.broadcast %squeeze3A_215 : f32 to vector<16xf32>
        %mul3A_222 = arith.mulf %get3A_220, %mul3A_221 : vector<16xf32>
        %swap3A_223 = arith.index_cast %add3A_217 : i32 to index
        %swap3A_224 = arith.constant 0 : index
        %swap3A_225 = tpu.vector_load %arg15[%swap3A_223, %swap3A_224] {strides = array<i32>} : memref<128x48xf32, #tpu.memory_space<vmem>>, vector<16xf32>,
        tpu.vector_store %arg15[%swap3A_223, %swap3A_224], %mul3A_222 {strides = array<i32>} : memref<128x48xf32, #tpu.memory_space<vmem>>, vector<16xf32>,
        %get3A_226 = arith.index_cast %add3A_217 : i32 to index
        %get3A_227 = arith.constant 16 : index
        %get3A_228 = tpu.vector_load %arg15[%get3A_226, %get3A_227] {strides = array<i32>} : memref<128x48xf32, #tpu.memory_space<vmem>>, vector<16xf32>,
        %mul3A_229 = vector.broadcast %squeeze3A_215 : f32 to vector<16xf32>
        %mul3A_230 = arith.mulf %get3A_228, %mul3A_229 : vector<16xf32>
        %swap3A_231 = arith.index_cast %add3A_217 : i32 to index
        %swap3A_232 = arith.constant 16 : index
        %swap3A_233 = tpu.vector_load %arg15[%swap3A_231, %swap3A_232] {strides = array<i32>} : memref<128x48xf32, #tpu.memory_space<vmem>>, vector<16xf32>,
        tpu.vector_store %arg15[%swap3A_231, %swap3A_232], %mul3A_230 {strides = array<i32>} : memref<128x48xf32, #tpu.memory_space<vmem>>, vector<16xf32>,
        %get3A_234 = arith.index_cast %add3A_217 : i32 to index
        %get3A_235 = arith.constant 32 : index
        %get3A_236 = tpu.vector_load %arg15[%get3A_234, %get3A_235] {strides = array<i32>} : memref<128x48xf32, #tpu.memory_space<vmem>>, vector<16xf32>,
        %mul3A_237 = vector.broadcast %squeeze3A_215 : f32 to vector<16xf32>
        %mul3A_238 = arith.mulf %get3A_236, %mul3A_237 : vector<16xf32>
        %swap3A_239 = arith.index_cast %add3A_217 : i32 to index
        %swap3A_240 = arith.constant 32 : index
        %swap3A_241 = tpu.vector_load %arg15[%swap3A_239, %swap3A_240] {strides = array<i32>} : memref<128x48xf32, #tpu.memory_space<vmem>>, vector<16xf32>,
        tpu.vector_store %arg15[%swap3A_239, %swap3A_240], %mul3A_238 {strides = array<i32>} : memref<128x48xf32, #tpu.memory_space<vmem>>, vector<16xf32>,
        %slice3A_242 = vector.extract_strided_slice %get3A_46 {offsets = [7], sizes = [1], strides = [1]} : vector<16xf32> to vector<1xf32>
        %squeeze3A_243 = vector.extract %slice3A_242[0] : f32 from vector<1xf32>
        %add3A_244 = arith.constant 7 : i32
        %add3A_245 = arith.addi %mul3A_48, %add3A_244 : i32
        %get3A_246 = arith.index_cast %add3A_245 : i32 to index
        %get3A_247 = arith.constant 0 : index
        %get3A_248 = tpu.vector_load %arg15[%get3A_246, %get3A_247] {strides = array<i32>} : memref<128x48xf32, #tpu.memory_space<vmem>>, vector<16xf32>,
        %mul3A_249 = vector.broadcast %squeeze3A_243 : f32 to vector<16xf32>
        %mul3A_250 = arith.mulf %get3A_248, %mul3A_249 : vector<16xf32>
        %swap3A_251 = arith.index_cast %add3A_245 : i32 to index
        %swap3A_252 = arith.constant 0 : index
        %swap3A_253 = tpu.vector_load %arg15[%swap3A_251, %swap3A_252] {strides = array<i32>} : memref<128x48xf32, #tpu.memory_space<vmem>>, vector<16xf32>,
        tpu.vector_store %arg15[%swap3A_251, %swap3A_252], %mul3A_250 {strides = array<i32>} : memref<128x48xf32, #tpu.memory_space<vmem>>, vector<16xf32>,
        %get3A_254 = arith.index_cast %add3A_245 : i32 to index
        %get3A_255 = arith.constant 16 : index
        %get3A_256 = tpu.vector_load %arg15[%get3A_254, %get3A_255] {strides = array<i32>} : memref<128x48xf32, #tpu.memory_space<vmem>>, vector<16xf32>,
        %mul3A_257 = vector.broadcast %squeeze3A_243 : f32 to vector<16xf32>
        %mul3A_258 = arith.mulf %get3A_256, %mul3A_257 : vector<16xf32>
        %swap3A_259 = arith.index_cast %add3A_245 : i32 to index
        %swap3A_260 = arith.constant 16 : index
        %swap3A_261 = tpu.vector_load %arg15[%swap3A_259, %swap3A_260] {strides = array<i32>} : memref<128x48xf32, #tpu.memory_space<vmem>>, vector<16xf32>,
        tpu.vector_store %arg15[%swap3A_259, %swap3A_260], %mul3A_258 {strides = array<i32>} : memref<128x48xf32, #tpu.memory_space<vmem>>, vector<16xf32>,
        %get3A_262 = arith.index_cast %add3A_245 : i32 to index
        %get3A_263 = arith.constant 32 : index
        %get3A_264 = tpu.vector_load %arg15[%get3A_262, %get3A_263] {strides = array<i32>} : memref<128x48xf32, #tpu.memory_space<vmem>>, vector<16xf32>,
        %mul3A_265 = vector.broadcast %squeeze3A_243 : f32 to vector<16xf32>
        %mul3A_266 = arith.mulf %get3A_264, %mul3A_265 : vector<16xf32>
        %swap3A_267 = arith.index_cast %add3A_245 : i32 to index
        %swap3A_268 = arith.constant 32 : index
        %swap3A_269 = tpu.vector_load %arg15[%swap3A_267, %swap3A_268] {strides = array<i32>} : memref<128x48xf32, #tpu.memory_space<vmem>>, vector<16xf32>,
        tpu.vector_store %arg15[%swap3A_267, %swap3A_268], %mul3A_266 {strides = array<i32>} : memref<128x48xf32, #tpu.memory_space<vmem>>, vector<16xf32>,
        %slice3A_270 = vector.extract_strided_slice %get3A_46 {offsets = [8], sizes = [1], strides = [1]} : vector<16xf32> to vector<1xf32>
        %squeeze3A_271 = vector.extract %slice3A_270[0] : f32 from vector<1xf32>
        %add3A_272 = arith.constant 8 : i32
        %add3A_273 = arith.addi %mul3A_48, %add3A_272 : i32
        %get3A_274 = arith.index_cast %add3A_273 : i32 to index
        %get3A_275 = arith.constant 0 : index
        %get3A_276 = tpu.vector_load %arg15[%get3A_274, %get3A_275] {strides = array<i32>} : memref<128x48xf32, #tpu.memory_space<vmem>>, vector<16xf32>,
        %mul3A_277 = vector.broadcast %squeeze3A_271 : f32 to vector<16xf32>
        %mul3A_278 = arith.mulf %get3A_276, %mul3A_277 : vector<16xf32>
        %swap3A_279 = arith.index_cast %add3A_273 : i32 to index
        %swap3A_280 = arith.constant 0 : index
        %swap3A_281 = tpu.vector_load %arg15[%swap3A_279, %swap3A_280] {strides = array<i32>} : memref<128x48xf32, #tpu.memory_space<vmem>>, vector<16xf32>,
        tpu.vector_store %arg15[%swap3A_279, %swap3A_280], %mul3A_278 {strides = array<i32>} : memref<128x48xf32, #tpu.memory_space<vmem>>, vector<16xf32>,
        %get3A_282 = arith.index_cast %add3A_273 : i32 to index
        %get3A_283 = arith.constant 16 : index
        %get3A_284 = tpu.vector_load %arg15[%get3A_282, %get3A_283] {strides = array<i32>} : memref<128x48xf32, #tpu.memory_space<vmem>>, vector<16xf32>,
        %mul3A_285 = vector.broadcast %squeeze3A_271 : f32 to vector<16xf32>
        %mul3A_286 = arith.mulf %get3A_284, %mul3A_285 : vector<16xf32>
        %swap3A_287 = arith.index_cast %add3A_273 : i32 to index
        %swap3A_288 = arith.constant 16 : index
        %swap3A_289 = tpu.vector_load %arg15[%swap3A_287, %swap3A_288] {strides = array<i32>} : memref<128x48xf32, #tpu.memory_space<vmem>>, vector<16xf32>,
        tpu.vector_store %arg15[%swap3A_287, %swap3A_288], %mul3A_286 {strides = array<i32>} : memref<128x48xf32, #tpu.memory_space<vmem>>, vector<16xf32>,
        %get3A_290 = arith.index_cast %add3A_273 : i32 to index
        %get3A_291 = arith.constant 32 : index
        %get3A_292 = tpu.vector_load %arg15[%get3A_290, %get3A_291] {strides = array<i32>} : memref<128x48xf32, #tpu.memory_space<vmem>>, vector<16xf32>,
        %mul3A_293 = vector.broadcast %squeeze3A_271 : f32 to vector<16xf32>
        %mul3A_294 = arith.mulf %get3A_292, %mul3A_293 : vector<16xf32>
        %swap3A_295 = arith.index_cast %add3A_273 : i32 to index
        %swap3A_296 = arith.constant 32 : index
        %swap3A_297 = tpu.vector_load %arg15[%swap3A_295, %swap3A_296] {strides = array<i32>} : memref<128x48xf32, #tpu.memory_space<vmem>>, vector<16xf32>,
        tpu.vector_store %arg15[%swap3A_295, %swap3A_296], %mul3A_294 {strides = array<i32>} : memref<128x48xf32, #tpu.memory_space<vmem>>, vector<16xf32>,
        %slice3A_298 = vector.extract_strided_slice %get3A_46 {offsets = [9], sizes = [1], strides = [1]} : vector<16xf32> to vector<1xf32>
        %squeeze3A_299 = vector.extract %slice3A_298[0] : f32 from vector<1xf32>
        %add3A_300 = arith.constant 9 : i32
        %add3A_301 = arith.addi %mul3A_48, %add3A_300 : i32
        %get3A_302 = arith.index_cast %add3A_301 : i32 to index
        %get3A_303 = arith.constant 0 : index
        %get3A_304 = tpu.vector_load %arg15[%get3A_302, %get3A_303] {strides = array<i32>} : memref<128x48xf32, #tpu.memory_space<vmem>>, vector<16xf32>,
        %mul3A_305 = vector.broadcast %squeeze3A_299 : f32 to vector<16xf32>
        %mul3A_306 = arith.mulf %get3A_304, %mul3A_305 : vector<16xf32>
        %swap3A_307 = arith.index_cast %add3A_301 : i32 to index
        %swap3A_308 = arith.constant 0 : index
        %swap3A_309 = tpu.vector_load %arg15[%swap3A_307, %swap3A_308] {strides = array<i32>} : memref<128x48xf32, #tpu.memory_space<vmem>>, vector<16xf32>,
        tpu.vector_store %arg15[%swap3A_307, %swap3A_308], %mul3A_306 {strides = array<i32>} : memref<128x48xf32, #tpu.memory_space<vmem>>, vector<16xf32>,
        %get3A_310 = arith.index_cast %add3A_301 : i32 to index
        %get3A_311 = arith.constant 16 : index
        %get3A_312 = tpu.vector_load %arg15[%get3A_310, %get3A_311] {strides = array<i32>} : memref<128x48xf32, #tpu.memory_space<vmem>>, vector<16xf32>,
        %mul3A_313 = vector.broadcast %squeeze3A_299 : f32 to vector<16xf32>
        %mul3A_314 = arith.mulf %get3A_312, %mul3A_313 : vector<16xf32>
        %swap3A_315 = arith.index_cast %add3A_301 : i32 to index
        %swap3A_316 = arith.constant 16 : index
        %swap3A_317 = tpu.vector_load %arg15[%swap3A_315, %swap3A_316] {strides = array<i32>} : memref<128x48xf32, #tpu.memory_space<vmem>>, vector<16xf32>,
        tpu.vector_store %arg15[%swap3A_315, %swap3A_316], %mul3A_314 {strides = array<i32>} : memref<128x48xf32, #tpu.memory_space<vmem>>, vector<16xf32>,
        %get3A_318 = arith.index_cast %add3A_301 : i32 to index
        %get3A_319 = arith.constant 32 : index
        %get3A_320 = tpu.vector_load %arg15[%get3A_318, %get3A_319] {strides = array<i32>} : memref<128x48xf32, #tpu.memory_space<vmem>>, vector<16xf32>,
        %mul3A_321 = vector.broadcast %squeeze3A_299 : f32 to vector<16xf32>
        %mul3A_322 = arith.mulf %get3A_320, %mul3A_321 : vector<16xf32>
        %swap3A_323 = arith.index_cast %add3A_301 : i32 to index
        %swap3A_324 = arith.constant 32 : index
        %swap3A_325 = tpu.vector_load %arg15[%swap3A_323, %swap3A_324] {strides = array<i32>} : memref<128x48xf32, #tpu.memory_space<vmem>>, vector<16xf32>,
        tpu.vector_store %arg15[%swap3A_323, %swap3A_324], %mul3A_322 {strides = array<i32>} : memref<128x48xf32, #tpu.memory_space<vmem>>, vector<16xf32>,
        %slice3A_326 = vector.extract_strided_slice %get3A_46 {offsets = [10], sizes = [1], strides = [1]} : vector<16xf32> to vector<1xf32>
        %squeeze3A_327 = vector.extract %slice3A_326[0] : f32 from vector<1xf32>
        %add3A_328 = arith.constant 10 : i32
        %add3A_329 = arith.addi %mul3A_48, %add3A_328 : i32
        %get3A_330 = arith.index_cast %add3A_329 : i32 to index
        %get3A_331 = arith.constant 0 : index
        %get3A_332 = tpu.vector_load %arg15[%get3A_330, %get3A_331] {strides = array<i32>} : memref<128x48xf32, #tpu.memory_space<vmem>>, vector<16xf32>,
        %mul3A_333 = vector.broadcast %squeeze3A_327 : f32 to vector<16xf32>
        %mul3A_334 = arith.mulf %get3A_332, %mul3A_333 : vector<16xf32>
        %swap3A_335 = arith.index_cast %add3A_329 : i32 to index
        %swap3A_336 = arith.constant 0 : index
        %swap3A_337 = tpu.vector_load %arg15[%swap3A_335, %swap3A_336] {strides = array<i32>} : memref<128x48xf32, #tpu.memory_space<vmem>>, vector<16xf32>,
        tpu.vector_store %arg15[%swap3A_335, %swap3A_336], %mul3A_334 {strides = array<i32>} : memref<128x48xf32, #tpu.memory_space<vmem>>, vector<16xf32>,
        %get3A_338 = arith.index_cast %add3A_329 : i32 to index
        %get3A_339 = arith.constant 16 : index
        %get3A_340 = tpu.vector_load %arg15[%get3A_338, %get3A_339] {strides = array<i32>} : memref<128x48xf32, #tpu.memory_space<vmem>>, vector<16xf32>,
        %mul3A_341 = vector.broadcast %squeeze3A_327 : f32 to vector<16xf32>
        %mul3A_342 = arith.mulf %get3A_340, %mul3A_341 : vector<16xf32>
        %swap3A_343 = arith.index_cast %add3A_329 : i32 to index
        %swap3A_344 = arith.constant 16 : index
        %swap3A_345 = tpu.vector_load %arg15[%swap3A_343, %swap3A_344] {strides = array<i32>} : memref<128x48xf32, #tpu.memory_space<vmem>>, vector<16xf32>,
        tpu.vector_store %arg15[%swap3A_343, %swap3A_344], %mul3A_342 {strides = array<i32>} : memref<128x48xf32, #tpu.memory_space<vmem>>, vector<16xf32>,
        %get3A_346 = arith.index_cast %add3A_329 : i32 to index
        %get3A_347 = arith.constant 32 : index
        %get3A_348 = tpu.vector_load %arg15[%get3A_346, %get3A_347] {strides = array<i32>} : memref<128x48xf32, #tpu.memory_space<vmem>>, vector<16xf32>,
        %mul3A_349 = vector.broadcast %squeeze3A_327 : f32 to vector<16xf32>
        %mul3A_350 = arith.mulf %get3A_348, %mul3A_349 : vector<16xf32>
        %swap3A_351 = arith.index_cast %add3A_329 : i32 to index
        %swap3A_352 = arith.constant 32 : index
        %swap3A_353 = tpu.vector_load %arg15[%swap3A_351, %swap3A_352] {strides = array<i32>} : memref<128x48xf32, #tpu.memory_space<vmem>>, vector<16xf32>,
        tpu.vector_store %arg15[%swap3A_351, %swap3A_352], %mul3A_350 {strides = array<i32>} : memref<128x48xf32, #tpu.memory_space<vmem>>, vector<16xf32>,
        %slice3A_354 = vector.extract_strided_slice %get3A_46 {offsets = [11], sizes = [1], strides = [1]} : vector<16xf32> to vector<1xf32>
        %squeeze3A_355 = vector.extract %slice3A_354[0] : f32 from vector<1xf32>
        %add3A_356 = arith.constant 11 : i32
        %add3A_357 = arith.addi %mul3A_48, %add3A_356 : i32
        %get3A_358 = arith.index_cast %add3A_357 : i32 to index
        %get3A_359 = arith.constant 0 : index
        %get3A_360 = tpu.vector_load %arg15[%get3A_358, %get3A_359] {strides = array<i32>} : memref<128x48xf32, #tpu.memory_space<vmem>>, vector<16xf32>,
        %mul3A_361 = vector.broadcast %squeeze3A_355 : f32 to vector<16xf32>
        %mul3A_362 = arith.mulf %get3A_360, %mul3A_361 : vector<16xf32>
        %swap3A_363 = arith.index_cast %add3A_357 : i32 to index
        %swap3A_364 = arith.constant 0 : index
        %swap3A_365 = tpu.vector_load %arg15[%swap3A_363, %swap3A_364] {strides = array<i32>} : memref<128x48xf32, #tpu.memory_space<vmem>>, vector<16xf32>,
        tpu.vector_store %arg15[%swap3A_363, %swap3A_364], %mul3A_362 {strides = array<i32>} : memref<128x48xf32, #tpu.memory_space<vmem>>, vector<16xf32>,
        %get3A_366 = arith.index_cast %add3A_357 : i32 to index
        %get3A_367 = arith.constant 16 : index
        %get3A_368 = tpu.vector_load %arg15[%get3A_366, %get3A_367] {strides = array<i32>} : memref<128x48xf32, #tpu.memory_space<vmem>>, vector<16xf32>,
        %mul3A_369 = vector.broadcast %squeeze3A_355 : f32 to vector<16xf32>
        %mul3A_370 = arith.mulf %get3A_368, %mul3A_369 : vector<16xf32>
        %swap3A_371 = arith.index_cast %add3A_357 : i32 to index
        %swap3A_372 = arith.constant 16 : index
        %swap3A_373 = tpu.vector_load %arg15[%swap3A_371, %swap3A_372] {strides = array<i32>} : memref<128x48xf32, #tpu.memory_space<vmem>>, vector<16xf32>,
        tpu.vector_store %arg15[%swap3A_371, %swap3A_372], %mul3A_370 {strides = array<i32>} : memref<128x48xf32, #tpu.memory_space<vmem>>, vector<16xf32>,
        %get3A_374 = arith.index_cast %add3A_357 : i32 to index
        %get3A_375 = arith.constant 32 : index
        %get3A_376 = tpu.vector_load %arg15[%get3A_374, %get3A_375] {strides = array<i32>} : memref<128x48xf32, #tpu.memory_space<vmem>>, vector<16xf32>,
        %mul3A_377 = vector.broadcast %squeeze3A_355 : f32 to vector<16xf32>
        %mul3A_378 = arith.mulf %get3A_376, %mul3A_377 : vector<16xf32>
        %swap3A_379 = arith.index_cast %add3A_357 : i32 to index
        %swap3A_380 = arith.constant 32 : index
        %swap3A_381 = tpu.vector_load %arg15[%swap3A_379, %swap3A_380] {strides = array<i32>} : memref<128x48xf32, #tpu.memory_space<vmem>>, vector<16xf32>,
        tpu.vector_store %arg15[%swap3A_379, %swap3A_380], %mul3A_378 {strides = array<i32>} : memref<128x48xf32, #tpu.memory_space<vmem>>, vector<16xf32>,
        %slice3A_382 = vector.extract_strided_slice %get3A_46 {offsets = [12], sizes = [1], strides = [1]} : vector<16xf32> to vector<1xf32>
        %squeeze3A_383 = vector.extract %slice3A_382[0] : f32 from vector<1xf32>
        %add3A_384 = arith.constant 12 : i32
        %add3A_385 = arith.addi %mul3A_48, %add3A_384 : i32
        %get3A_386 = arith.index_cast %add3A_385 : i32 to index
        %get3A_387 = arith.constant 0 : index
        %get3A_388 = tpu.vector_load %arg15[%get3A_386, %get3A_387] {strides = array<i32>} : memref<128x48xf32, #tpu.memory_space<vmem>>, vector<16xf32>,
        %mul3A_389 = vector.broadcast %squeeze3A_383 : f32 to vector<16xf32>
        %mul3A_390 = arith.mulf %get3A_388, %mul3A_389 : vector<16xf32>
        %swap3A_391 = arith.index_cast %add3A_385 : i32 to index
        %swap3A_392 = arith.constant 0 : index
        %swap3A_393 = tpu.vector_load %arg15[%swap3A_391, %swap3A_392] {strides = array<i32>} : memref<128x48xf32, #tpu.memory_space<vmem>>, vector<16xf32>,
        tpu.vector_store %arg15[%swap3A_391, %swap3A_392], %mul3A_390 {strides = array<i32>} : memref<128x48xf32, #tpu.memory_space<vmem>>, vector<16xf32>,
        %get3A_394 = arith.index_cast %add3A_385 : i32 to index
        %get3A_395 = arith.constant 16 : index
        %get3A_396 = tpu.vector_load %arg15[%get3A_394, %get3A_395] {strides = array<i32>} : memref<128x48xf32, #tpu.memory_space<vmem>>, vector<16xf32>,
        %mul3A_397 = vector.broadcast %squeeze3A_383 : f32 to vector<16xf32>
        %mul3A_398 = arith.mulf %get3A_396, %mul3A_397 : vector<16xf32>
        %swap3A_399 = arith.index_cast %add3A_385 : i32 to index
        %swap3A_400 = arith.constant 16 : index
        %swap3A_401 = tpu.vector_load %arg15[%swap3A_399, %swap3A_400] {strides = array<i32>} : memref<128x48xf32, #tpu.memory_space<vmem>>, vector<16xf32>,
        tpu.vector_store %arg15[%swap3A_399, %swap3A_400], %mul3A_398 {strides = array<i32>} : memref<128x48xf32, #tpu.memory_space<vmem>>, vector<16xf32>,
        %get3A_402 = arith.index_cast %add3A_385 : i32 to index
        %get3A_403 = arith.constant 32 : index
        %get3A_404 = tpu.vector_load %arg15[%get3A_402, %get3A_403] {strides = array<i32>} : memref<128x48xf32, #tpu.memory_space<vmem>>, vector<16xf32>,
        %mul3A_405 = vector.broadcast %squeeze3A_383 : f32 to vector<16xf32>
        %mul3A_406 = arith.mulf %get3A_404, %mul3A_405 : vector<16xf32>
        %swap3A_407 = arith.index_cast %add3A_385 : i32 to index
        %swap3A_408 = arith.constant 32 : index
        %swap3A_409 = tpu.vector_load %arg15[%swap3A_407, %swap3A_408] {strides = array<i32>} : memref<128x48xf32, #tpu.memory_space<vmem>>, vector<16xf32>,
        tpu.vector_store %arg15[%swap3A_407, %swap3A_408], %mul3A_406 {strides = array<i32>} : memref<128x48xf32, #tpu.memory_space<vmem>>, vector<16xf32>,
        %slice3A_410 = vector.extract_strided_slice %get3A_46 {offsets = [13], sizes = [1], strides = [1]} : vector<16xf32> to vector<1xf32>
        %squeeze3A_411 = vector.extract %slice3A_410[0] : f32 from vector<1xf32>
        %add3A_412 = arith.constant 13 : i32
        %add3A_413 = arith.addi %mul3A_48, %add3A_412 : i32
        %get3A_414 = arith.index_cast %add3A_413 : i32 to index
        %get3A_415 = arith.constant 0 : index
        %get3A_416 = tpu.vector_load %arg15[%get3A_414, %get3A_415] {strides = array<i32>} : memref<128x48xf32, #tpu.memory_space<vmem>>, vector<16xf32>,
        %mul3A_417 = vector.broadcast %squeeze3A_411 : f32 to vector<16xf32>
        %mul3A_418 = arith.mulf %get3A_416, %mul3A_417 : vector<16xf32>
        %swap3A_419 = arith.index_cast %add3A_413 : i32 to index
        %swap3A_420 = arith.constant 0 : index
        %swap3A_421 = tpu.vector_load %arg15[%swap3A_419, %swap3A_420] {strides = array<i32>} : memref<128x48xf32, #tpu.memory_space<vmem>>, vector<16xf32>,
        tpu.vector_store %arg15[%swap3A_419, %swap3A_420], %mul3A_418 {strides = array<i32>} : memref<128x48xf32, #tpu.memory_space<vmem>>, vector<16xf32>,
        %get3A_422 = arith.index_cast %add3A_413 : i32 to index
        %get3A_423 = arith.constant 16 : index
        %get3A_424 = tpu.vector_load %arg15[%get3A_422, %get3A_423] {strides = array<i32>} : memref<128x48xf32, #tpu.memory_space<vmem>>, vector<16xf32>,
        %mul3A_425 = vector.broadcast %squeeze3A_411 : f32 to vector<16xf32>
        %mul3A_426 = arith.mulf %get3A_424, %mul3A_425 : vector<16xf32>
        %swap3A_427 = arith.index_cast %add3A_413 : i32 to index
        %swap3A_428 = arith.constant 16 : index
        %swap3A_429 = tpu.vector_load %arg15[%swap3A_427, %swap3A_428] {strides = array<i32>} : memref<128x48xf32, #tpu.memory_space<vmem>>, vector<16xf32>,
        tpu.vector_store %arg15[%swap3A_427, %swap3A_428], %mul3A_426 {strides = array<i32>} : memref<128x48xf32, #tpu.memory_space<vmem>>, vector<16xf32>,
        %get3A_430 = arith.index_cast %add3A_413 : i32 to index
        %get3A_431 = arith.constant 32 : index
        %get3A_432 = tpu.vector_load %arg15[%get3A_430, %get3A_431] {strides = array<i32>} : memref<128x48xf32, #tpu.memory_space<vmem>>, vector<16xf32>,
        %mul3A_433 = vector.broadcast %squeeze3A_411 : f32 to vector<16xf32>
        %mul3A_434 = arith.mulf %get3A_432, %mul3A_433 : vector<16xf32>
        %swap3A_435 = arith.index_cast %add3A_413 : i32 to index
        %swap3A_436 = arith.constant 32 : index
        %swap3A_437 = tpu.vector_load %arg15[%swap3A_435, %swap3A_436] {strides = array<i32>} : memref<128x48xf32, #tpu.memory_space<vmem>>, vector<16xf32>,
        tpu.vector_store %arg15[%swap3A_435, %swap3A_436], %mul3A_434 {strides = array<i32>} : memref<128x48xf32, #tpu.memory_space<vmem>>, vector<16xf32>,
        %slice3A_438 = vector.extract_strided_slice %get3A_46 {offsets = [14], sizes = [1], strides = [1]} : vector<16xf32> to vector<1xf32>
        %squeeze3A_439 = vector.extract %slice3A_438[0] : f32 from vector<1xf32>
        %add3A_440 = arith.constant 14 : i32
        %add3A_441 = arith.addi %mul3A_48, %add3A_440 : i32
        %get3A_442 = arith.index_cast %add3A_441 : i32 to index
        %get3A_443 = arith.constant 0 : index
        %get3A_444 = tpu.vector_load %arg15[%get3A_442, %get3A_443] {strides = array<i32>} : memref<128x48xf32, #tpu.memory_space<vmem>>, vector<16xf32>,
        %mul3A_445 = vector.broadcast %squeeze3A_439 : f32 to vector<16xf32>
        %mul3A_446 = arith.mulf %get3A_444, %mul3A_445 : vector<16xf32>
        %swap3A_447 = arith.index_cast %add3A_441 : i32 to index
        %swap3A_448 = arith.constant 0 : index
        %swap3A_449 = tpu.vector_load %arg15[%swap3A_447, %swap3A_448] {strides = array<i32>} : memref<128x48xf32, #tpu.memory_space<vmem>>, vector<16xf32>,
        tpu.vector_store %arg15[%swap3A_447, %swap3A_448], %mul3A_446 {strides = array<i32>} : memref<128x48xf32, #tpu.memory_space<vmem>>, vector<16xf32>,
        %get3A_450 = arith.index_cast %add3A_441 : i32 to index
        %get3A_451 = arith.constant 16 : index
        %get3A_452 = tpu.vector_load %arg15[%get3A_450, %get3A_451] {strides = array<i32>} : memref<128x48xf32, #tpu.memory_space<vmem>>, vector<16xf32>,
        %mul3A_453 = vector.broadcast %squeeze3A_439 : f32 to vector<16xf32>
        %mul3A_454 = arith.mulf %get3A_452, %mul3A_453 : vector<16xf32>
        %swap3A_455 = arith.index_cast %add3A_441 : i32 to index
        %swap3A_456 = arith.constant 16 : index
        %swap3A_457 = tpu.vector_load %arg15[%swap3A_455, %swap3A_456] {strides = array<i32>} : memref<128x48xf32, #tpu.memory_space<vmem>>, vector<16xf32>,
        tpu.vector_store %arg15[%swap3A_455, %swap3A_456], %mul3A_454 {strides = array<i32>} : memref<128x48xf32, #tpu.memory_space<vmem>>, vector<16xf32>,
        %get3A_458 = arith.index_cast %add3A_441 : i32 to index
        %get3A_459 = arith.constant 32 : index
        %get3A_460 = tpu.vector_load %arg15[%get3A_458, %get3A_459] {strides = array<i32>} : memref<128x48xf32, #tpu.memory_space<vmem>>, vector<16xf32>,
        %mul3A_461 = vector.broadcast %squeeze3A_439 : f32 to vector<16xf32>
        %mul3A_462 = arith.mulf %get3A_460, %mul3A_461 : vector<16xf32>
        %swap3A_463 = arith.index_cast %add3A_441 : i32 to index
        %swap3A_464 = arith.constant 32 : index
        %swap3A_465 = tpu.vector_load %arg15[%swap3A_463, %swap3A_464] {strides = array<i32>} : memref<128x48xf32, #tpu.memory_space<vmem>>, vector<16xf32>,
        tpu.vector_store %arg15[%swap3A_463, %swap3A_464], %mul3A_462 {strides = array<i32>} : memref<128x48xf32, #tpu.memory_space<vmem>>, vector<16xf32>,
        %slice3A_466 = vector.extract_strided_slice %get3A_46 {offsets = [15], sizes = [1], strides = [1]} : vector<16xf32> to vector<1xf32>
        %squeeze3A_467 = vector.extract %slice3A_466[0] : f32 from vector<1xf32>
        %add3A_468 = arith.constant 15 : i32
        %add3A_469 = arith.addi %mul3A_48, %add3A_468 : i32
        %get3A_470 = arith.index_cast %add3A_469 : i32 to index
        %get3A_471 = arith.constant 0 : index
        %get3A_472 = tpu.vector_load %arg15[%get3A_470, %get3A_471] {strides = array<i32>} : memref<128x48xf32, #tpu.memory_space<vmem>>, vector<16xf32>,
        %mul3A_473 = vector.broadcast %squeeze3A_467 : f32 to vector<16xf32>
        %mul3A_474 = arith.mulf %get3A_472, %mul3A_473 : vector<16xf32>
        %swap3A_475 = arith.index_cast %add3A_469 : i32 to index
        %swap3A_476 = arith.constant 0 : index
        %swap3A_477 = tpu.vector_load %arg15[%swap3A_475, %swap3A_476] {strides = array<i32>} : memref<128x48xf32, #tpu.memory_space<vmem>>, vector<16xf32>,
        tpu.vector_store %arg15[%swap3A_475, %swap3A_476], %mul3A_474 {strides = array<i32>} : memref<128x48xf32, #tpu.memory_space<vmem>>, vector<16xf32>,
        %get3A_478 = arith.index_cast %add3A_469 : i32 to index
        %get3A_479 = arith.constant 16 : index
        %get3A_480 = tpu.vector_load %arg15[%get3A_478, %get3A_479] {strides = array<i32>} : memref<128x48xf32, #tpu.memory_space<vmem>>, vector<16xf32>,
        %mul3A_481 = vector.broadcast %squeeze3A_467 : f32 to vector<16xf32>
        %mul3A_482 = arith.mulf %get3A_480, %mul3A_481 : vector<16xf32>
        %swap3A_483 = arith.index_cast %add3A_469 : i32 to index
        %swap3A_484 = arith.constant 16 : index
        %swap3A_485 = tpu.vector_load %arg15[%swap3A_483, %swap3A_484] {strides = array<i32>} : memref<128x48xf32, #tpu.memory_space<vmem>>, vector<16xf32>,
        tpu.vector_store %arg15[%swap3A_483, %swap3A_484], %mul3A_482 {strides = array<i32>} : memref<128x48xf32, #tpu.memory_space<vmem>>, vector<16xf32>,
        %get3A_486 = arith.index_cast %add3A_469 : i32 to index
        %get3A_487 = arith.constant 32 : index
        %get3A_488 = tpu.vector_load %arg15[%get3A_486, %get3A_487] {strides = array<i32>} : memref<128x48xf32, #tpu.memory_space<vmem>>, vector<16xf32>,
        %mul3A_489 = vector.broadcast %squeeze3A_467 : f32 to vector<16xf32>
        %mul3A_490 = arith.mulf %get3A_488, %mul3A_489 : vector<16xf32>
        %swap3A_491 = arith.index_cast %add3A_469 : i32 to index
        %swap3A_492 = arith.constant 32 : index
        %swap3A_493 = tpu.vector_load %arg15[%swap3A_491, %swap3A_492] {strides = array<i32>} : memref<128x48xf32, #tpu.memory_space<vmem>>, vector<16xf32>,
        tpu.vector_store %arg15[%swap3A_491, %swap3A_492], %mul3A_490 {strides = array<i32>} : memref<128x48xf32, #tpu.memory_space<vmem>>, vector<16xf32>,
        %iota3A = tpu.iota {dimensions = array<i32: 0>} : vector<16xi32>
        %add3A_494 = vector.broadcast %mul3A_48 : i32 to vector<16xi32>
        %add3A_495 = arith.addi %add3A_494, %iota3A : vector<16xi32>
        %broadcast_in_dim3A = arith.constant 40 : i32
        %broadcast_in_dim3A_496 = vector.broadcast %broadcast_in_dim3A : i32 to vector<16xi32>
        tpu.vector_store_idx %arg15[%add3A_495, %broadcast_in_dim3A_496], %get3A_46 : memref<128x48xf32, #tpu.memory_space<vmem>>[vector<16xi32>, vector<16xi32>], vector<16xf32>,
      }
      %scan3A_42 = arith.constant 8 : i32
      "tpu.region"() ({
        %run_scoped3A = tpu.sem_alloc : memref<!tpu.dma_semaphore, #tpu.memory_space<semaphore_mem>>
        %dma_start3A_43 = arith.constant 0 : i32
        %dma_start3A_44 = tpu.memref_slice %arg11[%scan3A_20, %dma_start3A_43] : memref<79x128xi32, #tpu.memory_space<vmem>> -> memref<1x128xi32, #tpu.memory_space<vmem>>
        %dma_start3A_45 = tpu.memref_squeeze %dma_start3A_44 : memref<1x128xi32, #tpu.memory_space<vmem>> -> memref<128xi32, #tpu.memory_space<vmem>>
        %dma_start3A_46 = arith.constant 0 : i32
        %dma_start3A_47 = arith.constant 0 : i32
        %dma_start3A_48 = tpu.memref_slice %arg17[%dma_start3A_46, %dma_start3A_47] : memref<10000x48xf32, #tpu.memory_space<vmem_shared>> -> memref<10000x48xf32, #tpu.memory_space<vmem_shared>>
        tpu.enqueue_indirect_dma source(%arg15 : memref<128x48xf32, #tpu.memory_space<vmem>>) target(%dma_start3A_48 : memref<10000x48xf32, #tpu.memory_space<vmem_shared>>) offsets(%dma_start3A_45 : memref<128xi32, #tpu.memory_space<vmem>>) semaphore(%run_scoped3A : memref<!tpu.dma_semaphore, #tpu.memory_space<semaphore_mem>>) {add = true}
        %dma_wait3A_49 = arith.constant 0 : i32
        %dma_wait3A_50 = tpu.memref_slice %arg11[%scan3A_20, %dma_wait3A_49] : memref<79x128xi32, #tpu.memory_space<vmem>> -> memref<1x128xi32, #tpu.memory_space<vmem>>
        %dma_wait3A_51 = tpu.memref_squeeze %dma_wait3A_50 : memref<1x128xi32, #tpu.memory_space<vmem>> -> memref<128xi32, #tpu.memory_space<vmem>>
        %dma_wait3A_52 = arith.constant 0 : i32
        %dma_wait3A_53 = arith.constant 0 : i32
        %dma_wait3A_54 = tpu.memref_slice %arg17[%dma_wait3A_52, %dma_wait3A_53] : memref<10000x48xf32, #tpu.memory_space<vmem_shared>> -> memref<10000x48xf32, #tpu.memory_space<vmem_shared>>
        tpu.wait_indirect_dma semaphore(%run_scoped3A : memref<!tpu.dma_semaphore, #tpu.memory_space<semaphore_mem>>) src(%arg15 : memref<128x48xf32, #tpu.memory_space<vmem>>) dst(%dma_wait3A_54 : memref<10000x48xf32, #tpu.memory_space<vmem_shared>>)
        tpu.yield
      }) : () -> ()
    }
    %scan3A_9 = arith.constant 79 : i32
    %barrier3A_10 = arith.constant 0 : index
    tpu.barrier barrier_id(%barrier3A_10)
    %mul3A_11 = arith.constant 624 : i32
    %mul3A_12 = arith.muli %arg1, %mul3A_11 : i32
    %mul3A_13 = arith.constant 624 : i32
    %mul3A_14 = arith.muli %arg1, %mul3A_13 : i32
    "tpu.region"() ({
      %run_scoped3A = tpu.sem_alloc : memref<!tpu.dma_semaphore, #tpu.memory_space<semaphore_mem>>
      %dma_start3A = arith.constant 0 : i32
      %dma_start3A_20 = tpu.memref_slice %arg9[%arg0, %mul3A_14, %dma_start3A] : memref<2x10000x48xf32, #tpu.memory_space<hbm>> -> memref<1x624x48xf32, #tpu.memory_space<hbm>>
      %dma_start3A_21 = tpu.memref_squeeze %dma_start3A_20 : memref<1x624x48xf32, #tpu.memory_space<hbm>> -> memref<624x48xf32, #tpu.memory_space<hbm>>
      %dma_start3A_22 = arith.constant 0 : i32
      %dma_start3A_23 = tpu.memref_slice %arg17[%mul3A_12, %dma_start3A_22] : memref<10000x48xf32, #tpu.memory_space<vmem_shared>> -> memref<624x48xf32, #tpu.memory_space<vmem_shared>>
      tpu.enqueue_dma source(%dma_start3A_23 : memref<624x48xf32, #tpu.memory_space<vmem_shared>>) target(%dma_start3A_21 : memref<624x48xf32, #tpu.memory_space<hbm>>) target_semaphore(%run_scoped3A : memref<!tpu.dma_semaphore, #tpu.memory_space<semaphore_mem>>)
      %dma_wait3A = arith.constant 0 : i32
      %dma_wait3A_24 = tpu.memref_slice %arg9[%arg0, %mul3A_14, %dma_wait3A] : memref<2x10000x48xf32, #tpu.memory_space<hbm>> -> memref<1x624x48xf32, #tpu.memory_space<hbm>>
      %dma_wait3A_25 = tpu.memref_squeeze %dma_wait3A_24 : memref<1x624x48xf32, #tpu.memory_space<hbm>> -> memref<624x48xf32, #tpu.memory_space<hbm>>
      %dma_wait3A_26 = arith.constant 0 : i32
      %dma_wait3A_27 = tpu.memref_slice %arg17[%mul3A_12, %dma_wait3A_26] : memref<10000x48xf32, #tpu.memory_space<vmem_shared>> -> memref<624x48xf32, #tpu.memory_space<vmem_shared>>
      tpu.wait_dma2 semaphore(%run_scoped3A : memref<!tpu.dma_semaphore, #tpu.memory_space<semaphore_mem>>) src(%dma_wait3A_27 : memref<624x48xf32, #tpu.memory_space<vmem_shared>>) dst(%dma_wait3A_25 : memref<624x48xf32, #tpu.memory_space<hbm>>)
      tpu.yield
    }) : () -> ()
    %eq3A_15 = arith.constant 0 : i32
    %eq3A_16 = arith.cmpi eq, %arg1, %eq3A_15 : i32
    %convert_element_type3A_17 = arith.extui %eq3A_16 : i1 to i32
    %cond3A_18 = arith.constant 0 : i32
    %cond3A_19 = arith.cmpi ne, %convert_element_type3A_17, %cond3A_18 : i32
    scf.if %cond3A_19 {
      "tpu.region"() ({
        %run_scoped3A = tpu.sem_alloc : memref<!tpu.dma_semaphore, #tpu.memory_space<semaphore_mem>>
        %dma_start3A = arith.constant 9984 : i32
        %dma_start3A_20 = arith.constant 0 : i32
        %dma_start3A_21 = tpu.memref_slice %arg9[%arg0, %dma_start3A, %dma_start3A_20] : memref<2x10000x48xf32, #tpu.memory_space<hbm>> -> memref<1x16x48xf32, #tpu.memory_space<hbm>>
        %dma_start3A_22 = tpu.memref_squeeze %dma_start3A_21 : memref<1x16x48xf32, #tpu.memory_space<hbm>> -> memref<16x48xf32, #tpu.memory_space<hbm>>
        %dma_start3A_23 = arith.constant 9984 : i32
        %dma_start3A_24 = arith.constant 0 : i32
        %dma_start3A_25 = tpu.memref_slice %arg17[%dma_start3A_23, %dma_start3A_24] : memref<10000x48xf32, #tpu.memory_space<vmem_shared>> -> memref<16x48xf32, #tpu.memory_space<vmem_shared>>
        tpu.enqueue_dma source(%dma_start3A_25 : memref<16x48xf32, #tpu.memory_space<vmem_shared>>) target(%dma_start3A_22 : memref<16x48xf32, #tpu.memory_space<hbm>>) target_semaphore(%run_scoped3A : memref<!tpu.dma_semaphore, #tpu.memory_space<semaphore_mem>>)
        %dma_wait3A = arith.constant 9984 : i32
        %dma_wait3A_26 = arith.constant 0 : i32
        %dma_wait3A_27 = tpu.memref_slice %arg9[%arg0, %dma_wait3A, %dma_wait3A_26] : memref<2x10000x48xf32, #tpu.memory_space<hbm>> -> memref<1x16x48xf32, #tpu.memory_space<hbm>>
        %dma_wait3A_28 = tpu.memref_squeeze %dma_wait3A_27 : memref<1x16x48xf32, #tpu.memory_space<hbm>> -> memref<16x48xf32, #tpu.memory_space<hbm>>
        %dma_wait3A_29 = arith.constant 9984 : i32
        %dma_wait3A_30 = arith.constant 0 : i32
        %dma_wait3A_31 = tpu.memref_slice %arg17[%dma_wait3A_29, %dma_wait3A_30] : memref<10000x48xf32, #tpu.memory_space<vmem_shared>> -> memref<16x48xf32, #tpu.memory_space<vmem_shared>>
        tpu.wait_dma2 semaphore(%run_scoped3A : memref<!tpu.dma_semaphore, #tpu.memory_space<semaphore_mem>>) src(%dma_wait3A_31 : memref<16x48xf32, #tpu.memory_space<vmem_shared>>) dst(%dma_wait3A_28 : memref<16x48xf32, #tpu.memory_space<hbm>>)
        tpu.yield
      }) : () -> ()
    } else {
    }
    return
  }
}

#map = affine_map<(d0, d1) -> (0, 0)>
#map1 = affine_map<(d0, d1) -> (0)>
#map2 = affine_map<(d0, d1) -> (0, 0, 0)>
module attributes {stable_mosaic.version = 14 : i64} {
  func.func @sc_gat(%arg0: i32, %arg1: i32, %arg2: memref<10000x72xf32, #tpu.memory_space<hbm>>, %arg3: memref<10000xf32, #tpu.memory_space<hbm>>, %arg4: memref<10000xf32, #tpu.memory_space<hbm>>, %arg5: memref<16xf32, #tpu.memory_space<hbm>>, %arg6: memref<32x79x128xi32, #tpu.memory_space<hbm>>, %arg7: memref<32x79x128xi32, #tpu.memory_space<hbm>>, %arg8: memref<624x72xf32, #tpu.memory_space<hbm>>, %arg9: memref<2x10000x72xf32, #tpu.memory_space<hbm>>, %arg10: memref<79x128xi32, #tpu.memory_space<vmem>>, %arg11: memref<79x128xi32, #tpu.memory_space<vmem>>, %arg12: memref<10000xf32, #tpu.memory_space<vmem>>, %arg13: memref<10000xf32, #tpu.memory_space<vmem>>, %arg14: memref<16xf32, #tpu.memory_space<vmem>>, %arg15: memref<128x72xf32, #tpu.memory_space<vmem>>, %arg16: memref<128xf32, #tpu.memory_space<vmem>>, %arg17: memref<10000x72xf32, #tpu.memory_space<vmem_shared>>, %arg18: memref<!tpu.dma_semaphore, #tpu.memory_space<semaphore_mem>>) attributes {dimension_semantics = [#tpu.dimension_semantics<core_parallel>, #tpu.dimension_semantics<subcore_parallel>], iteration_bounds = array<i64: 2, 16>, scalar_prefetch = 0 : i64, scratch_operands = 9 : i64, tpu.core_type = #tpu.core_type<sc_vector_subcore>, window_params = [{transform_indices = #map}, {transform_indices = #map1}, {transform_indices = #map1}, {transform_indices = #map1}, {transform_indices = #map2}, {transform_indices = #map2}, {transform_indices = #map}, {transform_indices = #map2}]} {
    %mul3A = arith.constant 16 : i32
    %mul3A_0 = arith.muli %arg0, %mul3A : i32
    %add3A = arith.addi %mul3A_0, %arg1 : i32
    %mul3A_1 = arith.constant 624 : i32
    %mul3A_2 = arith.muli %arg1, %mul3A_1 : i32
    "tpu.region"() ({
      %run_scoped3A = tpu.sem_alloc : memref<!tpu.dma_semaphore, #tpu.memory_space<semaphore_mem>>
      %dma_start3A = arith.constant 0 : i32
      %dma_start3A_20 = tpu.memref_slice %arg17[%mul3A_2, %dma_start3A] : memref<10000x72xf32, #tpu.memory_space<vmem_shared>> -> memref<624x72xf32, #tpu.memory_space<vmem_shared>>
      tpu.enqueue_dma source(%arg8 : memref<624x72xf32, #tpu.memory_space<hbm>>) target(%dma_start3A_20 : memref<624x72xf32, #tpu.memory_space<vmem_shared>>) target_semaphore(%run_scoped3A : memref<!tpu.dma_semaphore, #tpu.memory_space<semaphore_mem>>)
      %dma_wait3A = arith.constant 0 : i32
      %dma_wait3A_21 = tpu.memref_slice %arg17[%mul3A_2, %dma_wait3A] : memref<10000x72xf32, #tpu.memory_space<vmem_shared>> -> memref<624x72xf32, #tpu.memory_space<vmem_shared>>
      tpu.wait_dma2 semaphore(%run_scoped3A : memref<!tpu.dma_semaphore, #tpu.memory_space<semaphore_mem>>) src(%arg8 : memref<624x72xf32, #tpu.memory_space<hbm>>) dst(%dma_wait3A_21 : memref<624x72xf32, #tpu.memory_space<vmem_shared>>)
      tpu.yield
    }) : () -> ()
    %eq3A = arith.constant 0 : i32
    %eq3A_3 = arith.cmpi eq, %arg1, %eq3A : i32
    %convert_element_type3A = arith.extui %eq3A_3 : i1 to i32
    %cond3A = arith.constant 0 : i32
    %cond3A_4 = arith.cmpi ne, %convert_element_type3A, %cond3A : i32
    scf.if %cond3A_4 {
      "tpu.region"() ({
        %run_scoped3A = tpu.sem_alloc : memref<!tpu.dma_semaphore, #tpu.memory_space<semaphore_mem>>
        %dma_start3A = arith.constant 9984 : i32
        %dma_start3A_20 = arith.constant 0 : i32
        %dma_start3A_21 = tpu.memref_slice %arg17[%dma_start3A, %dma_start3A_20] : memref<10000x72xf32, #tpu.memory_space<vmem_shared>> -> memref<16x72xf32, #tpu.memory_space<vmem_shared>>
        %dma_start3A_22 = arith.constant 0 : i32
        %dma_start3A_23 = arith.constant 0 : i32
        %dma_start3A_24 = tpu.memref_slice %arg8[%dma_start3A_22, %dma_start3A_23] : memref<624x72xf32, #tpu.memory_space<hbm>> -> memref<16x72xf32, #tpu.memory_space<hbm>>
        tpu.enqueue_dma source(%dma_start3A_24 : memref<16x72xf32, #tpu.memory_space<hbm>>) target(%dma_start3A_21 : memref<16x72xf32, #tpu.memory_space<vmem_shared>>) target_semaphore(%run_scoped3A : memref<!tpu.dma_semaphore, #tpu.memory_space<semaphore_mem>>)
        %dma_wait3A = arith.constant 9984 : i32
        %dma_wait3A_25 = arith.constant 0 : i32
        %dma_wait3A_26 = tpu.memref_slice %arg17[%dma_wait3A, %dma_wait3A_25] : memref<10000x72xf32, #tpu.memory_space<vmem_shared>> -> memref<16x72xf32, #tpu.memory_space<vmem_shared>>
        %dma_wait3A_27 = arith.constant 0 : i32
        %dma_wait3A_28 = arith.constant 0 : i32
        %dma_wait3A_29 = tpu.memref_slice %arg8[%dma_wait3A_27, %dma_wait3A_28] : memref<624x72xf32, #tpu.memory_space<hbm>> -> memref<16x72xf32, #tpu.memory_space<hbm>>
        tpu.wait_dma2 semaphore(%run_scoped3A : memref<!tpu.dma_semaphore, #tpu.memory_space<semaphore_mem>>) src(%dma_wait3A_29 : memref<16x72xf32, #tpu.memory_space<hbm>>) dst(%dma_wait3A_26 : memref<16x72xf32, #tpu.memory_space<vmem_shared>>)
        tpu.yield
      }) : () -> ()
    } else {
    }
    "tpu.region"() ({
      %run_scoped3A = tpu.sem_alloc : memref<!tpu.dma_semaphore, #tpu.memory_space<semaphore_mem>>
      tpu.enqueue_dma source(%arg3 : memref<10000xf32, #tpu.memory_space<hbm>>) target(%arg12 : memref<10000xf32, #tpu.memory_space<vmem>>) target_semaphore(%run_scoped3A : memref<!tpu.dma_semaphore, #tpu.memory_space<semaphore_mem>>)
      tpu.wait_dma2 semaphore(%run_scoped3A : memref<!tpu.dma_semaphore, #tpu.memory_space<semaphore_mem>>) src(%arg3 : memref<10000xf32, #tpu.memory_space<hbm>>) dst(%arg12 : memref<10000xf32, #tpu.memory_space<vmem>>)
      tpu.yield
    }) : () -> ()
    "tpu.region"() ({
      %run_scoped3A = tpu.sem_alloc : memref<!tpu.dma_semaphore, #tpu.memory_space<semaphore_mem>>
      tpu.enqueue_dma source(%arg4 : memref<10000xf32, #tpu.memory_space<hbm>>) target(%arg13 : memref<10000xf32, #tpu.memory_space<vmem>>) target_semaphore(%run_scoped3A : memref<!tpu.dma_semaphore, #tpu.memory_space<semaphore_mem>>)
      tpu.wait_dma2 semaphore(%run_scoped3A : memref<!tpu.dma_semaphore, #tpu.memory_space<semaphore_mem>>) src(%arg4 : memref<10000xf32, #tpu.memory_space<hbm>>) dst(%arg13 : memref<10000xf32, #tpu.memory_space<vmem>>)
      tpu.yield
    }) : () -> ()
    "tpu.region"() ({
      %run_scoped3A = tpu.sem_alloc : memref<!tpu.dma_semaphore, #tpu.memory_space<semaphore_mem>>
      tpu.enqueue_dma source(%arg5 : memref<16xf32, #tpu.memory_space<hbm>>) target(%arg14 : memref<16xf32, #tpu.memory_space<vmem>>) target_semaphore(%run_scoped3A : memref<!tpu.dma_semaphore, #tpu.memory_space<semaphore_mem>>)
      tpu.wait_dma2 semaphore(%run_scoped3A : memref<!tpu.dma_semaphore, #tpu.memory_space<semaphore_mem>>) src(%arg5 : memref<16xf32, #tpu.memory_space<hbm>>) dst(%arg14 : memref<16xf32, #tpu.memory_space<vmem>>)
      tpu.yield
    }) : () -> ()
    "tpu.region"() ({
      %run_scoped3A = tpu.sem_alloc : memref<!tpu.dma_semaphore, #tpu.memory_space<semaphore_mem>>
      %dma_start3A = arith.constant 0 : i32
      %dma_start3A_20 = arith.constant 0 : i32
      %dma_start3A_21 = tpu.memref_slice %arg6[%add3A, %dma_start3A, %dma_start3A_20] : memref<32x79x128xi32, #tpu.memory_space<hbm>> -> memref<1x79x128xi32, #tpu.memory_space<hbm>>
      %dma_start3A_22 = tpu.memref_squeeze %dma_start3A_21 : memref<1x79x128xi32, #tpu.memory_space<hbm>> -> memref<79x128xi32, #tpu.memory_space<hbm>>
      %dma_start3A_23 = arith.constant 0 : i32
      %dma_start3A_24 = arith.constant 0 : i32
      %dma_start3A_25 = tpu.memref_slice %arg6[%add3A, %dma_start3A_23, %dma_start3A_24] : memref<32x79x128xi32, #tpu.memory_space<hbm>> -> memref<1x79x128xi32, #tpu.memory_space<hbm>>
      %dma_start3A_26 = tpu.memref_squeeze %dma_start3A_25 : memref<1x79x128xi32, #tpu.memory_space<hbm>> -> memref<79x128xi32, #tpu.memory_space<hbm>>
      tpu.enqueue_dma source(%dma_start3A_26 : memref<79x128xi32, #tpu.memory_space<hbm>>) target(%arg10 : memref<79x128xi32, #tpu.memory_space<vmem>>) target_semaphore(%run_scoped3A : memref<!tpu.dma_semaphore, #tpu.memory_space<semaphore_mem>>)
      %dma_wait3A = arith.constant 0 : i32
      %dma_wait3A_27 = arith.constant 0 : i32
      %dma_wait3A_28 = tpu.memref_slice %arg6[%add3A, %dma_wait3A, %dma_wait3A_27] : memref<32x79x128xi32, #tpu.memory_space<hbm>> -> memref<1x79x128xi32, #tpu.memory_space<hbm>>
      %dma_wait3A_29 = tpu.memref_squeeze %dma_wait3A_28 : memref<1x79x128xi32, #tpu.memory_space<hbm>> -> memref<79x128xi32, #tpu.memory_space<hbm>>
      %dma_wait3A_30 = arith.constant 0 : i32
      %dma_wait3A_31 = arith.constant 0 : i32
      %dma_wait3A_32 = tpu.memref_slice %arg6[%add3A, %dma_wait3A_30, %dma_wait3A_31] : memref<32x79x128xi32, #tpu.memory_space<hbm>> -> memref<1x79x128xi32, #tpu.memory_space<hbm>>
      %dma_wait3A_33 = tpu.memref_squeeze %dma_wait3A_32 : memref<1x79x128xi32, #tpu.memory_space<hbm>> -> memref<79x128xi32, #tpu.memory_space<hbm>>
      tpu.wait_dma2 semaphore(%run_scoped3A : memref<!tpu.dma_semaphore, #tpu.memory_space<semaphore_mem>>) src(%dma_wait3A_33 : memref<79x128xi32, #tpu.memory_space<hbm>>) dst(%arg10 : memref<79x128xi32, #tpu.memory_space<vmem>>)
      tpu.yield
    }) : () -> ()
    "tpu.region"() ({
      %run_scoped3A = tpu.sem_alloc : memref<!tpu.dma_semaphore, #tpu.memory_space<semaphore_mem>>
      %dma_start3A = arith.constant 0 : i32
      %dma_start3A_20 = arith.constant 0 : i32
      %dma_start3A_21 = tpu.memref_slice %arg7[%add3A, %dma_start3A, %dma_start3A_20] : memref<32x79x128xi32, #tpu.memory_space<hbm>> -> memref<1x79x128xi32, #tpu.memory_space<hbm>>
      %dma_start3A_22 = tpu.memref_squeeze %dma_start3A_21 : memref<1x79x128xi32, #tpu.memory_space<hbm>> -> memref<79x128xi32, #tpu.memory_space<hbm>>
      %dma_start3A_23 = arith.constant 0 : i32
      %dma_start3A_24 = arith.constant 0 : i32
      %dma_start3A_25 = tpu.memref_slice %arg7[%add3A, %dma_start3A_23, %dma_start3A_24] : memref<32x79x128xi32, #tpu.memory_space<hbm>> -> memref<1x79x128xi32, #tpu.memory_space<hbm>>
      %dma_start3A_26 = tpu.memref_squeeze %dma_start3A_25 : memref<1x79x128xi32, #tpu.memory_space<hbm>> -> memref<79x128xi32, #tpu.memory_space<hbm>>
      tpu.enqueue_dma source(%dma_start3A_26 : memref<79x128xi32, #tpu.memory_space<hbm>>) target(%arg11 : memref<79x128xi32, #tpu.memory_space<vmem>>) target_semaphore(%run_scoped3A : memref<!tpu.dma_semaphore, #tpu.memory_space<semaphore_mem>>)
      %dma_wait3A = arith.constant 0 : i32
      %dma_wait3A_27 = arith.constant 0 : i32
      %dma_wait3A_28 = tpu.memref_slice %arg7[%add3A, %dma_wait3A, %dma_wait3A_27] : memref<32x79x128xi32, #tpu.memory_space<hbm>> -> memref<1x79x128xi32, #tpu.memory_space<hbm>>
      %dma_wait3A_29 = tpu.memref_squeeze %dma_wait3A_28 : memref<1x79x128xi32, #tpu.memory_space<hbm>> -> memref<79x128xi32, #tpu.memory_space<hbm>>
      %dma_wait3A_30 = arith.constant 0 : i32
      %dma_wait3A_31 = arith.constant 0 : i32
      %dma_wait3A_32 = tpu.memref_slice %arg7[%add3A, %dma_wait3A_30, %dma_wait3A_31] : memref<32x79x128xi32, #tpu.memory_space<hbm>> -> memref<1x79x128xi32, #tpu.memory_space<hbm>>
      %dma_wait3A_33 = tpu.memref_squeeze %dma_wait3A_32 : memref<1x79x128xi32, #tpu.memory_space<hbm>> -> memref<79x128xi32, #tpu.memory_space<hbm>>
      tpu.wait_dma2 semaphore(%run_scoped3A : memref<!tpu.dma_semaphore, #tpu.memory_space<semaphore_mem>>) src(%dma_wait3A_33 : memref<79x128xi32, #tpu.memory_space<hbm>>) dst(%arg11 : memref<79x128xi32, #tpu.memory_space<vmem>>)
      tpu.yield
    }) : () -> ()
    %barrier3A = arith.constant 0 : index
    tpu.barrier barrier_id(%barrier3A)
    %scan3A = arith.constant 0 : i32
    %scan3A_5 = arith.constant 0 : i32
    %scan3A_6 = arith.constant 79 : i32
    %scan3A_7 = arith.addi %scan3A_5, %scan3A_6 : i32
    %scan3A_8 = arith.constant 1 : i32
    scf.for %scan3A_20 = %scan3A_5 to %scan3A_7 step %scan3A_8  : i32 {
      %dma_start3A = arith.constant 0 : i32
      %dma_start3A_21 = tpu.memref_slice %arg10[%scan3A_20, %dma_start3A] : memref<79x128xi32, #tpu.memory_space<vmem>> -> memref<1x128xi32, #tpu.memory_space<vmem>>
      %dma_start3A_22 = tpu.memref_squeeze %dma_start3A_21 : memref<1x128xi32, #tpu.memory_space<vmem>> -> memref<128xi32, #tpu.memory_space<vmem>>
      %dma_start3A_23 = arith.constant 0 : i32
      %dma_start3A_24 = arith.constant 0 : i32
      %dma_start3A_25 = tpu.memref_slice %arg2[%dma_start3A_23, %dma_start3A_24] : memref<10000x72xf32, #tpu.memory_space<hbm>> -> memref<10000x72xf32, #tpu.memory_space<hbm>>
      tpu.enqueue_indirect_dma source(%dma_start3A_25 : memref<10000x72xf32, #tpu.memory_space<hbm>>) target(%arg15 : memref<128x72xf32, #tpu.memory_space<vmem>>) offsets(%dma_start3A_22 : memref<128xi32, #tpu.memory_space<vmem>>) semaphore(%arg18 : memref<!tpu.dma_semaphore, #tpu.memory_space<semaphore_mem>>)
      %dma_wait3A = arith.constant 0 : i32
      %dma_wait3A_26 = tpu.memref_slice %arg10[%scan3A_20, %dma_wait3A] : memref<79x128xi32, #tpu.memory_space<vmem>> -> memref<1x128xi32, #tpu.memory_space<vmem>>
      %dma_wait3A_27 = tpu.memref_squeeze %dma_wait3A_26 : memref<1x128xi32, #tpu.memory_space<vmem>> -> memref<128xi32, #tpu.memory_space<vmem>>
      %dma_wait3A_28 = arith.constant 0 : i32
      %dma_wait3A_29 = arith.constant 0 : i32
      %dma_wait3A_30 = tpu.memref_slice %arg2[%dma_wait3A_28, %dma_wait3A_29] : memref<10000x72xf32, #tpu.memory_space<hbm>> -> memref<10000x72xf32, #tpu.memory_space<hbm>>
      tpu.wait_indirect_dma semaphore(%arg18 : memref<!tpu.dma_semaphore, #tpu.memory_space<semaphore_mem>>) src(%dma_wait3A_30 : memref<10000x72xf32, #tpu.memory_space<hbm>>) dst(%arg15 : memref<128x72xf32, #tpu.memory_space<vmem>>)
      %scan3A_31 = arith.constant 0 : i32
      %scan3A_32 = arith.constant 0 : i32
      %scan3A_33 = arith.constant 8 : i32
      %scan3A_34 = arith.addi %scan3A_32, %scan3A_33 : i32
      %scan3A_35 = arith.constant 2 : i32
      scf.for %scan3A_43 = %scan3A_32 to %scan3A_34 step %scan3A_35  : i32 {
        %mul3A_44 = arith.constant 16 : i32
        %mul3A_45 = arith.muli %scan3A_43, %mul3A_44 : i32
        %get3A = arith.index_cast %scan3A_20 : i32 to index
        %get3A_46 = arith.index_cast %mul3A_45 : i32 to index
        %get3A_47 = tpu.vector_load %arg10[%get3A, %get3A_46] {strides = array<i32>} : memref<79x128xi32, #tpu.memory_space<vmem>>, vector<16xi32>,
        %mul3A_48 = arith.constant 16 : i32
        %mul3A_49 = arith.muli %scan3A_43, %mul3A_48 : i32
        %get3A_50 = arith.index_cast %scan3A_20 : i32 to index
        %get3A_51 = arith.index_cast %mul3A_49 : i32 to index
        %get3A_52 = tpu.vector_load %arg11[%get3A_50, %get3A_51] {strides = array<i32>} : memref<79x128xi32, #tpu.memory_space<vmem>>, vector<16xi32>,
        %gather3A = tpu.vector_load_idx %arg12[%get3A_47] : memref<10000xf32, #tpu.memory_space<vmem>>[vector<16xi32>], vector<16xf32>,
        %gather3A_53 = tpu.vector_load_idx %arg13[%get3A_52] : memref<10000xf32, #tpu.memory_space<vmem>>[vector<16xi32>], vector<16xf32>,
        %add3A_54 = arith.addf %gather3A, %gather3A_53 : vector<16xf32>
        %mul3A_55 = arith.constant 2.000000e-01 : f32
        %mul3A_56 = vector.broadcast %mul3A_55 : f32 to vector<16xf32>
        %mul3A_57 = arith.mulf %mul3A_56, %add3A_54 : vector<16xf32>
        %max3A = arith.maximumf %add3A_54, %mul3A_57 : vector<16xf32>
        %get3A_58 = arith.constant 0 : index
        %get3A_59 = tpu.vector_load %arg14[%get3A_58] {strides = array<i32>} : memref<16xf32, #tpu.memory_space<vmem>>, vector<16xf32>,
        %add3A_60 = arith.addf %get3A_59, %gather3A_53 : vector<16xf32>
        %mul3A_61 = arith.constant 2.000000e-01 : f32
        %mul3A_62 = vector.broadcast %mul3A_61 : f32 to vector<16xf32>
        %mul3A_63 = arith.mulf %mul3A_62, %add3A_60 : vector<16xf32>
        %max3A_64 = arith.maximumf %add3A_60, %mul3A_63 : vector<16xf32>
        %sub3A = arith.subf %max3A, %max3A_64 : vector<16xf32>
        %exp3A = math.exp %sub3A : vector<16xf32>
        %mul3A_65 = arith.constant 128 : i32
        %mul3A_66 = arith.muli %scan3A_20, %mul3A_65 : i32
        %mul3A_67 = arith.constant 16 : i32
        %mul3A_68 = arith.muli %scan3A_43, %mul3A_67 : i32
        %add3A_69 = arith.addi %mul3A_66, %mul3A_68 : i32
        %iota3A = tpu.iota {dimensions = array<i32: 0>} : vector<16xi32>
        %add3A_70 = vector.broadcast %add3A_69 : i32 to vector<16xi32>
        %add3A_71 = arith.addi %add3A_70, %iota3A : vector<16xi32>
        %lt3A = arith.constant 10000 : i32
        %lt3A_72 = vector.broadcast %lt3A : i32 to vector<16xi32>
        %lt3A_73 = arith.cmpi slt, %add3A_71, %lt3A_72 : vector<16xi32>
        %jit3A = arith.constant 0.000000e+00 : f32
        %broadcast_in_dim3A = vector.broadcast %jit3A : f32 to vector<16xf32>
        %select_n3A = arith.select %lt3A_73, %exp3A, %broadcast_in_dim3A : vector<16xi1>, vector<16xf32>
        %mul3A_74 = arith.constant 16 : i32
        %mul3A_75 = arith.muli %scan3A_43, %mul3A_74 : i32
        %swap3A = arith.index_cast %mul3A_75 : i32 to index
        %swap3A_76 = tpu.vector_load %arg16[%swap3A] {strides = array<i32>} : memref<128xf32, #tpu.memory_space<vmem>>, vector<16xf32>,
        tpu.vector_store %arg16[%swap3A], %select_n3A {strides = array<i32>} : memref<128xf32, #tpu.memory_space<vmem>>, vector<16xf32>,
        %scan3A_77 = arith.constant 1 : i32
        %scan3A_78 = arith.addi %scan3A_43, %scan3A_77 : i32
        %mul3A_79 = arith.constant 16 : i32
        %mul3A_80 = arith.muli %scan3A_78, %mul3A_79 : i32
        %get3A_81 = arith.index_cast %scan3A_20 : i32 to index
        %get3A_82 = arith.index_cast %mul3A_80 : i32 to index
        %get3A_83 = tpu.vector_load %arg10[%get3A_81, %get3A_82] {strides = array<i32>} : memref<79x128xi32, #tpu.memory_space<vmem>>, vector<16xi32>,
        %mul3A_84 = arith.constant 16 : i32
        %mul3A_85 = arith.muli %scan3A_78, %mul3A_84 : i32
        %get3A_86 = arith.index_cast %scan3A_20 : i32 to index
        %get3A_87 = arith.index_cast %mul3A_85 : i32 to index
        %get3A_88 = tpu.vector_load %arg11[%get3A_86, %get3A_87] {strides = array<i32>} : memref<79x128xi32, #tpu.memory_space<vmem>>, vector<16xi32>,
        %gather3A_89 = tpu.vector_load_idx %arg12[%get3A_83] : memref<10000xf32, #tpu.memory_space<vmem>>[vector<16xi32>], vector<16xf32>,
        %gather3A_90 = tpu.vector_load_idx %arg13[%get3A_88] : memref<10000xf32, #tpu.memory_space<vmem>>[vector<16xi32>], vector<16xf32>,
        %add3A_91 = arith.addf %gather3A_89, %gather3A_90 : vector<16xf32>
        %mul3A_92 = arith.constant 2.000000e-01 : f32
        %mul3A_93 = vector.broadcast %mul3A_92 : f32 to vector<16xf32>
        %mul3A_94 = arith.mulf %mul3A_93, %add3A_91 : vector<16xf32>
        %max3A_95 = arith.maximumf %add3A_91, %mul3A_94 : vector<16xf32>
        %get3A_96 = arith.constant 0 : index
        %get3A_97 = tpu.vector_load %arg14[%get3A_96] {strides = array<i32>} : memref<16xf32, #tpu.memory_space<vmem>>, vector<16xf32>,
        %add3A_98 = arith.addf %get3A_97, %gather3A_90 : vector<16xf32>
        %mul3A_99 = arith.constant 2.000000e-01 : f32
        %mul3A_100 = vector.broadcast %mul3A_99 : f32 to vector<16xf32>
        %mul3A_101 = arith.mulf %mul3A_100, %add3A_98 : vector<16xf32>
        %max3A_102 = arith.maximumf %add3A_98, %mul3A_101 : vector<16xf32>
        %sub3A_103 = arith.subf %max3A_95, %max3A_102 : vector<16xf32>
        %exp3A_104 = math.exp %sub3A_103 : vector<16xf32>
        %mul3A_105 = arith.constant 128 : i32
        %mul3A_106 = arith.muli %scan3A_20, %mul3A_105 : i32
        %mul3A_107 = arith.constant 16 : i32
        %mul3A_108 = arith.muli %scan3A_78, %mul3A_107 : i32
        %add3A_109 = arith.addi %mul3A_106, %mul3A_108 : i32
        %iota3A_110 = tpu.iota {dimensions = array<i32: 0>} : vector<16xi32>
        %add3A_111 = vector.broadcast %add3A_109 : i32 to vector<16xi32>
        %add3A_112 = arith.addi %add3A_111, %iota3A_110 : vector<16xi32>
        %lt3A_113 = arith.constant 10000 : i32
        %lt3A_114 = vector.broadcast %lt3A_113 : i32 to vector<16xi32>
        %lt3A_115 = arith.cmpi slt, %add3A_112, %lt3A_114 : vector<16xi32>
        %jit3A_116 = arith.constant 0.000000e+00 : f32
        %broadcast_in_dim3A_117 = vector.broadcast %jit3A_116 : f32 to vector<16xf32>
        %select_n3A_118 = arith.select %lt3A_115, %exp3A_104, %broadcast_in_dim3A_117 : vector<16xi1>, vector<16xf32>
        %mul3A_119 = arith.constant 16 : i32
        %mul3A_120 = arith.muli %scan3A_78, %mul3A_119 : i32
        %swap3A_121 = arith.index_cast %mul3A_120 : i32 to index
        %swap3A_122 = tpu.vector_load %arg16[%swap3A_121] {strides = array<i32>} : memref<128xf32, #tpu.memory_space<vmem>>, vector<16xf32>,
        tpu.vector_store %arg16[%swap3A_121], %select_n3A_118 {strides = array<i32>} : memref<128xf32, #tpu.memory_space<vmem>>, vector<16xf32>,
      }
      %scan3A_36 = arith.constant 8 : i32
      %scan3A_37 = arith.constant 0 : i32
      %scan3A_38 = arith.constant 0 : i32
      %scan3A_39 = arith.constant 8 : i32
      %scan3A_40 = arith.addi %scan3A_38, %scan3A_39 : i32
      %scan3A_41 = arith.constant 1 : i32
      scf.for %scan3A_43 = %scan3A_38 to %scan3A_40 step %scan3A_41  : i32 {
        %mul3A_44 = arith.constant 16 : i32
        %mul3A_45 = arith.muli %scan3A_43, %mul3A_44 : i32
        %get3A = arith.index_cast %mul3A_45 : i32 to index
        %get3A_46 = tpu.vector_load %arg16[%get3A] {strides = array<i32>} : memref<128xf32, #tpu.memory_space<vmem>>, vector<16xf32>,
        %mul3A_47 = arith.constant 16 : i32
        %mul3A_48 = arith.muli %scan3A_43, %mul3A_47 : i32
        %slice3A = vector.extract_strided_slice %get3A_46 {offsets = [0], sizes = [1], strides = [1]} : vector<16xf32> to vector<1xf32>
        %squeeze3A = vector.extract %slice3A[0] : f32 from vector<1xf32>
        %add3A_49 = arith.constant 0 : i32
        %add3A_50 = arith.addi %mul3A_48, %add3A_49 : i32
        %get3A_51 = arith.index_cast %add3A_50 : i32 to index
        %get3A_52 = arith.constant 0 : index
        %get3A_53 = tpu.vector_load %arg15[%get3A_51, %get3A_52] {strides = array<i32>} : memref<128x72xf32, #tpu.memory_space<vmem>>, vector<16xf32>,
        %mul3A_54 = vector.broadcast %squeeze3A : f32 to vector<16xf32>
        %mul3A_55 = arith.mulf %get3A_53, %mul3A_54 : vector<16xf32>
        %swap3A = arith.index_cast %add3A_50 : i32 to index
        %swap3A_56 = arith.constant 0 : index
        %swap3A_57 = tpu.vector_load %arg15[%swap3A, %swap3A_56] {strides = array<i32>} : memref<128x72xf32, #tpu.memory_space<vmem>>, vector<16xf32>,
        tpu.vector_store %arg15[%swap3A, %swap3A_56], %mul3A_55 {strides = array<i32>} : memref<128x72xf32, #tpu.memory_space<vmem>>, vector<16xf32>,
        %get3A_58 = arith.index_cast %add3A_50 : i32 to index
        %get3A_59 = arith.constant 16 : index
        %get3A_60 = tpu.vector_load %arg15[%get3A_58, %get3A_59] {strides = array<i32>} : memref<128x72xf32, #tpu.memory_space<vmem>>, vector<16xf32>,
        %mul3A_61 = vector.broadcast %squeeze3A : f32 to vector<16xf32>
        %mul3A_62 = arith.mulf %get3A_60, %mul3A_61 : vector<16xf32>
        %swap3A_63 = arith.index_cast %add3A_50 : i32 to index
        %swap3A_64 = arith.constant 16 : index
        %swap3A_65 = tpu.vector_load %arg15[%swap3A_63, %swap3A_64] {strides = array<i32>} : memref<128x72xf32, #tpu.memory_space<vmem>>, vector<16xf32>,
        tpu.vector_store %arg15[%swap3A_63, %swap3A_64], %mul3A_62 {strides = array<i32>} : memref<128x72xf32, #tpu.memory_space<vmem>>, vector<16xf32>,
        %get3A_66 = arith.index_cast %add3A_50 : i32 to index
        %get3A_67 = arith.constant 32 : index
        %get3A_68 = tpu.vector_load %arg15[%get3A_66, %get3A_67] {strides = array<i32>} : memref<128x72xf32, #tpu.memory_space<vmem>>, vector<16xf32>,
        %mul3A_69 = vector.broadcast %squeeze3A : f32 to vector<16xf32>
        %mul3A_70 = arith.mulf %get3A_68, %mul3A_69 : vector<16xf32>
        %swap3A_71 = arith.index_cast %add3A_50 : i32 to index
        %swap3A_72 = arith.constant 32 : index
        %swap3A_73 = tpu.vector_load %arg15[%swap3A_71, %swap3A_72] {strides = array<i32>} : memref<128x72xf32, #tpu.memory_space<vmem>>, vector<16xf32>,
        tpu.vector_store %arg15[%swap3A_71, %swap3A_72], %mul3A_70 {strides = array<i32>} : memref<128x72xf32, #tpu.memory_space<vmem>>, vector<16xf32>,
        %get3A_74 = arith.index_cast %add3A_50 : i32 to index
        %get3A_75 = arith.constant 48 : index
        %get3A_76 = tpu.vector_load %arg15[%get3A_74, %get3A_75] {strides = array<i32>} : memref<128x72xf32, #tpu.memory_space<vmem>>, vector<16xf32>,
        %mul3A_77 = vector.broadcast %squeeze3A : f32 to vector<16xf32>
        %mul3A_78 = arith.mulf %get3A_76, %mul3A_77 : vector<16xf32>
        %swap3A_79 = arith.index_cast %add3A_50 : i32 to index
        %swap3A_80 = arith.constant 48 : index
        %swap3A_81 = tpu.vector_load %arg15[%swap3A_79, %swap3A_80] {strides = array<i32>} : memref<128x72xf32, #tpu.memory_space<vmem>>, vector<16xf32>,
        tpu.vector_store %arg15[%swap3A_79, %swap3A_80], %mul3A_78 {strides = array<i32>} : memref<128x72xf32, #tpu.memory_space<vmem>>, vector<16xf32>,
        %slice3A_82 = vector.extract_strided_slice %get3A_46 {offsets = [1], sizes = [1], strides = [1]} : vector<16xf32> to vector<1xf32>
        %squeeze3A_83 = vector.extract %slice3A_82[0] : f32 from vector<1xf32>
        %add3A_84 = arith.constant 1 : i32
        %add3A_85 = arith.addi %mul3A_48, %add3A_84 : i32
        %get3A_86 = arith.index_cast %add3A_85 : i32 to index
        %get3A_87 = arith.constant 0 : index
        %get3A_88 = tpu.vector_load %arg15[%get3A_86, %get3A_87] {strides = array<i32>} : memref<128x72xf32, #tpu.memory_space<vmem>>, vector<16xf32>,
        %mul3A_89 = vector.broadcast %squeeze3A_83 : f32 to vector<16xf32>
        %mul3A_90 = arith.mulf %get3A_88, %mul3A_89 : vector<16xf32>
        %swap3A_91 = arith.index_cast %add3A_85 : i32 to index
        %swap3A_92 = arith.constant 0 : index
        %swap3A_93 = tpu.vector_load %arg15[%swap3A_91, %swap3A_92] {strides = array<i32>} : memref<128x72xf32, #tpu.memory_space<vmem>>, vector<16xf32>,
        tpu.vector_store %arg15[%swap3A_91, %swap3A_92], %mul3A_90 {strides = array<i32>} : memref<128x72xf32, #tpu.memory_space<vmem>>, vector<16xf32>,
        %get3A_94 = arith.index_cast %add3A_85 : i32 to index
        %get3A_95 = arith.constant 16 : index
        %get3A_96 = tpu.vector_load %arg15[%get3A_94, %get3A_95] {strides = array<i32>} : memref<128x72xf32, #tpu.memory_space<vmem>>, vector<16xf32>,
        %mul3A_97 = vector.broadcast %squeeze3A_83 : f32 to vector<16xf32>
        %mul3A_98 = arith.mulf %get3A_96, %mul3A_97 : vector<16xf32>
        %swap3A_99 = arith.index_cast %add3A_85 : i32 to index
        %swap3A_100 = arith.constant 16 : index
        %swap3A_101 = tpu.vector_load %arg15[%swap3A_99, %swap3A_100] {strides = array<i32>} : memref<128x72xf32, #tpu.memory_space<vmem>>, vector<16xf32>,
        tpu.vector_store %arg15[%swap3A_99, %swap3A_100], %mul3A_98 {strides = array<i32>} : memref<128x72xf32, #tpu.memory_space<vmem>>, vector<16xf32>,
        %get3A_102 = arith.index_cast %add3A_85 : i32 to index
        %get3A_103 = arith.constant 32 : index
        %get3A_104 = tpu.vector_load %arg15[%get3A_102, %get3A_103] {strides = array<i32>} : memref<128x72xf32, #tpu.memory_space<vmem>>, vector<16xf32>,
        %mul3A_105 = vector.broadcast %squeeze3A_83 : f32 to vector<16xf32>
        %mul3A_106 = arith.mulf %get3A_104, %mul3A_105 : vector<16xf32>
        %swap3A_107 = arith.index_cast %add3A_85 : i32 to index
        %swap3A_108 = arith.constant 32 : index
        %swap3A_109 = tpu.vector_load %arg15[%swap3A_107, %swap3A_108] {strides = array<i32>} : memref<128x72xf32, #tpu.memory_space<vmem>>, vector<16xf32>,
        tpu.vector_store %arg15[%swap3A_107, %swap3A_108], %mul3A_106 {strides = array<i32>} : memref<128x72xf32, #tpu.memory_space<vmem>>, vector<16xf32>,
        %get3A_110 = arith.index_cast %add3A_85 : i32 to index
        %get3A_111 = arith.constant 48 : index
        %get3A_112 = tpu.vector_load %arg15[%get3A_110, %get3A_111] {strides = array<i32>} : memref<128x72xf32, #tpu.memory_space<vmem>>, vector<16xf32>,
        %mul3A_113 = vector.broadcast %squeeze3A_83 : f32 to vector<16xf32>
        %mul3A_114 = arith.mulf %get3A_112, %mul3A_113 : vector<16xf32>
        %swap3A_115 = arith.index_cast %add3A_85 : i32 to index
        %swap3A_116 = arith.constant 48 : index
        %swap3A_117 = tpu.vector_load %arg15[%swap3A_115, %swap3A_116] {strides = array<i32>} : memref<128x72xf32, #tpu.memory_space<vmem>>, vector<16xf32>,
        tpu.vector_store %arg15[%swap3A_115, %swap3A_116], %mul3A_114 {strides = array<i32>} : memref<128x72xf32, #tpu.memory_space<vmem>>, vector<16xf32>,
        %slice3A_118 = vector.extract_strided_slice %get3A_46 {offsets = [2], sizes = [1], strides = [1]} : vector<16xf32> to vector<1xf32>
        %squeeze3A_119 = vector.extract %slice3A_118[0] : f32 from vector<1xf32>
        %add3A_120 = arith.constant 2 : i32
        %add3A_121 = arith.addi %mul3A_48, %add3A_120 : i32
        %get3A_122 = arith.index_cast %add3A_121 : i32 to index
        %get3A_123 = arith.constant 0 : index
        %get3A_124 = tpu.vector_load %arg15[%get3A_122, %get3A_123] {strides = array<i32>} : memref<128x72xf32, #tpu.memory_space<vmem>>, vector<16xf32>,
        %mul3A_125 = vector.broadcast %squeeze3A_119 : f32 to vector<16xf32>
        %mul3A_126 = arith.mulf %get3A_124, %mul3A_125 : vector<16xf32>
        %swap3A_127 = arith.index_cast %add3A_121 : i32 to index
        %swap3A_128 = arith.constant 0 : index
        %swap3A_129 = tpu.vector_load %arg15[%swap3A_127, %swap3A_128] {strides = array<i32>} : memref<128x72xf32, #tpu.memory_space<vmem>>, vector<16xf32>,
        tpu.vector_store %arg15[%swap3A_127, %swap3A_128], %mul3A_126 {strides = array<i32>} : memref<128x72xf32, #tpu.memory_space<vmem>>, vector<16xf32>,
        %get3A_130 = arith.index_cast %add3A_121 : i32 to index
        %get3A_131 = arith.constant 16 : index
        %get3A_132 = tpu.vector_load %arg15[%get3A_130, %get3A_131] {strides = array<i32>} : memref<128x72xf32, #tpu.memory_space<vmem>>, vector<16xf32>,
        %mul3A_133 = vector.broadcast %squeeze3A_119 : f32 to vector<16xf32>
        %mul3A_134 = arith.mulf %get3A_132, %mul3A_133 : vector<16xf32>
        %swap3A_135 = arith.index_cast %add3A_121 : i32 to index
        %swap3A_136 = arith.constant 16 : index
        %swap3A_137 = tpu.vector_load %arg15[%swap3A_135, %swap3A_136] {strides = array<i32>} : memref<128x72xf32, #tpu.memory_space<vmem>>, vector<16xf32>,
        tpu.vector_store %arg15[%swap3A_135, %swap3A_136], %mul3A_134 {strides = array<i32>} : memref<128x72xf32, #tpu.memory_space<vmem>>, vector<16xf32>,
        %get3A_138 = arith.index_cast %add3A_121 : i32 to index
        %get3A_139 = arith.constant 32 : index
        %get3A_140 = tpu.vector_load %arg15[%get3A_138, %get3A_139] {strides = array<i32>} : memref<128x72xf32, #tpu.memory_space<vmem>>, vector<16xf32>,
        %mul3A_141 = vector.broadcast %squeeze3A_119 : f32 to vector<16xf32>
        %mul3A_142 = arith.mulf %get3A_140, %mul3A_141 : vector<16xf32>
        %swap3A_143 = arith.index_cast %add3A_121 : i32 to index
        %swap3A_144 = arith.constant 32 : index
        %swap3A_145 = tpu.vector_load %arg15[%swap3A_143, %swap3A_144] {strides = array<i32>} : memref<128x72xf32, #tpu.memory_space<vmem>>, vector<16xf32>,
        tpu.vector_store %arg15[%swap3A_143, %swap3A_144], %mul3A_142 {strides = array<i32>} : memref<128x72xf32, #tpu.memory_space<vmem>>, vector<16xf32>,
        %get3A_146 = arith.index_cast %add3A_121 : i32 to index
        %get3A_147 = arith.constant 48 : index
        %get3A_148 = tpu.vector_load %arg15[%get3A_146, %get3A_147] {strides = array<i32>} : memref<128x72xf32, #tpu.memory_space<vmem>>, vector<16xf32>,
        %mul3A_149 = vector.broadcast %squeeze3A_119 : f32 to vector<16xf32>
        %mul3A_150 = arith.mulf %get3A_148, %mul3A_149 : vector<16xf32>
        %swap3A_151 = arith.index_cast %add3A_121 : i32 to index
        %swap3A_152 = arith.constant 48 : index
        %swap3A_153 = tpu.vector_load %arg15[%swap3A_151, %swap3A_152] {strides = array<i32>} : memref<128x72xf32, #tpu.memory_space<vmem>>, vector<16xf32>,
        tpu.vector_store %arg15[%swap3A_151, %swap3A_152], %mul3A_150 {strides = array<i32>} : memref<128x72xf32, #tpu.memory_space<vmem>>, vector<16xf32>,
        %slice3A_154 = vector.extract_strided_slice %get3A_46 {offsets = [3], sizes = [1], strides = [1]} : vector<16xf32> to vector<1xf32>
        %squeeze3A_155 = vector.extract %slice3A_154[0] : f32 from vector<1xf32>
        %add3A_156 = arith.constant 3 : i32
        %add3A_157 = arith.addi %mul3A_48, %add3A_156 : i32
        %get3A_158 = arith.index_cast %add3A_157 : i32 to index
        %get3A_159 = arith.constant 0 : index
        %get3A_160 = tpu.vector_load %arg15[%get3A_158, %get3A_159] {strides = array<i32>} : memref<128x72xf32, #tpu.memory_space<vmem>>, vector<16xf32>,
        %mul3A_161 = vector.broadcast %squeeze3A_155 : f32 to vector<16xf32>
        %mul3A_162 = arith.mulf %get3A_160, %mul3A_161 : vector<16xf32>
        %swap3A_163 = arith.index_cast %add3A_157 : i32 to index
        %swap3A_164 = arith.constant 0 : index
        %swap3A_165 = tpu.vector_load %arg15[%swap3A_163, %swap3A_164] {strides = array<i32>} : memref<128x72xf32, #tpu.memory_space<vmem>>, vector<16xf32>,
        tpu.vector_store %arg15[%swap3A_163, %swap3A_164], %mul3A_162 {strides = array<i32>} : memref<128x72xf32, #tpu.memory_space<vmem>>, vector<16xf32>,
        %get3A_166 = arith.index_cast %add3A_157 : i32 to index
        %get3A_167 = arith.constant 16 : index
        %get3A_168 = tpu.vector_load %arg15[%get3A_166, %get3A_167] {strides = array<i32>} : memref<128x72xf32, #tpu.memory_space<vmem>>, vector<16xf32>,
        %mul3A_169 = vector.broadcast %squeeze3A_155 : f32 to vector<16xf32>
        %mul3A_170 = arith.mulf %get3A_168, %mul3A_169 : vector<16xf32>
        %swap3A_171 = arith.index_cast %add3A_157 : i32 to index
        %swap3A_172 = arith.constant 16 : index
        %swap3A_173 = tpu.vector_load %arg15[%swap3A_171, %swap3A_172] {strides = array<i32>} : memref<128x72xf32, #tpu.memory_space<vmem>>, vector<16xf32>,
        tpu.vector_store %arg15[%swap3A_171, %swap3A_172], %mul3A_170 {strides = array<i32>} : memref<128x72xf32, #tpu.memory_space<vmem>>, vector<16xf32>,
        %get3A_174 = arith.index_cast %add3A_157 : i32 to index
        %get3A_175 = arith.constant 32 : index
        %get3A_176 = tpu.vector_load %arg15[%get3A_174, %get3A_175] {strides = array<i32>} : memref<128x72xf32, #tpu.memory_space<vmem>>, vector<16xf32>,
        %mul3A_177 = vector.broadcast %squeeze3A_155 : f32 to vector<16xf32>
        %mul3A_178 = arith.mulf %get3A_176, %mul3A_177 : vector<16xf32>
        %swap3A_179 = arith.index_cast %add3A_157 : i32 to index
        %swap3A_180 = arith.constant 32 : index
        %swap3A_181 = tpu.vector_load %arg15[%swap3A_179, %swap3A_180] {strides = array<i32>} : memref<128x72xf32, #tpu.memory_space<vmem>>, vector<16xf32>,
        tpu.vector_store %arg15[%swap3A_179, %swap3A_180], %mul3A_178 {strides = array<i32>} : memref<128x72xf32, #tpu.memory_space<vmem>>, vector<16xf32>,
        %get3A_182 = arith.index_cast %add3A_157 : i32 to index
        %get3A_183 = arith.constant 48 : index
        %get3A_184 = tpu.vector_load %arg15[%get3A_182, %get3A_183] {strides = array<i32>} : memref<128x72xf32, #tpu.memory_space<vmem>>, vector<16xf32>,
        %mul3A_185 = vector.broadcast %squeeze3A_155 : f32 to vector<16xf32>
        %mul3A_186 = arith.mulf %get3A_184, %mul3A_185 : vector<16xf32>
        %swap3A_187 = arith.index_cast %add3A_157 : i32 to index
        %swap3A_188 = arith.constant 48 : index
        %swap3A_189 = tpu.vector_load %arg15[%swap3A_187, %swap3A_188] {strides = array<i32>} : memref<128x72xf32, #tpu.memory_space<vmem>>, vector<16xf32>,
        tpu.vector_store %arg15[%swap3A_187, %swap3A_188], %mul3A_186 {strides = array<i32>} : memref<128x72xf32, #tpu.memory_space<vmem>>, vector<16xf32>,
        %slice3A_190 = vector.extract_strided_slice %get3A_46 {offsets = [4], sizes = [1], strides = [1]} : vector<16xf32> to vector<1xf32>
        %squeeze3A_191 = vector.extract %slice3A_190[0] : f32 from vector<1xf32>
        %add3A_192 = arith.constant 4 : i32
        %add3A_193 = arith.addi %mul3A_48, %add3A_192 : i32
        %get3A_194 = arith.index_cast %add3A_193 : i32 to index
        %get3A_195 = arith.constant 0 : index
        %get3A_196 = tpu.vector_load %arg15[%get3A_194, %get3A_195] {strides = array<i32>} : memref<128x72xf32, #tpu.memory_space<vmem>>, vector<16xf32>,
        %mul3A_197 = vector.broadcast %squeeze3A_191 : f32 to vector<16xf32>
        %mul3A_198 = arith.mulf %get3A_196, %mul3A_197 : vector<16xf32>
        %swap3A_199 = arith.index_cast %add3A_193 : i32 to index
        %swap3A_200 = arith.constant 0 : index
        %swap3A_201 = tpu.vector_load %arg15[%swap3A_199, %swap3A_200] {strides = array<i32>} : memref<128x72xf32, #tpu.memory_space<vmem>>, vector<16xf32>,
        tpu.vector_store %arg15[%swap3A_199, %swap3A_200], %mul3A_198 {strides = array<i32>} : memref<128x72xf32, #tpu.memory_space<vmem>>, vector<16xf32>,
        %get3A_202 = arith.index_cast %add3A_193 : i32 to index
        %get3A_203 = arith.constant 16 : index
        %get3A_204 = tpu.vector_load %arg15[%get3A_202, %get3A_203] {strides = array<i32>} : memref<128x72xf32, #tpu.memory_space<vmem>>, vector<16xf32>,
        %mul3A_205 = vector.broadcast %squeeze3A_191 : f32 to vector<16xf32>
        %mul3A_206 = arith.mulf %get3A_204, %mul3A_205 : vector<16xf32>
        %swap3A_207 = arith.index_cast %add3A_193 : i32 to index
        %swap3A_208 = arith.constant 16 : index
        %swap3A_209 = tpu.vector_load %arg15[%swap3A_207, %swap3A_208] {strides = array<i32>} : memref<128x72xf32, #tpu.memory_space<vmem>>, vector<16xf32>,
        tpu.vector_store %arg15[%swap3A_207, %swap3A_208], %mul3A_206 {strides = array<i32>} : memref<128x72xf32, #tpu.memory_space<vmem>>, vector<16xf32>,
        %get3A_210 = arith.index_cast %add3A_193 : i32 to index
        %get3A_211 = arith.constant 32 : index
        %get3A_212 = tpu.vector_load %arg15[%get3A_210, %get3A_211] {strides = array<i32>} : memref<128x72xf32, #tpu.memory_space<vmem>>, vector<16xf32>,
        %mul3A_213 = vector.broadcast %squeeze3A_191 : f32 to vector<16xf32>
        %mul3A_214 = arith.mulf %get3A_212, %mul3A_213 : vector<16xf32>
        %swap3A_215 = arith.index_cast %add3A_193 : i32 to index
        %swap3A_216 = arith.constant 32 : index
        %swap3A_217 = tpu.vector_load %arg15[%swap3A_215, %swap3A_216] {strides = array<i32>} : memref<128x72xf32, #tpu.memory_space<vmem>>, vector<16xf32>,
        tpu.vector_store %arg15[%swap3A_215, %swap3A_216], %mul3A_214 {strides = array<i32>} : memref<128x72xf32, #tpu.memory_space<vmem>>, vector<16xf32>,
        %get3A_218 = arith.index_cast %add3A_193 : i32 to index
        %get3A_219 = arith.constant 48 : index
        %get3A_220 = tpu.vector_load %arg15[%get3A_218, %get3A_219] {strides = array<i32>} : memref<128x72xf32, #tpu.memory_space<vmem>>, vector<16xf32>,
        %mul3A_221 = vector.broadcast %squeeze3A_191 : f32 to vector<16xf32>
        %mul3A_222 = arith.mulf %get3A_220, %mul3A_221 : vector<16xf32>
        %swap3A_223 = arith.index_cast %add3A_193 : i32 to index
        %swap3A_224 = arith.constant 48 : index
        %swap3A_225 = tpu.vector_load %arg15[%swap3A_223, %swap3A_224] {strides = array<i32>} : memref<128x72xf32, #tpu.memory_space<vmem>>, vector<16xf32>,
        tpu.vector_store %arg15[%swap3A_223, %swap3A_224], %mul3A_222 {strides = array<i32>} : memref<128x72xf32, #tpu.memory_space<vmem>>, vector<16xf32>,
        %slice3A_226 = vector.extract_strided_slice %get3A_46 {offsets = [5], sizes = [1], strides = [1]} : vector<16xf32> to vector<1xf32>
        %squeeze3A_227 = vector.extract %slice3A_226[0] : f32 from vector<1xf32>
        %add3A_228 = arith.constant 5 : i32
        %add3A_229 = arith.addi %mul3A_48, %add3A_228 : i32
        %get3A_230 = arith.index_cast %add3A_229 : i32 to index
        %get3A_231 = arith.constant 0 : index
        %get3A_232 = tpu.vector_load %arg15[%get3A_230, %get3A_231] {strides = array<i32>} : memref<128x72xf32, #tpu.memory_space<vmem>>, vector<16xf32>,
        %mul3A_233 = vector.broadcast %squeeze3A_227 : f32 to vector<16xf32>
        %mul3A_234 = arith.mulf %get3A_232, %mul3A_233 : vector<16xf32>
        %swap3A_235 = arith.index_cast %add3A_229 : i32 to index
        %swap3A_236 = arith.constant 0 : index
        %swap3A_237 = tpu.vector_load %arg15[%swap3A_235, %swap3A_236] {strides = array<i32>} : memref<128x72xf32, #tpu.memory_space<vmem>>, vector<16xf32>,
        tpu.vector_store %arg15[%swap3A_235, %swap3A_236], %mul3A_234 {strides = array<i32>} : memref<128x72xf32, #tpu.memory_space<vmem>>, vector<16xf32>,
        %get3A_238 = arith.index_cast %add3A_229 : i32 to index
        %get3A_239 = arith.constant 16 : index
        %get3A_240 = tpu.vector_load %arg15[%get3A_238, %get3A_239] {strides = array<i32>} : memref<128x72xf32, #tpu.memory_space<vmem>>, vector<16xf32>,
        %mul3A_241 = vector.broadcast %squeeze3A_227 : f32 to vector<16xf32>
        %mul3A_242 = arith.mulf %get3A_240, %mul3A_241 : vector<16xf32>
        %swap3A_243 = arith.index_cast %add3A_229 : i32 to index
        %swap3A_244 = arith.constant 16 : index
        %swap3A_245 = tpu.vector_load %arg15[%swap3A_243, %swap3A_244] {strides = array<i32>} : memref<128x72xf32, #tpu.memory_space<vmem>>, vector<16xf32>,
        tpu.vector_store %arg15[%swap3A_243, %swap3A_244], %mul3A_242 {strides = array<i32>} : memref<128x72xf32, #tpu.memory_space<vmem>>, vector<16xf32>,
        %get3A_246 = arith.index_cast %add3A_229 : i32 to index
        %get3A_247 = arith.constant 32 : index
        %get3A_248 = tpu.vector_load %arg15[%get3A_246, %get3A_247] {strides = array<i32>} : memref<128x72xf32, #tpu.memory_space<vmem>>, vector<16xf32>,
        %mul3A_249 = vector.broadcast %squeeze3A_227 : f32 to vector<16xf32>
        %mul3A_250 = arith.mulf %get3A_248, %mul3A_249 : vector<16xf32>
        %swap3A_251 = arith.index_cast %add3A_229 : i32 to index
        %swap3A_252 = arith.constant 32 : index
        %swap3A_253 = tpu.vector_load %arg15[%swap3A_251, %swap3A_252] {strides = array<i32>} : memref<128x72xf32, #tpu.memory_space<vmem>>, vector<16xf32>,
        tpu.vector_store %arg15[%swap3A_251, %swap3A_252], %mul3A_250 {strides = array<i32>} : memref<128x72xf32, #tpu.memory_space<vmem>>, vector<16xf32>,
        %get3A_254 = arith.index_cast %add3A_229 : i32 to index
        %get3A_255 = arith.constant 48 : index
        %get3A_256 = tpu.vector_load %arg15[%get3A_254, %get3A_255] {strides = array<i32>} : memref<128x72xf32, #tpu.memory_space<vmem>>, vector<16xf32>,
        %mul3A_257 = vector.broadcast %squeeze3A_227 : f32 to vector<16xf32>
        %mul3A_258 = arith.mulf %get3A_256, %mul3A_257 : vector<16xf32>
        %swap3A_259 = arith.index_cast %add3A_229 : i32 to index
        %swap3A_260 = arith.constant 48 : index
        %swap3A_261 = tpu.vector_load %arg15[%swap3A_259, %swap3A_260] {strides = array<i32>} : memref<128x72xf32, #tpu.memory_space<vmem>>, vector<16xf32>,
        tpu.vector_store %arg15[%swap3A_259, %swap3A_260], %mul3A_258 {strides = array<i32>} : memref<128x72xf32, #tpu.memory_space<vmem>>, vector<16xf32>,
        %slice3A_262 = vector.extract_strided_slice %get3A_46 {offsets = [6], sizes = [1], strides = [1]} : vector<16xf32> to vector<1xf32>
        %squeeze3A_263 = vector.extract %slice3A_262[0] : f32 from vector<1xf32>
        %add3A_264 = arith.constant 6 : i32
        %add3A_265 = arith.addi %mul3A_48, %add3A_264 : i32
        %get3A_266 = arith.index_cast %add3A_265 : i32 to index
        %get3A_267 = arith.constant 0 : index
        %get3A_268 = tpu.vector_load %arg15[%get3A_266, %get3A_267] {strides = array<i32>} : memref<128x72xf32, #tpu.memory_space<vmem>>, vector<16xf32>,
        %mul3A_269 = vector.broadcast %squeeze3A_263 : f32 to vector<16xf32>
        %mul3A_270 = arith.mulf %get3A_268, %mul3A_269 : vector<16xf32>
        %swap3A_271 = arith.index_cast %add3A_265 : i32 to index
        %swap3A_272 = arith.constant 0 : index
        %swap3A_273 = tpu.vector_load %arg15[%swap3A_271, %swap3A_272] {strides = array<i32>} : memref<128x72xf32, #tpu.memory_space<vmem>>, vector<16xf32>,
        tpu.vector_store %arg15[%swap3A_271, %swap3A_272], %mul3A_270 {strides = array<i32>} : memref<128x72xf32, #tpu.memory_space<vmem>>, vector<16xf32>,
        %get3A_274 = arith.index_cast %add3A_265 : i32 to index
        %get3A_275 = arith.constant 16 : index
        %get3A_276 = tpu.vector_load %arg15[%get3A_274, %get3A_275] {strides = array<i32>} : memref<128x72xf32, #tpu.memory_space<vmem>>, vector<16xf32>,
        %mul3A_277 = vector.broadcast %squeeze3A_263 : f32 to vector<16xf32>
        %mul3A_278 = arith.mulf %get3A_276, %mul3A_277 : vector<16xf32>
        %swap3A_279 = arith.index_cast %add3A_265 : i32 to index
        %swap3A_280 = arith.constant 16 : index
        %swap3A_281 = tpu.vector_load %arg15[%swap3A_279, %swap3A_280] {strides = array<i32>} : memref<128x72xf32, #tpu.memory_space<vmem>>, vector<16xf32>,
        tpu.vector_store %arg15[%swap3A_279, %swap3A_280], %mul3A_278 {strides = array<i32>} : memref<128x72xf32, #tpu.memory_space<vmem>>, vector<16xf32>,
        %get3A_282 = arith.index_cast %add3A_265 : i32 to index
        %get3A_283 = arith.constant 32 : index
        %get3A_284 = tpu.vector_load %arg15[%get3A_282, %get3A_283] {strides = array<i32>} : memref<128x72xf32, #tpu.memory_space<vmem>>, vector<16xf32>,
        %mul3A_285 = vector.broadcast %squeeze3A_263 : f32 to vector<16xf32>
        %mul3A_286 = arith.mulf %get3A_284, %mul3A_285 : vector<16xf32>
        %swap3A_287 = arith.index_cast %add3A_265 : i32 to index
        %swap3A_288 = arith.constant 32 : index
        %swap3A_289 = tpu.vector_load %arg15[%swap3A_287, %swap3A_288] {strides = array<i32>} : memref<128x72xf32, #tpu.memory_space<vmem>>, vector<16xf32>,
        tpu.vector_store %arg15[%swap3A_287, %swap3A_288], %mul3A_286 {strides = array<i32>} : memref<128x72xf32, #tpu.memory_space<vmem>>, vector<16xf32>,
        %get3A_290 = arith.index_cast %add3A_265 : i32 to index
        %get3A_291 = arith.constant 48 : index
        %get3A_292 = tpu.vector_load %arg15[%get3A_290, %get3A_291] {strides = array<i32>} : memref<128x72xf32, #tpu.memory_space<vmem>>, vector<16xf32>,
        %mul3A_293 = vector.broadcast %squeeze3A_263 : f32 to vector<16xf32>
        %mul3A_294 = arith.mulf %get3A_292, %mul3A_293 : vector<16xf32>
        %swap3A_295 = arith.index_cast %add3A_265 : i32 to index
        %swap3A_296 = arith.constant 48 : index
        %swap3A_297 = tpu.vector_load %arg15[%swap3A_295, %swap3A_296] {strides = array<i32>} : memref<128x72xf32, #tpu.memory_space<vmem>>, vector<16xf32>,
        tpu.vector_store %arg15[%swap3A_295, %swap3A_296], %mul3A_294 {strides = array<i32>} : memref<128x72xf32, #tpu.memory_space<vmem>>, vector<16xf32>,
        %slice3A_298 = vector.extract_strided_slice %get3A_46 {offsets = [7], sizes = [1], strides = [1]} : vector<16xf32> to vector<1xf32>
        %squeeze3A_299 = vector.extract %slice3A_298[0] : f32 from vector<1xf32>
        %add3A_300 = arith.constant 7 : i32
        %add3A_301 = arith.addi %mul3A_48, %add3A_300 : i32
        %get3A_302 = arith.index_cast %add3A_301 : i32 to index
        %get3A_303 = arith.constant 0 : index
        %get3A_304 = tpu.vector_load %arg15[%get3A_302, %get3A_303] {strides = array<i32>} : memref<128x72xf32, #tpu.memory_space<vmem>>, vector<16xf32>,
        %mul3A_305 = vector.broadcast %squeeze3A_299 : f32 to vector<16xf32>
        %mul3A_306 = arith.mulf %get3A_304, %mul3A_305 : vector<16xf32>
        %swap3A_307 = arith.index_cast %add3A_301 : i32 to index
        %swap3A_308 = arith.constant 0 : index
        %swap3A_309 = tpu.vector_load %arg15[%swap3A_307, %swap3A_308] {strides = array<i32>} : memref<128x72xf32, #tpu.memory_space<vmem>>, vector<16xf32>,
        tpu.vector_store %arg15[%swap3A_307, %swap3A_308], %mul3A_306 {strides = array<i32>} : memref<128x72xf32, #tpu.memory_space<vmem>>, vector<16xf32>,
        %get3A_310 = arith.index_cast %add3A_301 : i32 to index
        %get3A_311 = arith.constant 16 : index
        %get3A_312 = tpu.vector_load %arg15[%get3A_310, %get3A_311] {strides = array<i32>} : memref<128x72xf32, #tpu.memory_space<vmem>>, vector<16xf32>,
        %mul3A_313 = vector.broadcast %squeeze3A_299 : f32 to vector<16xf32>
        %mul3A_314 = arith.mulf %get3A_312, %mul3A_313 : vector<16xf32>
        %swap3A_315 = arith.index_cast %add3A_301 : i32 to index
        %swap3A_316 = arith.constant 16 : index
        %swap3A_317 = tpu.vector_load %arg15[%swap3A_315, %swap3A_316] {strides = array<i32>} : memref<128x72xf32, #tpu.memory_space<vmem>>, vector<16xf32>,
        tpu.vector_store %arg15[%swap3A_315, %swap3A_316], %mul3A_314 {strides = array<i32>} : memref<128x72xf32, #tpu.memory_space<vmem>>, vector<16xf32>,
        %get3A_318 = arith.index_cast %add3A_301 : i32 to index
        %get3A_319 = arith.constant 32 : index
        %get3A_320 = tpu.vector_load %arg15[%get3A_318, %get3A_319] {strides = array<i32>} : memref<128x72xf32, #tpu.memory_space<vmem>>, vector<16xf32>,
        %mul3A_321 = vector.broadcast %squeeze3A_299 : f32 to vector<16xf32>
        %mul3A_322 = arith.mulf %get3A_320, %mul3A_321 : vector<16xf32>
        %swap3A_323 = arith.index_cast %add3A_301 : i32 to index
        %swap3A_324 = arith.constant 32 : index
        %swap3A_325 = tpu.vector_load %arg15[%swap3A_323, %swap3A_324] {strides = array<i32>} : memref<128x72xf32, #tpu.memory_space<vmem>>, vector<16xf32>,
        tpu.vector_store %arg15[%swap3A_323, %swap3A_324], %mul3A_322 {strides = array<i32>} : memref<128x72xf32, #tpu.memory_space<vmem>>, vector<16xf32>,
        %get3A_326 = arith.index_cast %add3A_301 : i32 to index
        %get3A_327 = arith.constant 48 : index
        %get3A_328 = tpu.vector_load %arg15[%get3A_326, %get3A_327] {strides = array<i32>} : memref<128x72xf32, #tpu.memory_space<vmem>>, vector<16xf32>,
        %mul3A_329 = vector.broadcast %squeeze3A_299 : f32 to vector<16xf32>
        %mul3A_330 = arith.mulf %get3A_328, %mul3A_329 : vector<16xf32>
        %swap3A_331 = arith.index_cast %add3A_301 : i32 to index
        %swap3A_332 = arith.constant 48 : index
        %swap3A_333 = tpu.vector_load %arg15[%swap3A_331, %swap3A_332] {strides = array<i32>} : memref<128x72xf32, #tpu.memory_space<vmem>>, vector<16xf32>,
        tpu.vector_store %arg15[%swap3A_331, %swap3A_332], %mul3A_330 {strides = array<i32>} : memref<128x72xf32, #tpu.memory_space<vmem>>, vector<16xf32>,
        %slice3A_334 = vector.extract_strided_slice %get3A_46 {offsets = [8], sizes = [1], strides = [1]} : vector<16xf32> to vector<1xf32>
        %squeeze3A_335 = vector.extract %slice3A_334[0] : f32 from vector<1xf32>
        %add3A_336 = arith.constant 8 : i32
        %add3A_337 = arith.addi %mul3A_48, %add3A_336 : i32
        %get3A_338 = arith.index_cast %add3A_337 : i32 to index
        %get3A_339 = arith.constant 0 : index
        %get3A_340 = tpu.vector_load %arg15[%get3A_338, %get3A_339] {strides = array<i32>} : memref<128x72xf32, #tpu.memory_space<vmem>>, vector<16xf32>,
        %mul3A_341 = vector.broadcast %squeeze3A_335 : f32 to vector<16xf32>
        %mul3A_342 = arith.mulf %get3A_340, %mul3A_341 : vector<16xf32>
        %swap3A_343 = arith.index_cast %add3A_337 : i32 to index
        %swap3A_344 = arith.constant 0 : index
        %swap3A_345 = tpu.vector_load %arg15[%swap3A_343, %swap3A_344] {strides = array<i32>} : memref<128x72xf32, #tpu.memory_space<vmem>>, vector<16xf32>,
        tpu.vector_store %arg15[%swap3A_343, %swap3A_344], %mul3A_342 {strides = array<i32>} : memref<128x72xf32, #tpu.memory_space<vmem>>, vector<16xf32>,
        %get3A_346 = arith.index_cast %add3A_337 : i32 to index
        %get3A_347 = arith.constant 16 : index
        %get3A_348 = tpu.vector_load %arg15[%get3A_346, %get3A_347] {strides = array<i32>} : memref<128x72xf32, #tpu.memory_space<vmem>>, vector<16xf32>,
        %mul3A_349 = vector.broadcast %squeeze3A_335 : f32 to vector<16xf32>
        %mul3A_350 = arith.mulf %get3A_348, %mul3A_349 : vector<16xf32>
        %swap3A_351 = arith.index_cast %add3A_337 : i32 to index
        %swap3A_352 = arith.constant 16 : index
        %swap3A_353 = tpu.vector_load %arg15[%swap3A_351, %swap3A_352] {strides = array<i32>} : memref<128x72xf32, #tpu.memory_space<vmem>>, vector<16xf32>,
        tpu.vector_store %arg15[%swap3A_351, %swap3A_352], %mul3A_350 {strides = array<i32>} : memref<128x72xf32, #tpu.memory_space<vmem>>, vector<16xf32>,
        %get3A_354 = arith.index_cast %add3A_337 : i32 to index
        %get3A_355 = arith.constant 32 : index
        %get3A_356 = tpu.vector_load %arg15[%get3A_354, %get3A_355] {strides = array<i32>} : memref<128x72xf32, #tpu.memory_space<vmem>>, vector<16xf32>,
        %mul3A_357 = vector.broadcast %squeeze3A_335 : f32 to vector<16xf32>
        %mul3A_358 = arith.mulf %get3A_356, %mul3A_357 : vector<16xf32>
        %swap3A_359 = arith.index_cast %add3A_337 : i32 to index
        %swap3A_360 = arith.constant 32 : index
        %swap3A_361 = tpu.vector_load %arg15[%swap3A_359, %swap3A_360] {strides = array<i32>} : memref<128x72xf32, #tpu.memory_space<vmem>>, vector<16xf32>,
        tpu.vector_store %arg15[%swap3A_359, %swap3A_360], %mul3A_358 {strides = array<i32>} : memref<128x72xf32, #tpu.memory_space<vmem>>, vector<16xf32>,
        %get3A_362 = arith.index_cast %add3A_337 : i32 to index
        %get3A_363 = arith.constant 48 : index
        %get3A_364 = tpu.vector_load %arg15[%get3A_362, %get3A_363] {strides = array<i32>} : memref<128x72xf32, #tpu.memory_space<vmem>>, vector<16xf32>,
        %mul3A_365 = vector.broadcast %squeeze3A_335 : f32 to vector<16xf32>
        %mul3A_366 = arith.mulf %get3A_364, %mul3A_365 : vector<16xf32>
        %swap3A_367 = arith.index_cast %add3A_337 : i32 to index
        %swap3A_368 = arith.constant 48 : index
        %swap3A_369 = tpu.vector_load %arg15[%swap3A_367, %swap3A_368] {strides = array<i32>} : memref<128x72xf32, #tpu.memory_space<vmem>>, vector<16xf32>,
        tpu.vector_store %arg15[%swap3A_367, %swap3A_368], %mul3A_366 {strides = array<i32>} : memref<128x72xf32, #tpu.memory_space<vmem>>, vector<16xf32>,
        %slice3A_370 = vector.extract_strided_slice %get3A_46 {offsets = [9], sizes = [1], strides = [1]} : vector<16xf32> to vector<1xf32>
        %squeeze3A_371 = vector.extract %slice3A_370[0] : f32 from vector<1xf32>
        %add3A_372 = arith.constant 9 : i32
        %add3A_373 = arith.addi %mul3A_48, %add3A_372 : i32
        %get3A_374 = arith.index_cast %add3A_373 : i32 to index
        %get3A_375 = arith.constant 0 : index
        %get3A_376 = tpu.vector_load %arg15[%get3A_374, %get3A_375] {strides = array<i32>} : memref<128x72xf32, #tpu.memory_space<vmem>>, vector<16xf32>,
        %mul3A_377 = vector.broadcast %squeeze3A_371 : f32 to vector<16xf32>
        %mul3A_378 = arith.mulf %get3A_376, %mul3A_377 : vector<16xf32>
        %swap3A_379 = arith.index_cast %add3A_373 : i32 to index
        %swap3A_380 = arith.constant 0 : index
        %swap3A_381 = tpu.vector_load %arg15[%swap3A_379, %swap3A_380] {strides = array<i32>} : memref<128x72xf32, #tpu.memory_space<vmem>>, vector<16xf32>,
        tpu.vector_store %arg15[%swap3A_379, %swap3A_380], %mul3A_378 {strides = array<i32>} : memref<128x72xf32, #tpu.memory_space<vmem>>, vector<16xf32>,
        %get3A_382 = arith.index_cast %add3A_373 : i32 to index
        %get3A_383 = arith.constant 16 : index
        %get3A_384 = tpu.vector_load %arg15[%get3A_382, %get3A_383] {strides = array<i32>} : memref<128x72xf32, #tpu.memory_space<vmem>>, vector<16xf32>,
        %mul3A_385 = vector.broadcast %squeeze3A_371 : f32 to vector<16xf32>
        %mul3A_386 = arith.mulf %get3A_384, %mul3A_385 : vector<16xf32>
        %swap3A_387 = arith.index_cast %add3A_373 : i32 to index
        %swap3A_388 = arith.constant 16 : index
        %swap3A_389 = tpu.vector_load %arg15[%swap3A_387, %swap3A_388] {strides = array<i32>} : memref<128x72xf32, #tpu.memory_space<vmem>>, vector<16xf32>,
        tpu.vector_store %arg15[%swap3A_387, %swap3A_388], %mul3A_386 {strides = array<i32>} : memref<128x72xf32, #tpu.memory_space<vmem>>, vector<16xf32>,
        %get3A_390 = arith.index_cast %add3A_373 : i32 to index
        %get3A_391 = arith.constant 32 : index
        %get3A_392 = tpu.vector_load %arg15[%get3A_390, %get3A_391] {strides = array<i32>} : memref<128x72xf32, #tpu.memory_space<vmem>>, vector<16xf32>,
        %mul3A_393 = vector.broadcast %squeeze3A_371 : f32 to vector<16xf32>
        %mul3A_394 = arith.mulf %get3A_392, %mul3A_393 : vector<16xf32>
        %swap3A_395 = arith.index_cast %add3A_373 : i32 to index
        %swap3A_396 = arith.constant 32 : index
        %swap3A_397 = tpu.vector_load %arg15[%swap3A_395, %swap3A_396] {strides = array<i32>} : memref<128x72xf32, #tpu.memory_space<vmem>>, vector<16xf32>,
        tpu.vector_store %arg15[%swap3A_395, %swap3A_396], %mul3A_394 {strides = array<i32>} : memref<128x72xf32, #tpu.memory_space<vmem>>, vector<16xf32>,
        %get3A_398 = arith.index_cast %add3A_373 : i32 to index
        %get3A_399 = arith.constant 48 : index
        %get3A_400 = tpu.vector_load %arg15[%get3A_398, %get3A_399] {strides = array<i32>} : memref<128x72xf32, #tpu.memory_space<vmem>>, vector<16xf32>,
        %mul3A_401 = vector.broadcast %squeeze3A_371 : f32 to vector<16xf32>
        %mul3A_402 = arith.mulf %get3A_400, %mul3A_401 : vector<16xf32>
        %swap3A_403 = arith.index_cast %add3A_373 : i32 to index
        %swap3A_404 = arith.constant 48 : index
        %swap3A_405 = tpu.vector_load %arg15[%swap3A_403, %swap3A_404] {strides = array<i32>} : memref<128x72xf32, #tpu.memory_space<vmem>>, vector<16xf32>,
        tpu.vector_store %arg15[%swap3A_403, %swap3A_404], %mul3A_402 {strides = array<i32>} : memref<128x72xf32, #tpu.memory_space<vmem>>, vector<16xf32>,
        %slice3A_406 = vector.extract_strided_slice %get3A_46 {offsets = [10], sizes = [1], strides = [1]} : vector<16xf32> to vector<1xf32>
        %squeeze3A_407 = vector.extract %slice3A_406[0] : f32 from vector<1xf32>
        %add3A_408 = arith.constant 10 : i32
        %add3A_409 = arith.addi %mul3A_48, %add3A_408 : i32
        %get3A_410 = arith.index_cast %add3A_409 : i32 to index
        %get3A_411 = arith.constant 0 : index
        %get3A_412 = tpu.vector_load %arg15[%get3A_410, %get3A_411] {strides = array<i32>} : memref<128x72xf32, #tpu.memory_space<vmem>>, vector<16xf32>,
        %mul3A_413 = vector.broadcast %squeeze3A_407 : f32 to vector<16xf32>
        %mul3A_414 = arith.mulf %get3A_412, %mul3A_413 : vector<16xf32>
        %swap3A_415 = arith.index_cast %add3A_409 : i32 to index
        %swap3A_416 = arith.constant 0 : index
        %swap3A_417 = tpu.vector_load %arg15[%swap3A_415, %swap3A_416] {strides = array<i32>} : memref<128x72xf32, #tpu.memory_space<vmem>>, vector<16xf32>,
        tpu.vector_store %arg15[%swap3A_415, %swap3A_416], %mul3A_414 {strides = array<i32>} : memref<128x72xf32, #tpu.memory_space<vmem>>, vector<16xf32>,
        %get3A_418 = arith.index_cast %add3A_409 : i32 to index
        %get3A_419 = arith.constant 16 : index
        %get3A_420 = tpu.vector_load %arg15[%get3A_418, %get3A_419] {strides = array<i32>} : memref<128x72xf32, #tpu.memory_space<vmem>>, vector<16xf32>,
        %mul3A_421 = vector.broadcast %squeeze3A_407 : f32 to vector<16xf32>
        %mul3A_422 = arith.mulf %get3A_420, %mul3A_421 : vector<16xf32>
        %swap3A_423 = arith.index_cast %add3A_409 : i32 to index
        %swap3A_424 = arith.constant 16 : index
        %swap3A_425 = tpu.vector_load %arg15[%swap3A_423, %swap3A_424] {strides = array<i32>} : memref<128x72xf32, #tpu.memory_space<vmem>>, vector<16xf32>,
        tpu.vector_store %arg15[%swap3A_423, %swap3A_424], %mul3A_422 {strides = array<i32>} : memref<128x72xf32, #tpu.memory_space<vmem>>, vector<16xf32>,
        %get3A_426 = arith.index_cast %add3A_409 : i32 to index
        %get3A_427 = arith.constant 32 : index
        %get3A_428 = tpu.vector_load %arg15[%get3A_426, %get3A_427] {strides = array<i32>} : memref<128x72xf32, #tpu.memory_space<vmem>>, vector<16xf32>,
        %mul3A_429 = vector.broadcast %squeeze3A_407 : f32 to vector<16xf32>
        %mul3A_430 = arith.mulf %get3A_428, %mul3A_429 : vector<16xf32>
        %swap3A_431 = arith.index_cast %add3A_409 : i32 to index
        %swap3A_432 = arith.constant 32 : index
        %swap3A_433 = tpu.vector_load %arg15[%swap3A_431, %swap3A_432] {strides = array<i32>} : memref<128x72xf32, #tpu.memory_space<vmem>>, vector<16xf32>,
        tpu.vector_store %arg15[%swap3A_431, %swap3A_432], %mul3A_430 {strides = array<i32>} : memref<128x72xf32, #tpu.memory_space<vmem>>, vector<16xf32>,
        %get3A_434 = arith.index_cast %add3A_409 : i32 to index
        %get3A_435 = arith.constant 48 : index
        %get3A_436 = tpu.vector_load %arg15[%get3A_434, %get3A_435] {strides = array<i32>} : memref<128x72xf32, #tpu.memory_space<vmem>>, vector<16xf32>,
        %mul3A_437 = vector.broadcast %squeeze3A_407 : f32 to vector<16xf32>
        %mul3A_438 = arith.mulf %get3A_436, %mul3A_437 : vector<16xf32>
        %swap3A_439 = arith.index_cast %add3A_409 : i32 to index
        %swap3A_440 = arith.constant 48 : index
        %swap3A_441 = tpu.vector_load %arg15[%swap3A_439, %swap3A_440] {strides = array<i32>} : memref<128x72xf32, #tpu.memory_space<vmem>>, vector<16xf32>,
        tpu.vector_store %arg15[%swap3A_439, %swap3A_440], %mul3A_438 {strides = array<i32>} : memref<128x72xf32, #tpu.memory_space<vmem>>, vector<16xf32>,
        %slice3A_442 = vector.extract_strided_slice %get3A_46 {offsets = [11], sizes = [1], strides = [1]} : vector<16xf32> to vector<1xf32>
        %squeeze3A_443 = vector.extract %slice3A_442[0] : f32 from vector<1xf32>
        %add3A_444 = arith.constant 11 : i32
        %add3A_445 = arith.addi %mul3A_48, %add3A_444 : i32
        %get3A_446 = arith.index_cast %add3A_445 : i32 to index
        %get3A_447 = arith.constant 0 : index
        %get3A_448 = tpu.vector_load %arg15[%get3A_446, %get3A_447] {strides = array<i32>} : memref<128x72xf32, #tpu.memory_space<vmem>>, vector<16xf32>,
        %mul3A_449 = vector.broadcast %squeeze3A_443 : f32 to vector<16xf32>
        %mul3A_450 = arith.mulf %get3A_448, %mul3A_449 : vector<16xf32>
        %swap3A_451 = arith.index_cast %add3A_445 : i32 to index
        %swap3A_452 = arith.constant 0 : index
        %swap3A_453 = tpu.vector_load %arg15[%swap3A_451, %swap3A_452] {strides = array<i32>} : memref<128x72xf32, #tpu.memory_space<vmem>>, vector<16xf32>,
        tpu.vector_store %arg15[%swap3A_451, %swap3A_452], %mul3A_450 {strides = array<i32>} : memref<128x72xf32, #tpu.memory_space<vmem>>, vector<16xf32>,
        %get3A_454 = arith.index_cast %add3A_445 : i32 to index
        %get3A_455 = arith.constant 16 : index
        %get3A_456 = tpu.vector_load %arg15[%get3A_454, %get3A_455] {strides = array<i32>} : memref<128x72xf32, #tpu.memory_space<vmem>>, vector<16xf32>,
        %mul3A_457 = vector.broadcast %squeeze3A_443 : f32 to vector<16xf32>
        %mul3A_458 = arith.mulf %get3A_456, %mul3A_457 : vector<16xf32>
        %swap3A_459 = arith.index_cast %add3A_445 : i32 to index
        %swap3A_460 = arith.constant 16 : index
        %swap3A_461 = tpu.vector_load %arg15[%swap3A_459, %swap3A_460] {strides = array<i32>} : memref<128x72xf32, #tpu.memory_space<vmem>>, vector<16xf32>,
        tpu.vector_store %arg15[%swap3A_459, %swap3A_460], %mul3A_458 {strides = array<i32>} : memref<128x72xf32, #tpu.memory_space<vmem>>, vector<16xf32>,
        %get3A_462 = arith.index_cast %add3A_445 : i32 to index
        %get3A_463 = arith.constant 32 : index
        %get3A_464 = tpu.vector_load %arg15[%get3A_462, %get3A_463] {strides = array<i32>} : memref<128x72xf32, #tpu.memory_space<vmem>>, vector<16xf32>,
        %mul3A_465 = vector.broadcast %squeeze3A_443 : f32 to vector<16xf32>
        %mul3A_466 = arith.mulf %get3A_464, %mul3A_465 : vector<16xf32>
        %swap3A_467 = arith.index_cast %add3A_445 : i32 to index
        %swap3A_468 = arith.constant 32 : index
        %swap3A_469 = tpu.vector_load %arg15[%swap3A_467, %swap3A_468] {strides = array<i32>} : memref<128x72xf32, #tpu.memory_space<vmem>>, vector<16xf32>,
        tpu.vector_store %arg15[%swap3A_467, %swap3A_468], %mul3A_466 {strides = array<i32>} : memref<128x72xf32, #tpu.memory_space<vmem>>, vector<16xf32>,
        %get3A_470 = arith.index_cast %add3A_445 : i32 to index
        %get3A_471 = arith.constant 48 : index
        %get3A_472 = tpu.vector_load %arg15[%get3A_470, %get3A_471] {strides = array<i32>} : memref<128x72xf32, #tpu.memory_space<vmem>>, vector<16xf32>,
        %mul3A_473 = vector.broadcast %squeeze3A_443 : f32 to vector<16xf32>
        %mul3A_474 = arith.mulf %get3A_472, %mul3A_473 : vector<16xf32>
        %swap3A_475 = arith.index_cast %add3A_445 : i32 to index
        %swap3A_476 = arith.constant 48 : index
        %swap3A_477 = tpu.vector_load %arg15[%swap3A_475, %swap3A_476] {strides = array<i32>} : memref<128x72xf32, #tpu.memory_space<vmem>>, vector<16xf32>,
        tpu.vector_store %arg15[%swap3A_475, %swap3A_476], %mul3A_474 {strides = array<i32>} : memref<128x72xf32, #tpu.memory_space<vmem>>, vector<16xf32>,
        %slice3A_478 = vector.extract_strided_slice %get3A_46 {offsets = [12], sizes = [1], strides = [1]} : vector<16xf32> to vector<1xf32>
        %squeeze3A_479 = vector.extract %slice3A_478[0] : f32 from vector<1xf32>
        %add3A_480 = arith.constant 12 : i32
        %add3A_481 = arith.addi %mul3A_48, %add3A_480 : i32
        %get3A_482 = arith.index_cast %add3A_481 : i32 to index
        %get3A_483 = arith.constant 0 : index
        %get3A_484 = tpu.vector_load %arg15[%get3A_482, %get3A_483] {strides = array<i32>} : memref<128x72xf32, #tpu.memory_space<vmem>>, vector<16xf32>,
        %mul3A_485 = vector.broadcast %squeeze3A_479 : f32 to vector<16xf32>
        %mul3A_486 = arith.mulf %get3A_484, %mul3A_485 : vector<16xf32>
        %swap3A_487 = arith.index_cast %add3A_481 : i32 to index
        %swap3A_488 = arith.constant 0 : index
        %swap3A_489 = tpu.vector_load %arg15[%swap3A_487, %swap3A_488] {strides = array<i32>} : memref<128x72xf32, #tpu.memory_space<vmem>>, vector<16xf32>,
        tpu.vector_store %arg15[%swap3A_487, %swap3A_488], %mul3A_486 {strides = array<i32>} : memref<128x72xf32, #tpu.memory_space<vmem>>, vector<16xf32>,
        %get3A_490 = arith.index_cast %add3A_481 : i32 to index
        %get3A_491 = arith.constant 16 : index
        %get3A_492 = tpu.vector_load %arg15[%get3A_490, %get3A_491] {strides = array<i32>} : memref<128x72xf32, #tpu.memory_space<vmem>>, vector<16xf32>,
        %mul3A_493 = vector.broadcast %squeeze3A_479 : f32 to vector<16xf32>
        %mul3A_494 = arith.mulf %get3A_492, %mul3A_493 : vector<16xf32>
        %swap3A_495 = arith.index_cast %add3A_481 : i32 to index
        %swap3A_496 = arith.constant 16 : index
        %swap3A_497 = tpu.vector_load %arg15[%swap3A_495, %swap3A_496] {strides = array<i32>} : memref<128x72xf32, #tpu.memory_space<vmem>>, vector<16xf32>,
        tpu.vector_store %arg15[%swap3A_495, %swap3A_496], %mul3A_494 {strides = array<i32>} : memref<128x72xf32, #tpu.memory_space<vmem>>, vector<16xf32>,
        %get3A_498 = arith.index_cast %add3A_481 : i32 to index
        %get3A_499 = arith.constant 32 : index
        %get3A_500 = tpu.vector_load %arg15[%get3A_498, %get3A_499] {strides = array<i32>} : memref<128x72xf32, #tpu.memory_space<vmem>>, vector<16xf32>,
        %mul3A_501 = vector.broadcast %squeeze3A_479 : f32 to vector<16xf32>
        %mul3A_502 = arith.mulf %get3A_500, %mul3A_501 : vector<16xf32>
        %swap3A_503 = arith.index_cast %add3A_481 : i32 to index
        %swap3A_504 = arith.constant 32 : index
        %swap3A_505 = tpu.vector_load %arg15[%swap3A_503, %swap3A_504] {strides = array<i32>} : memref<128x72xf32, #tpu.memory_space<vmem>>, vector<16xf32>,
        tpu.vector_store %arg15[%swap3A_503, %swap3A_504], %mul3A_502 {strides = array<i32>} : memref<128x72xf32, #tpu.memory_space<vmem>>, vector<16xf32>,
        %get3A_506 = arith.index_cast %add3A_481 : i32 to index
        %get3A_507 = arith.constant 48 : index
        %get3A_508 = tpu.vector_load %arg15[%get3A_506, %get3A_507] {strides = array<i32>} : memref<128x72xf32, #tpu.memory_space<vmem>>, vector<16xf32>,
        %mul3A_509 = vector.broadcast %squeeze3A_479 : f32 to vector<16xf32>
        %mul3A_510 = arith.mulf %get3A_508, %mul3A_509 : vector<16xf32>
        %swap3A_511 = arith.index_cast %add3A_481 : i32 to index
        %swap3A_512 = arith.constant 48 : index
        %swap3A_513 = tpu.vector_load %arg15[%swap3A_511, %swap3A_512] {strides = array<i32>} : memref<128x72xf32, #tpu.memory_space<vmem>>, vector<16xf32>,
        tpu.vector_store %arg15[%swap3A_511, %swap3A_512], %mul3A_510 {strides = array<i32>} : memref<128x72xf32, #tpu.memory_space<vmem>>, vector<16xf32>,
        %slice3A_514 = vector.extract_strided_slice %get3A_46 {offsets = [13], sizes = [1], strides = [1]} : vector<16xf32> to vector<1xf32>
        %squeeze3A_515 = vector.extract %slice3A_514[0] : f32 from vector<1xf32>
        %add3A_516 = arith.constant 13 : i32
        %add3A_517 = arith.addi %mul3A_48, %add3A_516 : i32
        %get3A_518 = arith.index_cast %add3A_517 : i32 to index
        %get3A_519 = arith.constant 0 : index
        %get3A_520 = tpu.vector_load %arg15[%get3A_518, %get3A_519] {strides = array<i32>} : memref<128x72xf32, #tpu.memory_space<vmem>>, vector<16xf32>,
        %mul3A_521 = vector.broadcast %squeeze3A_515 : f32 to vector<16xf32>
        %mul3A_522 = arith.mulf %get3A_520, %mul3A_521 : vector<16xf32>
        %swap3A_523 = arith.index_cast %add3A_517 : i32 to index
        %swap3A_524 = arith.constant 0 : index
        %swap3A_525 = tpu.vector_load %arg15[%swap3A_523, %swap3A_524] {strides = array<i32>} : memref<128x72xf32, #tpu.memory_space<vmem>>, vector<16xf32>,
        tpu.vector_store %arg15[%swap3A_523, %swap3A_524], %mul3A_522 {strides = array<i32>} : memref<128x72xf32, #tpu.memory_space<vmem>>, vector<16xf32>,
        %get3A_526 = arith.index_cast %add3A_517 : i32 to index
        %get3A_527 = arith.constant 16 : index
        %get3A_528 = tpu.vector_load %arg15[%get3A_526, %get3A_527] {strides = array<i32>} : memref<128x72xf32, #tpu.memory_space<vmem>>, vector<16xf32>,
        %mul3A_529 = vector.broadcast %squeeze3A_515 : f32 to vector<16xf32>
        %mul3A_530 = arith.mulf %get3A_528, %mul3A_529 : vector<16xf32>
        %swap3A_531 = arith.index_cast %add3A_517 : i32 to index
        %swap3A_532 = arith.constant 16 : index
        %swap3A_533 = tpu.vector_load %arg15[%swap3A_531, %swap3A_532] {strides = array<i32>} : memref<128x72xf32, #tpu.memory_space<vmem>>, vector<16xf32>,
        tpu.vector_store %arg15[%swap3A_531, %swap3A_532], %mul3A_530 {strides = array<i32>} : memref<128x72xf32, #tpu.memory_space<vmem>>, vector<16xf32>,
        %get3A_534 = arith.index_cast %add3A_517 : i32 to index
        %get3A_535 = arith.constant 32 : index
        %get3A_536 = tpu.vector_load %arg15[%get3A_534, %get3A_535] {strides = array<i32>} : memref<128x72xf32, #tpu.memory_space<vmem>>, vector<16xf32>,
        %mul3A_537 = vector.broadcast %squeeze3A_515 : f32 to vector<16xf32>
        %mul3A_538 = arith.mulf %get3A_536, %mul3A_537 : vector<16xf32>
        %swap3A_539 = arith.index_cast %add3A_517 : i32 to index
        %swap3A_540 = arith.constant 32 : index
        %swap3A_541 = tpu.vector_load %arg15[%swap3A_539, %swap3A_540] {strides = array<i32>} : memref<128x72xf32, #tpu.memory_space<vmem>>, vector<16xf32>,
        tpu.vector_store %arg15[%swap3A_539, %swap3A_540], %mul3A_538 {strides = array<i32>} : memref<128x72xf32, #tpu.memory_space<vmem>>, vector<16xf32>,
        %get3A_542 = arith.index_cast %add3A_517 : i32 to index
        %get3A_543 = arith.constant 48 : index
        %get3A_544 = tpu.vector_load %arg15[%get3A_542, %get3A_543] {strides = array<i32>} : memref<128x72xf32, #tpu.memory_space<vmem>>, vector<16xf32>,
        %mul3A_545 = vector.broadcast %squeeze3A_515 : f32 to vector<16xf32>
        %mul3A_546 = arith.mulf %get3A_544, %mul3A_545 : vector<16xf32>
        %swap3A_547 = arith.index_cast %add3A_517 : i32 to index
        %swap3A_548 = arith.constant 48 : index
        %swap3A_549 = tpu.vector_load %arg15[%swap3A_547, %swap3A_548] {strides = array<i32>} : memref<128x72xf32, #tpu.memory_space<vmem>>, vector<16xf32>,
        tpu.vector_store %arg15[%swap3A_547, %swap3A_548], %mul3A_546 {strides = array<i32>} : memref<128x72xf32, #tpu.memory_space<vmem>>, vector<16xf32>,
        %slice3A_550 = vector.extract_strided_slice %get3A_46 {offsets = [14], sizes = [1], strides = [1]} : vector<16xf32> to vector<1xf32>
        %squeeze3A_551 = vector.extract %slice3A_550[0] : f32 from vector<1xf32>
        %add3A_552 = arith.constant 14 : i32
        %add3A_553 = arith.addi %mul3A_48, %add3A_552 : i32
        %get3A_554 = arith.index_cast %add3A_553 : i32 to index
        %get3A_555 = arith.constant 0 : index
        %get3A_556 = tpu.vector_load %arg15[%get3A_554, %get3A_555] {strides = array<i32>} : memref<128x72xf32, #tpu.memory_space<vmem>>, vector<16xf32>,
        %mul3A_557 = vector.broadcast %squeeze3A_551 : f32 to vector<16xf32>
        %mul3A_558 = arith.mulf %get3A_556, %mul3A_557 : vector<16xf32>
        %swap3A_559 = arith.index_cast %add3A_553 : i32 to index
        %swap3A_560 = arith.constant 0 : index
        %swap3A_561 = tpu.vector_load %arg15[%swap3A_559, %swap3A_560] {strides = array<i32>} : memref<128x72xf32, #tpu.memory_space<vmem>>, vector<16xf32>,
        tpu.vector_store %arg15[%swap3A_559, %swap3A_560], %mul3A_558 {strides = array<i32>} : memref<128x72xf32, #tpu.memory_space<vmem>>, vector<16xf32>,
        %get3A_562 = arith.index_cast %add3A_553 : i32 to index
        %get3A_563 = arith.constant 16 : index
        %get3A_564 = tpu.vector_load %arg15[%get3A_562, %get3A_563] {strides = array<i32>} : memref<128x72xf32, #tpu.memory_space<vmem>>, vector<16xf32>,
        %mul3A_565 = vector.broadcast %squeeze3A_551 : f32 to vector<16xf32>
        %mul3A_566 = arith.mulf %get3A_564, %mul3A_565 : vector<16xf32>
        %swap3A_567 = arith.index_cast %add3A_553 : i32 to index
        %swap3A_568 = arith.constant 16 : index
        %swap3A_569 = tpu.vector_load %arg15[%swap3A_567, %swap3A_568] {strides = array<i32>} : memref<128x72xf32, #tpu.memory_space<vmem>>, vector<16xf32>,
        tpu.vector_store %arg15[%swap3A_567, %swap3A_568], %mul3A_566 {strides = array<i32>} : memref<128x72xf32, #tpu.memory_space<vmem>>, vector<16xf32>,
        %get3A_570 = arith.index_cast %add3A_553 : i32 to index
        %get3A_571 = arith.constant 32 : index
        %get3A_572 = tpu.vector_load %arg15[%get3A_570, %get3A_571] {strides = array<i32>} : memref<128x72xf32, #tpu.memory_space<vmem>>, vector<16xf32>,
        %mul3A_573 = vector.broadcast %squeeze3A_551 : f32 to vector<16xf32>
        %mul3A_574 = arith.mulf %get3A_572, %mul3A_573 : vector<16xf32>
        %swap3A_575 = arith.index_cast %add3A_553 : i32 to index
        %swap3A_576 = arith.constant 32 : index
        %swap3A_577 = tpu.vector_load %arg15[%swap3A_575, %swap3A_576] {strides = array<i32>} : memref<128x72xf32, #tpu.memory_space<vmem>>, vector<16xf32>,
        tpu.vector_store %arg15[%swap3A_575, %swap3A_576], %mul3A_574 {strides = array<i32>} : memref<128x72xf32, #tpu.memory_space<vmem>>, vector<16xf32>,
        %get3A_578 = arith.index_cast %add3A_553 : i32 to index
        %get3A_579 = arith.constant 48 : index
        %get3A_580 = tpu.vector_load %arg15[%get3A_578, %get3A_579] {strides = array<i32>} : memref<128x72xf32, #tpu.memory_space<vmem>>, vector<16xf32>,
        %mul3A_581 = vector.broadcast %squeeze3A_551 : f32 to vector<16xf32>
        %mul3A_582 = arith.mulf %get3A_580, %mul3A_581 : vector<16xf32>
        %swap3A_583 = arith.index_cast %add3A_553 : i32 to index
        %swap3A_584 = arith.constant 48 : index
        %swap3A_585 = tpu.vector_load %arg15[%swap3A_583, %swap3A_584] {strides = array<i32>} : memref<128x72xf32, #tpu.memory_space<vmem>>, vector<16xf32>,
        tpu.vector_store %arg15[%swap3A_583, %swap3A_584], %mul3A_582 {strides = array<i32>} : memref<128x72xf32, #tpu.memory_space<vmem>>, vector<16xf32>,
        %slice3A_586 = vector.extract_strided_slice %get3A_46 {offsets = [15], sizes = [1], strides = [1]} : vector<16xf32> to vector<1xf32>
        %squeeze3A_587 = vector.extract %slice3A_586[0] : f32 from vector<1xf32>
        %add3A_588 = arith.constant 15 : i32
        %add3A_589 = arith.addi %mul3A_48, %add3A_588 : i32
        %get3A_590 = arith.index_cast %add3A_589 : i32 to index
        %get3A_591 = arith.constant 0 : index
        %get3A_592 = tpu.vector_load %arg15[%get3A_590, %get3A_591] {strides = array<i32>} : memref<128x72xf32, #tpu.memory_space<vmem>>, vector<16xf32>,
        %mul3A_593 = vector.broadcast %squeeze3A_587 : f32 to vector<16xf32>
        %mul3A_594 = arith.mulf %get3A_592, %mul3A_593 : vector<16xf32>
        %swap3A_595 = arith.index_cast %add3A_589 : i32 to index
        %swap3A_596 = arith.constant 0 : index
        %swap3A_597 = tpu.vector_load %arg15[%swap3A_595, %swap3A_596] {strides = array<i32>} : memref<128x72xf32, #tpu.memory_space<vmem>>, vector<16xf32>,
        tpu.vector_store %arg15[%swap3A_595, %swap3A_596], %mul3A_594 {strides = array<i32>} : memref<128x72xf32, #tpu.memory_space<vmem>>, vector<16xf32>,
        %get3A_598 = arith.index_cast %add3A_589 : i32 to index
        %get3A_599 = arith.constant 16 : index
        %get3A_600 = tpu.vector_load %arg15[%get3A_598, %get3A_599] {strides = array<i32>} : memref<128x72xf32, #tpu.memory_space<vmem>>, vector<16xf32>,
        %mul3A_601 = vector.broadcast %squeeze3A_587 : f32 to vector<16xf32>
        %mul3A_602 = arith.mulf %get3A_600, %mul3A_601 : vector<16xf32>
        %swap3A_603 = arith.index_cast %add3A_589 : i32 to index
        %swap3A_604 = arith.constant 16 : index
        %swap3A_605 = tpu.vector_load %arg15[%swap3A_603, %swap3A_604] {strides = array<i32>} : memref<128x72xf32, #tpu.memory_space<vmem>>, vector<16xf32>,
        tpu.vector_store %arg15[%swap3A_603, %swap3A_604], %mul3A_602 {strides = array<i32>} : memref<128x72xf32, #tpu.memory_space<vmem>>, vector<16xf32>,
        %get3A_606 = arith.index_cast %add3A_589 : i32 to index
        %get3A_607 = arith.constant 32 : index
        %get3A_608 = tpu.vector_load %arg15[%get3A_606, %get3A_607] {strides = array<i32>} : memref<128x72xf32, #tpu.memory_space<vmem>>, vector<16xf32>,
        %mul3A_609 = vector.broadcast %squeeze3A_587 : f32 to vector<16xf32>
        %mul3A_610 = arith.mulf %get3A_608, %mul3A_609 : vector<16xf32>
        %swap3A_611 = arith.index_cast %add3A_589 : i32 to index
        %swap3A_612 = arith.constant 32 : index
        %swap3A_613 = tpu.vector_load %arg15[%swap3A_611, %swap3A_612] {strides = array<i32>} : memref<128x72xf32, #tpu.memory_space<vmem>>, vector<16xf32>,
        tpu.vector_store %arg15[%swap3A_611, %swap3A_612], %mul3A_610 {strides = array<i32>} : memref<128x72xf32, #tpu.memory_space<vmem>>, vector<16xf32>,
        %get3A_614 = arith.index_cast %add3A_589 : i32 to index
        %get3A_615 = arith.constant 48 : index
        %get3A_616 = tpu.vector_load %arg15[%get3A_614, %get3A_615] {strides = array<i32>} : memref<128x72xf32, #tpu.memory_space<vmem>>, vector<16xf32>,
        %mul3A_617 = vector.broadcast %squeeze3A_587 : f32 to vector<16xf32>
        %mul3A_618 = arith.mulf %get3A_616, %mul3A_617 : vector<16xf32>
        %swap3A_619 = arith.index_cast %add3A_589 : i32 to index
        %swap3A_620 = arith.constant 48 : index
        %swap3A_621 = tpu.vector_load %arg15[%swap3A_619, %swap3A_620] {strides = array<i32>} : memref<128x72xf32, #tpu.memory_space<vmem>>, vector<16xf32>,
        tpu.vector_store %arg15[%swap3A_619, %swap3A_620], %mul3A_618 {strides = array<i32>} : memref<128x72xf32, #tpu.memory_space<vmem>>, vector<16xf32>,
        %iota3A = tpu.iota {dimensions = array<i32: 0>} : vector<16xi32>
        %add3A_622 = vector.broadcast %mul3A_48 : i32 to vector<16xi32>
        %add3A_623 = arith.addi %add3A_622, %iota3A : vector<16xi32>
        %broadcast_in_dim3A = arith.constant 64 : i32
        %broadcast_in_dim3A_624 = vector.broadcast %broadcast_in_dim3A : i32 to vector<16xi32>
        tpu.vector_store_idx %arg15[%add3A_623, %broadcast_in_dim3A_624], %get3A_46 : memref<128x72xf32, #tpu.memory_space<vmem>>[vector<16xi32>, vector<16xi32>], vector<16xf32>,
      }
      %scan3A_42 = arith.constant 8 : i32
      "tpu.region"() ({
        %run_scoped3A = tpu.sem_alloc : memref<!tpu.dma_semaphore, #tpu.memory_space<semaphore_mem>>
        %dma_start3A_43 = arith.constant 0 : i32
        %dma_start3A_44 = tpu.memref_slice %arg11[%scan3A_20, %dma_start3A_43] : memref<79x128xi32, #tpu.memory_space<vmem>> -> memref<1x128xi32, #tpu.memory_space<vmem>>
        %dma_start3A_45 = tpu.memref_squeeze %dma_start3A_44 : memref<1x128xi32, #tpu.memory_space<vmem>> -> memref<128xi32, #tpu.memory_space<vmem>>
        %dma_start3A_46 = arith.constant 0 : i32
        %dma_start3A_47 = arith.constant 0 : i32
        %dma_start3A_48 = tpu.memref_slice %arg17[%dma_start3A_46, %dma_start3A_47] : memref<10000x72xf32, #tpu.memory_space<vmem_shared>> -> memref<10000x72xf32, #tpu.memory_space<vmem_shared>>
        tpu.enqueue_indirect_dma source(%arg15 : memref<128x72xf32, #tpu.memory_space<vmem>>) target(%dma_start3A_48 : memref<10000x72xf32, #tpu.memory_space<vmem_shared>>) offsets(%dma_start3A_45 : memref<128xi32, #tpu.memory_space<vmem>>) semaphore(%run_scoped3A : memref<!tpu.dma_semaphore, #tpu.memory_space<semaphore_mem>>) {add = true}
        %dma_wait3A_49 = arith.constant 0 : i32
        %dma_wait3A_50 = tpu.memref_slice %arg11[%scan3A_20, %dma_wait3A_49] : memref<79x128xi32, #tpu.memory_space<vmem>> -> memref<1x128xi32, #tpu.memory_space<vmem>>
        %dma_wait3A_51 = tpu.memref_squeeze %dma_wait3A_50 : memref<1x128xi32, #tpu.memory_space<vmem>> -> memref<128xi32, #tpu.memory_space<vmem>>
        %dma_wait3A_52 = arith.constant 0 : i32
        %dma_wait3A_53 = arith.constant 0 : i32
        %dma_wait3A_54 = tpu.memref_slice %arg17[%dma_wait3A_52, %dma_wait3A_53] : memref<10000x72xf32, #tpu.memory_space<vmem_shared>> -> memref<10000x72xf32, #tpu.memory_space<vmem_shared>>
        tpu.wait_indirect_dma semaphore(%run_scoped3A : memref<!tpu.dma_semaphore, #tpu.memory_space<semaphore_mem>>) src(%arg15 : memref<128x72xf32, #tpu.memory_space<vmem>>) dst(%dma_wait3A_54 : memref<10000x72xf32, #tpu.memory_space<vmem_shared>>)
        tpu.yield
      }) : () -> ()
    }
    %scan3A_9 = arith.constant 79 : i32
    %barrier3A_10 = arith.constant 0 : index
    tpu.barrier barrier_id(%barrier3A_10)
    %mul3A_11 = arith.constant 624 : i32
    %mul3A_12 = arith.muli %arg1, %mul3A_11 : i32
    %mul3A_13 = arith.constant 624 : i32
    %mul3A_14 = arith.muli %arg1, %mul3A_13 : i32
    "tpu.region"() ({
      %run_scoped3A = tpu.sem_alloc : memref<!tpu.dma_semaphore, #tpu.memory_space<semaphore_mem>>
      %dma_start3A = arith.constant 0 : i32
      %dma_start3A_20 = tpu.memref_slice %arg9[%arg0, %mul3A_14, %dma_start3A] : memref<2x10000x72xf32, #tpu.memory_space<hbm>> -> memref<1x624x72xf32, #tpu.memory_space<hbm>>
      %dma_start3A_21 = tpu.memref_squeeze %dma_start3A_20 : memref<1x624x72xf32, #tpu.memory_space<hbm>> -> memref<624x72xf32, #tpu.memory_space<hbm>>
      %dma_start3A_22 = arith.constant 0 : i32
      %dma_start3A_23 = tpu.memref_slice %arg17[%mul3A_12, %dma_start3A_22] : memref<10000x72xf32, #tpu.memory_space<vmem_shared>> -> memref<624x72xf32, #tpu.memory_space<vmem_shared>>
      tpu.enqueue_dma source(%dma_start3A_23 : memref<624x72xf32, #tpu.memory_space<vmem_shared>>) target(%dma_start3A_21 : memref<624x72xf32, #tpu.memory_space<hbm>>) target_semaphore(%run_scoped3A : memref<!tpu.dma_semaphore, #tpu.memory_space<semaphore_mem>>)
      %dma_wait3A = arith.constant 0 : i32
      %dma_wait3A_24 = tpu.memref_slice %arg9[%arg0, %mul3A_14, %dma_wait3A] : memref<2x10000x72xf32, #tpu.memory_space<hbm>> -> memref<1x624x72xf32, #tpu.memory_space<hbm>>
      %dma_wait3A_25 = tpu.memref_squeeze %dma_wait3A_24 : memref<1x624x72xf32, #tpu.memory_space<hbm>> -> memref<624x72xf32, #tpu.memory_space<hbm>>
      %dma_wait3A_26 = arith.constant 0 : i32
      %dma_wait3A_27 = tpu.memref_slice %arg17[%mul3A_12, %dma_wait3A_26] : memref<10000x72xf32, #tpu.memory_space<vmem_shared>> -> memref<624x72xf32, #tpu.memory_space<vmem_shared>>
      tpu.wait_dma2 semaphore(%run_scoped3A : memref<!tpu.dma_semaphore, #tpu.memory_space<semaphore_mem>>) src(%dma_wait3A_27 : memref<624x72xf32, #tpu.memory_space<vmem_shared>>) dst(%dma_wait3A_25 : memref<624x72xf32, #tpu.memory_space<hbm>>)
      tpu.yield
    }) : () -> ()
    %eq3A_15 = arith.constant 0 : i32
    %eq3A_16 = arith.cmpi eq, %arg1, %eq3A_15 : i32
    %convert_element_type3A_17 = arith.extui %eq3A_16 : i1 to i32
    %cond3A_18 = arith.constant 0 : i32
    %cond3A_19 = arith.cmpi ne, %convert_element_type3A_17, %cond3A_18 : i32
    scf.if %cond3A_19 {
      "tpu.region"() ({
        %run_scoped3A = tpu.sem_alloc : memref<!tpu.dma_semaphore, #tpu.memory_space<semaphore_mem>>
        %dma_start3A = arith.constant 9984 : i32
        %dma_start3A_20 = arith.constant 0 : i32
        %dma_start3A_21 = tpu.memref_slice %arg9[%arg0, %dma_start3A, %dma_start3A_20] : memref<2x10000x72xf32, #tpu.memory_space<hbm>> -> memref<1x16x72xf32, #tpu.memory_space<hbm>>
        %dma_start3A_22 = tpu.memref_squeeze %dma_start3A_21 : memref<1x16x72xf32, #tpu.memory_space<hbm>> -> memref<16x72xf32, #tpu.memory_space<hbm>>
        %dma_start3A_23 = arith.constant 9984 : i32
        %dma_start3A_24 = arith.constant 0 : i32
        %dma_start3A_25 = tpu.memref_slice %arg17[%dma_start3A_23, %dma_start3A_24] : memref<10000x72xf32, #tpu.memory_space<vmem_shared>> -> memref<16x72xf32, #tpu.memory_space<vmem_shared>>
        tpu.enqueue_dma source(%dma_start3A_25 : memref<16x72xf32, #tpu.memory_space<vmem_shared>>) target(%dma_start3A_22 : memref<16x72xf32, #tpu.memory_space<hbm>>) target_semaphore(%run_scoped3A : memref<!tpu.dma_semaphore, #tpu.memory_space<semaphore_mem>>)
        %dma_wait3A = arith.constant 9984 : i32
        %dma_wait3A_26 = arith.constant 0 : i32
        %dma_wait3A_27 = tpu.memref_slice %arg9[%arg0, %dma_wait3A, %dma_wait3A_26] : memref<2x10000x72xf32, #tpu.memory_space<hbm>> -> memref<1x16x72xf32, #tpu.memory_space<hbm>>
        %dma_wait3A_28 = tpu.memref_squeeze %dma_wait3A_27 : memref<1x16x72xf32, #tpu.memory_space<hbm>> -> memref<16x72xf32, #tpu.memory_space<hbm>>
        %dma_wait3A_29 = arith.constant 9984 : i32
        %dma_wait3A_30 = arith.constant 0 : i32
        %dma_wait3A_31 = tpu.memref_slice %arg17[%dma_wait3A_29, %dma_wait3A_30] : memref<10000x72xf32, #tpu.memory_space<vmem_shared>> -> memref<16x72xf32, #tpu.memory_space<vmem_shared>>
        tpu.wait_dma2 semaphore(%run_scoped3A : memref<!tpu.dma_semaphore, #tpu.memory_space<semaphore_mem>>) src(%dma_wait3A_31 : memref<16x72xf32, #tpu.memory_space<vmem_shared>>) dst(%dma_wait3A_28 : memref<16x72xf32, #tpu.memory_space<hbm>>)
        tpu.yield
      }) : () -> ()
    } else {
    }
    return
  }
}

module attributes {stable_mosaic.version = 14 : i64} {
  func.func @body(%arg0: memref<10000x128xf32, #tpu.memory_space<vmem>>, %arg1: memref<128x72xf32, #tpu.memory_space<vmem>>, %arg2: memref<1x72xf32, #tpu.memory_space<vmem>>, %arg3: memref<1x72xf32, #tpu.memory_space<vmem>>, %arg4: memref<10000x72xf32, #tpu.memory_space<vmem>>, %arg5: memref<10000x1xf32, #tpu.memory_space<vmem>>, %arg6: memref<10000x1xf32, #tpu.memory_space<vmem>>, %arg7: memref<8x128xf32, #tpu.memory_space<vmem>>) attributes {dimension_semantics = [], scalar_prefetch = 0 : i64, scratch_operands = 0 : i64, tpu.core_type = #tpu.core_type<tc>} {
    %get3A = arith.constant 0 : index
    %get3A_0 = arith.constant 0 : index
    %get3A_1 = vector.load %arg0[%get3A, %get3A_0] : memref<10000x128xf32, #tpu.memory_space<vmem>>, vector<10000x128xf32>
    %get3A_2 = arith.constant 0 : index
    %get3A_3 = arith.constant 0 : index
    %get3A_4 = vector.load %arg1[%get3A_2, %get3A_3] : memref<128x72xf32, #tpu.memory_space<vmem>>, vector<128x72xf32>
    %dot_general3A = arith.constant dense<0.000000e+00> : vector<10000x72xf32>
    %dot_general3A_5 = tpu.matmul %get3A_1, %get3A_4, %dot_general3A {dimension_numbers = #tpu.dot_dimension_numbers<[1], [0], [0], [1], [0, 0, 1, 1], [], []>, transpose_lhs_hint = false} : vector<10000x128xf32>, vector<128x72xf32>, vector<10000x72xf32> -> vector<10000x72xf32>
    %swap3A = arith.constant 0 : index
    %swap3A_6 = arith.constant 0 : index
    %swap3A_7 = vector.load %arg4[%swap3A, %swap3A_6] : memref<10000x72xf32, #tpu.memory_space<vmem>>, vector<10000x72xf32>
    tpu.vector_store %arg4[%swap3A, %swap3A_6], %dot_general3A_5 {strides = array<i32>} : memref<10000x72xf32, #tpu.memory_space<vmem>>, vector<10000x72xf32>,
    %get3A_8 = arith.constant 0 : index
    %get3A_9 = arith.constant 0 : index
    %get3A_10 = vector.load %arg2[%get3A_8, %get3A_9] : memref<1x72xf32, #tpu.memory_space<vmem>>, vector<1x72xf32>
    %mul3A = vector.broadcast %get3A_10 : vector<1x72xf32> to vector<10000x72xf32>
    %mul3A_11 = arith.mulf %dot_general3A_5, %mul3A : vector<10000x72xf32>
    %reduce_sum3A = arith.constant dense<0.000000e+00> : vector<10000xf32>
    %reduce_sum3A_12 = vector.multi_reduction <add>, %mul3A_11, %reduce_sum3A [1] : vector<10000x72xf32> to vector<10000xf32>
    %broadcast_in_dim3A = vector.shape_cast %reduce_sum3A_12 : vector<10000xf32> to vector<10000x1xf32>
    %get3A_13 = arith.constant 0 : index
    %get3A_14 = arith.constant 0 : index
    %get3A_15 = vector.load %arg3[%get3A_13, %get3A_14] : memref<1x72xf32, #tpu.memory_space<vmem>>, vector<1x72xf32>
    %mul3A_16 = vector.broadcast %get3A_15 : vector<1x72xf32> to vector<10000x72xf32>
    %mul3A_17 = arith.mulf %dot_general3A_5, %mul3A_16 : vector<10000x72xf32>
    %reduce_sum3A_18 = arith.constant dense<0.000000e+00> : vector<10000xf32>
    %reduce_sum3A_19 = vector.multi_reduction <add>, %mul3A_17, %reduce_sum3A_18 [1] : vector<10000x72xf32> to vector<10000xf32>
    %broadcast_in_dim3A_20 = vector.shape_cast %reduce_sum3A_19 : vector<10000xf32> to vector<10000x1xf32>
    %swap3A_21 = arith.constant 0 : index
    %swap3A_22 = arith.constant 0 : index
    %swap3A_23 = vector.load %arg5[%swap3A_21, %swap3A_22] : memref<10000x1xf32, #tpu.memory_space<vmem>>, vector<10000x1xf32>
    tpu.vector_store %arg5[%swap3A_21, %swap3A_22], %broadcast_in_dim3A {strides = array<i32>} : memref<10000x1xf32, #tpu.memory_space<vmem>>, vector<10000x1xf32>,
    %swap3A_24 = arith.constant 0 : index
    %swap3A_25 = arith.constant 0 : index
    %swap3A_26 = vector.load %arg6[%swap3A_24, %swap3A_25] : memref<10000x1xf32, #tpu.memory_space<vmem>>, vector<10000x1xf32>
    tpu.vector_store %arg6[%swap3A_24, %swap3A_25], %broadcast_in_dim3A_20 {strides = array<i32>} : memref<10000x1xf32, #tpu.memory_space<vmem>>, vector<10000x1xf32>,
    %reduce_max3A = vector.shape_cast %broadcast_in_dim3A : vector<10000x1xf32> to vector<1x10000x1xf32>
    %reduce_max3A_27 = arith.constant dense<0xFF800000> : vector<1xf32>
    %reduce_max3A_28 = vector.multi_reduction <maximumf>, %reduce_max3A, %reduce_max3A_27 [1, 2] : vector<1x10000x1xf32> to vector<1xf32>
    %reduce_max3A_29 = vector.shape_cast %reduce_max3A_28 : vector<1xf32> to vector<1x1x1xf32>
    %reduce_max3A_30 = vector.extract %reduce_max3A_29[0, 0, 0] : f32 from vector<1x1x1xf32>
    %broadcast_in_dim3A_31 = vector.broadcast %reduce_max3A_30 : f32 to vector<8x128xf32>
    %swap3A_32 = arith.constant 0 : index
    %swap3A_33 = arith.constant 0 : index
    %swap3A_34 = vector.load %arg7[%swap3A_32, %swap3A_33] : memref<8x128xf32, #tpu.memory_space<vmem>>, vector<8x128xf32>
    tpu.vector_store %arg7[%swap3A_32, %swap3A_33], %broadcast_in_dim3A_31 {strides = array<i32>} : memref<8x128xf32, #tpu.memory_space<vmem>>, vector<8x128xf32>,
    return
  }
}

module attributes {stable_mosaic.version = 14 : i64} {
  func.func @body(%arg0: memref<2x10000x72xf32, #tpu.memory_space<vmem>>, %arg1: memref<1x64xf32, #tpu.memory_space<vmem>>, %arg2: memref<64x48xf32, #tpu.memory_space<vmem>>, %arg3: memref<1x48xf32, #tpu.memory_space<vmem>>, %arg4: memref<1x48xf32, #tpu.memory_space<vmem>>, %arg5: memref<10000x48xf32, #tpu.memory_space<vmem>>, %arg6: memref<10000x1xf32, #tpu.memory_space<vmem>>, %arg7: memref<10000x1xf32, #tpu.memory_space<vmem>>, %arg8: memref<8x128xf32, #tpu.memory_space<vmem>>) attributes {dimension_semantics = [], scalar_prefetch = 0 : i64, scratch_operands = 0 : i64, tpu.core_type = #tpu.core_type<tc>} {
    %get3A = arith.constant 0 : index
    %get3A_0 = arith.constant 0 : index
    %get3A_1 = arith.constant 0 : index
    %get3A_2 = vector.load %arg0[%get3A, %get3A_0, %get3A_1] : memref<2x10000x72xf32, #tpu.memory_space<vmem>>, vector<1x10000x72xf32>
    %get3A_3 = vector.shape_cast %get3A_2 : vector<1x10000x72xf32> to vector<10000x72xf32>
    %get3A_4 = arith.constant 1 : index
    %get3A_5 = arith.constant 0 : index
    %get3A_6 = arith.constant 0 : index
    %get3A_7 = vector.load %arg0[%get3A_4, %get3A_5, %get3A_6] : memref<2x10000x72xf32, #tpu.memory_space<vmem>>, vector<1x10000x72xf32>
    %get3A_8 = vector.shape_cast %get3A_7 : vector<1x10000x72xf32> to vector<10000x72xf32>
    %add3A = arith.addf %get3A_3, %get3A_8 : vector<10000x72xf32>
    %slice3A = vector.extract_strided_slice %add3A {offsets = [0, 0], sizes = [10000, 64], strides = [1, 1]} : vector<10000x72xf32> to vector<10000x64xf32>
    %slice3A_9 = vector.extract_strided_slice %add3A {offsets = [0, 64], sizes = [10000, 1], strides = [1, 1]} : vector<10000x72xf32> to vector<10000x1xf32>
    %add3A_10 = arith.constant 9.99999971E-10 : f32
    %add3A_11 = vector.broadcast %add3A_10 : f32 to vector<10000x1xf32>
    %add3A_12 = arith.addf %slice3A_9, %add3A_11 : vector<10000x1xf32>
    %div3A = vector.broadcast %add3A_12 : vector<10000x1xf32> to vector<10000x64xf32>
    %div3A_13 = arith.divf %slice3A, %div3A : vector<10000x64xf32>
    %get3A_14 = arith.constant 0 : index
    %get3A_15 = arith.constant 0 : index
    %get3A_16 = vector.load %arg1[%get3A_14, %get3A_15] : memref<1x64xf32, #tpu.memory_space<vmem>>, vector<1x64xf32>
    %add3A_17 = vector.broadcast %get3A_16 : vector<1x64xf32> to vector<10000x64xf32>
    %add3A_18 = arith.addf %div3A_13, %add3A_17 : vector<10000x64xf32>
    %gt3A = arith.constant 0.000000e+00 : f32
    %gt3A_19 = vector.broadcast %gt3A : f32 to vector<10000x64xf32>
    %gt3A_20 = arith.cmpf ogt, %add3A_18, %gt3A_19 : vector<10000x64xf32>
    %min3A = arith.constant 0.000000e+00 : f32
    %min3A_21 = vector.broadcast %min3A : f32 to vector<10000x64xf32>
    %min3A_22 = arith.minimumf %add3A_18, %min3A_21 : vector<10000x64xf32>
    %exp3A = math.exp %min3A_22 : vector<10000x64xf32>
    %sub3A = arith.constant 1.000000e+00 : f32
    %sub3A_23 = vector.broadcast %sub3A : f32 to vector<10000x64xf32>
    %sub3A_24 = arith.subf %exp3A, %sub3A_23 : vector<10000x64xf32>
    %select_n3A = arith.select %gt3A_20, %add3A_18, %sub3A_24 : vector<10000x64xi1>, vector<10000x64xf32>
    %get3A_25 = arith.constant 0 : index
    %get3A_26 = arith.constant 0 : index
    %get3A_27 = vector.load %arg2[%get3A_25, %get3A_26] : memref<64x48xf32, #tpu.memory_space<vmem>>, vector<64x48xf32>
    %dot_general3A = arith.constant dense<0.000000e+00> : vector<10000x48xf32>
    %dot_general3A_28 = tpu.matmul %select_n3A, %get3A_27, %dot_general3A {dimension_numbers = #tpu.dot_dimension_numbers<[1], [0], [0], [1], [0, 0, 1, 1], [], []>, transpose_lhs_hint = false} : vector<10000x64xf32>, vector<64x48xf32>, vector<10000x48xf32> -> vector<10000x48xf32>
    %swap3A = arith.constant 0 : index
    %swap3A_29 = arith.constant 0 : index
    %swap3A_30 = vector.load %arg5[%swap3A, %swap3A_29] : memref<10000x48xf32, #tpu.memory_space<vmem>>, vector<10000x48xf32>
    tpu.vector_store %arg5[%swap3A, %swap3A_29], %dot_general3A_28 {strides = array<i32>} : memref<10000x48xf32, #tpu.memory_space<vmem>>, vector<10000x48xf32>,
    %get3A_31 = arith.constant 0 : index
    %get3A_32 = arith.constant 0 : index
    %get3A_33 = vector.load %arg3[%get3A_31, %get3A_32] : memref<1x48xf32, #tpu.memory_space<vmem>>, vector<1x48xf32>
    %mul3A = vector.broadcast %get3A_33 : vector<1x48xf32> to vector<10000x48xf32>
    %mul3A_34 = arith.mulf %dot_general3A_28, %mul3A : vector<10000x48xf32>
    %reduce_sum3A = arith.constant dense<0.000000e+00> : vector<10000xf32>
    %reduce_sum3A_35 = vector.multi_reduction <add>, %mul3A_34, %reduce_sum3A [1] : vector<10000x48xf32> to vector<10000xf32>
    %broadcast_in_dim3A = vector.shape_cast %reduce_sum3A_35 : vector<10000xf32> to vector<10000x1xf32>
    %get3A_36 = arith.constant 0 : index
    %get3A_37 = arith.constant 0 : index
    %get3A_38 = vector.load %arg4[%get3A_36, %get3A_37] : memref<1x48xf32, #tpu.memory_space<vmem>>, vector<1x48xf32>
    %mul3A_39 = vector.broadcast %get3A_38 : vector<1x48xf32> to vector<10000x48xf32>
    %mul3A_40 = arith.mulf %dot_general3A_28, %mul3A_39 : vector<10000x48xf32>
    %reduce_sum3A_41 = arith.constant dense<0.000000e+00> : vector<10000xf32>
    %reduce_sum3A_42 = vector.multi_reduction <add>, %mul3A_40, %reduce_sum3A_41 [1] : vector<10000x48xf32> to vector<10000xf32>
    %broadcast_in_dim3A_43 = vector.shape_cast %reduce_sum3A_42 : vector<10000xf32> to vector<10000x1xf32>
    %swap3A_44 = arith.constant 0 : index
    %swap3A_45 = arith.constant 0 : index
    %swap3A_46 = vector.load %arg6[%swap3A_44, %swap3A_45] : memref<10000x1xf32, #tpu.memory_space<vmem>>, vector<10000x1xf32>
    tpu.vector_store %arg6[%swap3A_44, %swap3A_45], %broadcast_in_dim3A {strides = array<i32>} : memref<10000x1xf32, #tpu.memory_space<vmem>>, vector<10000x1xf32>,
    %swap3A_47 = arith.constant 0 : index
    %swap3A_48 = arith.constant 0 : index
    %swap3A_49 = vector.load %arg7[%swap3A_47, %swap3A_48] : memref<10000x1xf32, #tpu.memory_space<vmem>>, vector<10000x1xf32>
    tpu.vector_store %arg7[%swap3A_47, %swap3A_48], %broadcast_in_dim3A_43 {strides = array<i32>} : memref<10000x1xf32, #tpu.memory_space<vmem>>, vector<10000x1xf32>,
    %reduce_max3A = vector.shape_cast %broadcast_in_dim3A : vector<10000x1xf32> to vector<1x10000x1xf32>
    %reduce_max3A_50 = arith.constant dense<0xFF800000> : vector<1xf32>
    %reduce_max3A_51 = vector.multi_reduction <maximumf>, %reduce_max3A, %reduce_max3A_50 [1, 2] : vector<1x10000x1xf32> to vector<1xf32>
    %reduce_max3A_52 = vector.shape_cast %reduce_max3A_51 : vector<1xf32> to vector<1x1x1xf32>
    %reduce_max3A_53 = vector.extract %reduce_max3A_52[0, 0, 0] : f32 from vector<1x1x1xf32>
    %broadcast_in_dim3A_54 = vector.broadcast %reduce_max3A_53 : f32 to vector<8x128xf32>
    %swap3A_55 = arith.constant 0 : index
    %swap3A_56 = arith.constant 0 : index
    %swap3A_57 = vector.load %arg8[%swap3A_55, %swap3A_56] : memref<8x128xf32, #tpu.memory_space<vmem>>, vector<8x128xf32>
    tpu.vector_store %arg8[%swap3A_55, %swap3A_56], %broadcast_in_dim3A_54 {strides = array<i32>} : memref<8x128xf32, #tpu.memory_space<vmem>>, vector<8x128xf32>,
    return
  }
}

module attributes {stable_mosaic.version = 14 : i64} {
  func.func @body(%arg0: memref<2x10000x48xf32, #tpu.memory_space<vmem>>, %arg1: memref<1x40xf32, #tpu.memory_space<vmem>>, %arg2: memref<10000x40xf32, #tpu.memory_space<vmem>>) attributes {dimension_semantics = [], scalar_prefetch = 0 : i64, scratch_operands = 0 : i64, tpu.core_type = #tpu.core_type<tc>} {
    %get3A = arith.constant 0 : index
    %get3A_0 = arith.constant 0 : index
    %get3A_1 = arith.constant 0 : index
    %get3A_2 = vector.load %arg0[%get3A, %get3A_0, %get3A_1] : memref<2x10000x48xf32, #tpu.memory_space<vmem>>, vector<1x10000x48xf32>
    %get3A_3 = vector.shape_cast %get3A_2 : vector<1x10000x48xf32> to vector<10000x48xf32>
    %get3A_4 = arith.constant 1 : index
    %get3A_5 = arith.constant 0 : index
    %get3A_6 = arith.constant 0 : index
    %get3A_7 = vector.load %arg0[%get3A_4, %get3A_5, %get3A_6] : memref<2x10000x48xf32, #tpu.memory_space<vmem>>, vector<1x10000x48xf32>
    %get3A_8 = vector.shape_cast %get3A_7 : vector<1x10000x48xf32> to vector<10000x48xf32>
    %add3A = arith.addf %get3A_3, %get3A_8 : vector<10000x48xf32>
    %slice3A = vector.extract_strided_slice %add3A {offsets = [0, 0], sizes = [10000, 40], strides = [1, 1]} : vector<10000x48xf32> to vector<10000x40xf32>
    %slice3A_9 = vector.extract_strided_slice %add3A {offsets = [0, 40], sizes = [10000, 1], strides = [1, 1]} : vector<10000x48xf32> to vector<10000x1xf32>
    %add3A_10 = arith.constant 9.99999971E-10 : f32
    %add3A_11 = vector.broadcast %add3A_10 : f32 to vector<10000x1xf32>
    %add3A_12 = arith.addf %slice3A_9, %add3A_11 : vector<10000x1xf32>
    %div3A = vector.broadcast %add3A_12 : vector<10000x1xf32> to vector<10000x40xf32>
    %div3A_13 = arith.divf %slice3A, %div3A : vector<10000x40xf32>
    %get3A_14 = arith.constant 0 : index
    %get3A_15 = arith.constant 0 : index
    %get3A_16 = vector.load %arg1[%get3A_14, %get3A_15] : memref<1x40xf32, #tpu.memory_space<vmem>>, vector<1x40xf32>
    %add3A_17 = vector.broadcast %get3A_16 : vector<1x40xf32> to vector<10000x40xf32>
    %add3A_18 = arith.addf %div3A_13, %add3A_17 : vector<10000x40xf32>
    %swap3A = arith.constant 0 : index
    %swap3A_19 = arith.constant 0 : index
    %swap3A_20 = vector.load %arg2[%swap3A, %swap3A_19] : memref<10000x40xf32, #tpu.memory_space<vmem>>, vector<10000x40xf32>
    tpu.vector_store %arg2[%swap3A, %swap3A_19], %add3A_18 {strides = array<i32>} : memref<10000x40xf32, #tpu.memory_space<vmem>>, vector<10000x40xf32>,
    return
  }
}

</mosaic_0001>

<sc_bundles>
// kernel: kernel.10.cloned.1.call-start
scs
__scs_entry_jumppad:
0x0: {  	(pc) =	sbr.rel $0x88, $3  }
0x1: {  	(tag) =	ssettag $0x0;
	lr =	simm.s32 $0x1  }
0x2: {  	[smem:$0x3F97] =	sst lr;
	_ =	strace $0xD0000000  }
0x3: {  	_ = 	snop  }
0x4: {  	_ = 	snop  }
0x5: {  	_ = 	snop  }
0x6: {  	_ = 	snop  }
0x7: {  	_ = 	snop  }
__scs_overlays_trampoline_lowered:
0x8: {  	[smem:$0x3FA6] =	sst s0  }
0x9: {  	[smem:$0x3FA7] =	sst s1  }
0xa: {  	[smem:$0x3FA8] =	sst s2  }
0xb: {  	[smem:$0x3FA9] =	sst s3  }
0xc: {  	[smem:$0x3FAA] =	sst s4  }
0xd: {  	[smem:$0x3FAB] =	sst s5  }
0xe: {  	[smem:$0x3FAC] =	sst s6  }
0xf: {  	[smem:$0x3FAD] =	sst s7  }
0x10: {  	[smem:$0x3FAE] =	sst s8  }
0x11: {  	[smem:$0x3FAF] =	sst s9;
	s0 =	simm.s32 @!p0 $0x0  }
0x12: {  	s1 =	sld [smem:$0x3F95];
	s0 =	simm.s32 @p0 $0x1  }
0x13: {  	[smem:$0x3FB0] =	sst s0;
	s0 =	simm.s32 @!p1 $0x0  }
0x14: {  	s2 =	sld [smem:$0x3F94];
	s0 =	simm.s32 @p1 $0x1  }
0x15: {  	[smem:$0x3FB1] =	sst s0;
	s0 =	simm.s32 @!p2 $0x0  }
0x16: {  	s3 =	sld [smem:$0x3FDB];
	s0 =	simm.s32 @p2 $0x1  }
0x17: {  	s4 =	simm.s32 $0x1BF5;
	[smem:$0x3FB3] =	sst s0  }
0x18: {  	s0 =	sld [smem:$0x3F96];
	_ =	swait.ge [sflag:s4], $0x0  }
0x19: {  	s7 =	sld [smem:$0x3F97]  }
0x1a: {  	s8 =	sadd.s32 $0xFFFFE003, lr  }
0x1b: {  	s9 =	sadd.s32 $0xFFFFFEF7, lr;
	s5 =	simm.s32 $0xFFFFFFFF;
	p2 =	slt.u32 s8, $0xFFFFF086  }
0x1c: {  	p1 =	slt.u32 s9, $0xF7A;
	s5 =	simm.s32 @!p2 $0x0  }
0x1d: {  	s5 =	simm.s32 @p1 $0x1;
	p0 =	seq.s32 s7, s2  }
0x1e: {  	s7 =	smul.u32 @!p0 $0xF7A, s2;
	p2 =	seq.s32 @!p0 s5, $0x0  }
0x1f: {  	s9 =	smul.u32 $0xF7A, s1;
	s8 =	simm.s32 @!p0 $0x1BF5;
	p2 =	por !p2, p0  }
0x20: {  	[sflag:s8] =	ssyncset.s32 @!p0 $0xFFFFF086;
	s6 =	sadd.s32 @!p0 s3, s7;
	s7 =	simm.s32 @!p0 $0x108  }
0x21: {  	s3 =	sadd.s32 s3, s9;
	s6 =	sadd.s32 @!p0 $0x88, s6;
	s7 =	simm.s32 @p2 $0x1082  }
0x22: {  	[simem:s7], [sflag:s8] =	dma.local @!p0 [hbm:s6], $0xF7A  }
0x23: {  	s9 =	sor.u32 $0xD0000000, s2;
	s6 =	simm.s32 $0x108;
	_ =	swait.ge @!p0 [sflag:s8], $0x0  }
0x24: {  	s3 =	sadd.s32 $0x88, s3;
	s6 =	simm.s32 @!p1 $0x1082;
	[sflag:s4] =	ssyncset.s32 $0xFFFFF086  }
0x25: {  	[simem:s6], [sflag:s4] =	dma.local [hbm:s3], $0xF7A  }
0x26: {  	[smem:$0x3F97] =	sst s1;
	(tag) =	ssettag s2;
	_ =	strace s9  }
0x27: {  	s1 =	sld [smem:$0x3FA7]  }
0x28: {  	s2 =	sld [smem:$0x3FA8]  }
0x29: {  	s4 =	sld [smem:$0x3FAA]  }
0x2a: {  	p0 =	seq.s32 s5, $0x0;
	s5 =	sld [smem:$0x3FAB]  }
0x2b: {  	s6 =	sld [smem:$0x3FAC]  }
0x2c: {  	s7 =	sld [smem:$0x3FAD]  }
0x2d: {  	s3 =	simm.s32 $0x108;
	s8 =	sld [smem:$0x3FAE]  }
0x2e: {  	s3 =	simm.s32 @!p0 $0x1082;
	s9 =	sld [smem:$0x3FAF]  }
0x2f: {  	lr =	sadd.s32 s0, s3;
	s0 =	sld [smem:$0x3FA6]  }
0x30: {  	s3 =	sld [smem:$0x3FA9]  }
0x31: {  	[smem:$0x3FB2] =	sst s10  }
0x32: {  	s10 =	sld [smem:$0x3FB0];
	_ =	sdelay $0x3  }
0x33: {  	p0 =	seq.s32 s10, $0x1;
	s10 =	sld [smem:$0x3FB2];
	_ =	sdelay $0x3  }
0x34: {  	[smem:$0x3FB2] =	sst s10  }
0x35: {  	s10 =	sld [smem:$0x3FB1];
	_ =	sdelay $0x3  }
0x36: {  	p1 =	seq.s32 s10, $0x1;
	s10 =	sld [smem:$0x3FB2];
	_ =	sdelay $0x3  }
0x37: {  	[smem:$0x3FB2] =	sst s10  }
0x38: {  	s10 =	sld [smem:$0x3FB3]  }
0x39: {  	_ = 	snop;
	(pc) =	sbr.ind lr, $3  }
0x3a: {  	_ = 	snop  }
0x3b: {  	_ = 	snop  }
0x3c: {  	p2 =	seq.s32 s10, $0x1;
	s10 =	sld [smem:$0x3FB2]  }
0x3d: {  	_ =	shalt  }
0x3e: {  	_ =	shalt  }
0x3f: {  	_ =	shalt  }
0x40: {  	_ =	shalt  }
0x41: {  	_ =	shalt  }
0x42: {  	_ =	shalt  }
0x43: {  	_ =	shalt  }
0x44: {  	_ =	shalt  }
0x45: {  	_ =	shalt  }
0x46: {  	_ =	shalt  }
0x47: {  	_ =	shalt  }
0x48: {  	_ =	shalt  }
0x49: {  	_ =	shalt  }
0x4a: {  	_ =	shalt  }
0x4b: {  	_ =	shalt  }
0x4c: {  	_ =	shalt  }
0x4d: {  	_ =	shalt  }
0x4e: {  	_ =	shalt  }
0x4f: {  	_ =	shalt  }
0x50: {  	_ =	shalt  }
0x51: {  	_ =	shalt  }
0x52: {  	_ =	shalt  }
0x53: {  	_ =	shalt  }
0x54: {  	_ =	shalt  }
0x55: {  	_ =	shalt  }
0x56: {  	_ =	shalt  }
0x57: {  	_ =	shalt  }
0x58: {  	_ =	shalt  }
0x59: {  	_ =	shalt  }
0x5a: {  	_ =	shalt  }
0x5b: {  	_ =	shalt  }
0x5c: {  	_ =	shalt  }
0x5d: {  	_ =	shalt  }
0x5e: {  	_ =	shalt  }
0x5f: {  	_ =	shalt  }
0x60: {  	_ =	shalt  }
0x61: {  	_ =	shalt  }
0x62: {  	_ =	shalt  }
0x63: {  	_ =	shalt  }
0x64: {  	_ =	shalt  }
0x65: {  	_ =	shalt  }
0x66: {  	_ =	shalt  }
0x67: {  	_ =	shalt  }
0x68: {  	_ =	shalt  }
0x69: {  	_ =	shalt  }
0x6a: {  	_ =	shalt  }
0x6b: {  	_ =	shalt  }
0x6c: {  	_ =	shalt  }
0x6d: {  	_ =	shalt  }
0x6e: {  	_ =	shalt  }
0x6f: {  	_ =	shalt  }
0x70: {  	_ =	shalt  }
0x71: {  	_ =	shalt  }
0x72: {  	_ =	shalt  }
0x73: {  	_ =	shalt  }
0x74: {  	_ =	shalt  }
0x75: {  	_ =	shalt  }
0x76: {  	_ =	shalt  }
0x77: {  	_ =	shalt  }
0x78: {  	_ =	shalt  }
0x79: {  	_ =	shalt  }
0x7a: {  	_ =	shalt  }
0x7b: {  	_ =	shalt  }
0x7c: {  	_ =	shalt  }
0x7d: {  	_ =	shalt  }
0x7e: {  	_ =	shalt  }
0x7f: {  	_ =	shalt  }
0x80: {  	_ =	shalt  }
0x81: {  	_ =	shalt  }
0x82: {  	_ =	shalt  }
0x83: {  	_ =	shalt  }
0x84: {  	_ =	shalt  }
0x85: {  	_ =	shalt  }
0x86: {  	_ =	shalt  }
0x87: {  	_ =	shalt  }
.Lfunc_end0:
.L_simem_size_0:
called_computation.1_lowered:
.L_overlay_start_0:
0x88: {  	s2 =	sld [smem:$0x3FD9]  }
0x89: {  	s3 =	sld [smem:$0x3FFE];
	_ =	sdelay $0x1  }
0x8a: {  	s1 =	srdreg.scid  }
0x8b: {  	s0 =	sand.u32 $0x1, s1  }
0x8c: {  	s17 =	sshll.u32 s0, $0xA;
	s2 =	sadd.s32 s3, s2  }
0x8d: {  	s2 =	sadd.s32 s2, s17  }
0x8e: {  	[smem:$0x3FBE] =	sst s2  }
0x8f: {  	_ = 	snop  }
0x90: {  	s2 =	sld [smem:$0x3FD0];
	(tm) =	ssettm $0x1  }
0x91: {  	s18 =	sld [smem:$0x3FFB];
	_ =	sdelay $0x3  }
0x92: {  	_ =	strace s18  }
0x93: {  	s3 =	sld [smem:$0x3FFC];
	_ =	sdelay $0x3  }
0x94: {  	_ =	strace s3  }
0x95: {  	s3 =	sld [smem:$0x3FFD];
	_ =	sdelay $0x3  }
0x96: {  	_ =	strace s3  }
0x97: {  	_ =	strace $0x8FFFFFFF  }
0x98: {  	s19 =	sld [smem:$0x3FDB];
	_ =	sdelay $0x1  }
0x99: {  	s4 =	simm.s32 $_scs_section_size  }
0x9a: {  	s5 =	simm.s32 $_size__tile_overlayer_lowered;
	s6 =	simm.s32 $_tile_overlayer_lowered  }
0x9b: {  	s22 =	simm.s32 $0x1BFF;
	s21 =	sshll.u32 s6, $0x1;
	s3 =	sadd.s32 s4, s19  }
0x9c: {  	s7 =	simm.s32 $0x0;
	s20 =	sshll.u32 s5, $0x1;
	s5 =	sadd.s32 s21, s3  }
0x9d: {  	[timem:s7], [sflag:s22] =	dma.local [hbm:s5], s20  }
0x9e: {  	_ =	swait.ge [sflag:s22], s20  }
0x9f: {  	s4 =	ssub.s32 $0x0, s20;
	[sflag:s22] =	ssyncset.done $0x0  }
0xa0: {  	[sflag:s22] =	ssyncadd.s32 s4;
	_ =	sdelay $0x1  }
0xa1: {  	s23 =	simm.s32 $0x1B8B  }
0xa2: {  	_ =	swait.ge [sflag:s23], $0x1  }
0xa3: {  	[sflag:s23] =	ssyncset.done $0x0  }
0xa4: {  	s25 =	simm.s32 $0x1B8E;
	s24 =	sld [smem:$0x3FFE];
	[sflag:s23] =	ssyncadd.s32 $0xFFFFFFFF  }
0xa5: {  	s26 =	simm.s32 $execute0_lowered;
	[smem:$0x3FD2] =	sst s25  }
0xa6: {  	s5 =	sshll.u32 s26, $0x1;
	_ =	strace $0x80000049;
	[dreg:$0x1] =	wrdreg $0xFFFFFFFF  }
0xa7: {  	s28 =	simm.s32 $_size_execute0_lowered;
	s3 =	sadd.s32 s3, s5;
	[dreg:$0x0] =	wrdreg $0x0  }
0xa8: {  	s5 =	sshll.u32 s28, $0x1;
	[dreg:$0x2] =	wrdreg s3  }
0xa9: {  	[dreg:$0x3] =	wrdreg s5  }
0xaa: {  	[dreg:$0x4] =	wrdreg $0xC0  }
0xab: {  	_ =	task [dreg:s7], $0x5FFFF  }
0xac: {  	[dreg:$0x1] =	wrdreg $0xFFFFFFFF  }
0xad: {  	[dreg:$0x0] =	wrdreg $0x60  }
0xae: {  	[dreg:$0x2] =	wrdreg s24  }
0xaf: {  	[dreg:$0x3] =	wrdreg s2  }
0xb0: {  	[dreg:$0x4] =	wrdreg $0xB5B00  }
0xb1: {  	[dreg:$0x5] =	wrdreg $0x9  }
0xb2: {  	_ =	task.clear_ibuf [dreg:s7], $0x6FFFF;
	_ =	strace $0x90000049  }
0xb3: {  	s29 =	simm.s32 $0x9;
	_ =	strace $0x8000004B  }
0xb4: {  	_ =	swait.ge [sflag:s29], $0x1  }
0xb5: {  	[sflag:s29] =	ssyncadd.s32 $0xFFFFFFFF  }
0xb6: {  	_ =	strace $0x9000004B  }
0xb7: {  	_ =	sfence  }
0xb8: {  	s30 =	sld [smem:$0x0];
	_ =	sdelay $0x2  }
0xb9: {  	s31 =	sshll.u32 s1, $0xD;
	s1 =	sshrl.u32 s1, $0x2  }
0xba: {  	s3 =	sand.u32 $0x4000, s31;
	s1 =	sadd.s32 s1, s30  }
0xbb: {  	s0 =	sor.u32 s3, s0;
	s1 =	sshll.u32 s1, $0x11  }
0xbc: {  	s0 =	sor.u32 s1, s0  }
0xbd: {  	s0 =	sadd.s32 $0x8F2B, s0  }
0xbe: {  	[sflag:s0] =	ssyncadd.remote.s32 $0x1  }
0xbf: {  	_ =	sfence.sel $0xFFFF  }
0xc0: {  	[dreg:$0x0] =	wrdreg $0xFFFFFFFF;
	(pc) =	sbr.abs _section_cstart, $3  }
0xc1: {  	[dreg:$0x1] =	wrdreg $0xFFFFFFFF  }
0xc2: {  	_ =	task.clear_ibuf [dreg:s7], $0x2FFFF;
	_ =	strace $0x9FFFFFFF  }
0xc3: {  	(tm) =	ssettm $0x7FFFFFFF  }
tec
execute0_lowered:
.L_overlay_start_1:
0x0: {  	(tag) =	ssettag $0x1  }
0x1: {  	s1 =	rddreg [dreg:$0x0]  }
0x2: {  	s0 =	rddreg [dreg:$0x1]  }
0x3: {  	s2 =	rddreg [dreg:$0x2]  }
0x4: {  	s3 =	srdreg.scid;
	s5 =	stileid.u32  }
0x5: {  	s15 =	simm.s32 $0x2;
	s17 =	simm.s32 $0x4F00;
	s18 =	simm.s32 $0x7610  }
0x6: {  	s21 =	simm.s32 $0x80;
	s22 =	simm.s32 $0x9D30;
	s23 =	simm.s32 $0x1  }
0x7: {  	s24 =	simm.s32 $0x0;
	s4 =	sand.u32 $0x1, s3;
	s3 =	simm.s32 $0x0  }
0x8: {  	s7 =	sadd.s32 $0xF200, s1;
	s28 =	sadd.s32 $0xEC00, s1;
	s29 =	sadd.s32 $0xFA00, s1  }
0x9: {  	s11 =	sadd.s32 $0x20C00, s1;
	s12 =	smul.u32 $0x7500, s5;
	s30 =	sshll.u32 s5, $0x6  }
0xa: {  	s16 =	sadd.s32 $0x75000, s2;
	p0 =	sne.s32 s5, $0x0;
	[smem:$0x7FF] =	sst s3  }
0xb: {  	s6 =	sshll.u32 s4, $0x4;
	_ =	strace $0x8000004A;
	[dreg:$0x4] =	wrdreg s7  }
0xc: {  	s8 =	ssub.s32 $0x2, s4;
	s4 =	smul.u32 $0x75300, s4;
	[dreg:$0x5] =	wrdreg s28  }
0xd: {  	s16 =	sshrl.u32 @!p0 s16, $0x3;
	s6 =	sor.u32 s5, s6;
	[dreg:$0x6] =	wrdreg s29  }
0xe: {  	s7 =	sadd.s32 $0xFC00, s1;
	s10 =	sshrl.u32 s8, $0x1;
	s14 =	sadd.s32 s12, s2  }
0xf: {  	s6 =	smul.u32 $0x4F0, s6;
	s13 =	ssub.s32 s8, s10;
	s8 =	sor.u32 $0x1C02, s30  }
0x10: {  	v0 =	vlaneseq.u32;
	s31 =	sadd.s32 s12, s4;
	s4 =	sshrl.u32 s4, $0x3;
	s14 =	sshrl.u32 s14, $0x3  }
0x11: {  	v0 =	vmul.u32 $0x30, v0;
	s4 =	sadd.s32 s11, s4;
	s13 =	smax.u32 s13, $0x1;
	s0 =	sadd.s32 s0, s6  }
0x12: {  	s9 =	sadd.s32 s6, s1;
	[dreg:$0x7] =	wrdreg s0;
	s0 =	sshrl.u32 s31, $0x3  }
0x13: {  	v0 =	vadd.s32 $0x28, v0;
	s12 =	sadd.s32 $0xEA00, s4;
	s10 =	sadd.s32 $0x16E00, s9;
	s11 =	sadd.s32 s11, s0  }
.LBB2_1:
0x14: {  	[spmem:s14], [sflag:s8] =	dma.local [hbm:s7], $0xEA0  }
0x15: {  	_ =	swait.ge [sflag:s15], $0xEA0  }
0x16: {  	[sflag:s15] =	ssyncset.done $0x0  }
0x17: {  	s0 =	simm.s32 @!p0 $0x2;
	[sflag:s15] =	ssyncadd.s32 $0xFFFFF160  }
0x18: {  	[spmem:s16], [sflag:s8] =	dma.local @!p0 [hbm:s7], $0x60  }
0x19: {  	_ =	swait.ge @!p0 [sflag:s0], $0x60  }
0x1a: {  	[sflag:s0] =	ssyncset.done @!p0 $0x0  }
0x1b: {  	s25 =	rddreg [dreg:$0x4];
	[sflag:s0] =	ssyncadd.s32 @!p0 $0xFFFFFFA0  }
0x1c: {  	[tilespmem:s17], [sflag:$0x2] =	stream.linear.gather [hbm4b:s25+s3], $0x2710, $0x38;
	[tilespmem:$0x12AE0] =	vst v63  }
0x1d: {  	_ =	swait.ge [sflag:s15], $0x2710  }
0x1e: {  	[sflag:s15] =	ssyncset.done $0x0  }
0x1f: {  	s26 =	rddreg [dreg:$0x5];
	[sflag:s15] =	ssyncadd.s32 $0xFFFFD8F0  }
0x20: {  	[tilespmem:s18], [sflag:$0x2] =	stream.linear.gather [hbm4b:s26+s3], $0x2710, $0x38;
	[tilespmem:$0x12AE0] =	vst v63  }
0x21: {  	_ =	swait.ge [sflag:s15], $0x2710  }
0x22: {  	[sflag:s15] =	ssyncset.done $0x0  }
0x23: {  	s4 =	simm.s32 $0x9D20;
	s28 =	rddreg [dreg:$0x6];
	[sflag:s15] =	ssyncadd.s32 $0xFFFFD8F0  }
0x24: {  	[tilespmem:s4], [sflag:$0x2] =	stream.linear.gather [hbm4b:s28+s3], $0x10, $0x38;
	[tilespmem:$0x12AE0] =	vst v63  }
0x25: {  	_ =	swait.ge [sflag:s15], $0x10  }
0x26: {  	[sflag:s15] =	ssyncset.done $0x0  }
0x27: {  	s30 =	rddreg [dreg:$0x7];
	[sflag:s15] =	ssyncadd.s32 $0xFFFFFFF0  }
0x28: {  	[tilespmem:s3], [sflag:$0x2] =	stream.linear.gather [hbm4b:s30+s3], $0x2780, $0x38;
	[tilespmem:$0x12AE0] =	vst v63  }
0x29: {  	_ =	swait.ge [sflag:s15], $0x2780  }
0x2a: {  	[sflag:s15] =	ssyncset.done $0x0  }
0x2b: {  	s31 =	simm.s32 $0x2780;
	[sflag:s15] =	ssyncadd.s32 $0xFFFFD880  }
0x2c: {  	[tilespmem:s31], [sflag:$0x2] =	stream.linear.gather [hbm4b:s10+s3], $0x2780, $0x38;
	[tilespmem:$0x12AE0] =	vst v63  }
0x2d: {  	_ =	swait.ge [sflag:s15], $0x2780  }
0x2e: {  	[sflag:s15] =	ssyncset.done $0x0  }
0x2f: {  	s5 =	simm.s32 $0x10;
	s6 =	simm.s32 $0x2790;
	[sflag:s15] =	ssyncadd.s32 $0xFFFFD880  }
0x30: {  	s9 =	simm.s32 $0x10;
	s29 =	simm.s32 $0x0;
	[bflag:$0x0] =	sbarrier.arrive $0xFFFF  }
.LBB2_2:
0x31: {  	s30 =	sshll.u32 s29, $0x7  }
0x32: {  	[tilespmem:s22], [sflag:$0x1] =	stream.indirect.gather [hbm4b:s1+s21], $0x30, s30, s21, $0xb8;
	[tilespmem:$0x12AE0] =	vst v63  }
0x33: {  	s20 =	simm.s32 $0xFFFFFFFE;
	_ =	swait.ge [sflag:s23], $0x1800  }
0x34: {  	s4 =	simm.s32 $0xB540;
	s25 =	smov.u32 s5;
	[sflag:s23] =	ssyncset.done $0x0  }
0x35: {  	s26 =	smov.u32 s6;
	s28 =	smov.u32 s9;
	[sflag:s23] =	ssyncadd.s32 $0xFFFFE800  }
.LBB2_3:
0x36: {  	v1 =	vld [tilespmem:s25+$0xFFFFFFF0]  }
0x37: {  	v2 =	vld [tilespmem:s26+$0xFFFFFFF0];
	_ =	sdelay $0x5  }
0x38: {  	v3 =	vld [tilespmem:$0x9D20]  }
0x39: {  	v1 =	vld.idx.msk [tilespmem:v1+s17+$0x0], $0xffff  }
0x3a: {  	v2 =	vld.idx.msk [tilespmem:v2+s18+$0x0], $0xffff;
	_ =	sdelay $0x4  }
0x3b: {  	v1 =	vadd.f32 v2, v1;
	v2 =	vadd.f32 v3, v2;
	_ =	sdelay $0x1  }
0x3c: {  	v3 =	vmul.f32 $2.000000030e-01, v1;
	v4 =	vmul.f32 $2.000000030e-01, v2;
	_ =	sdelay $0x1  }
0x3d: {  	v1 =	vmax.f32 v1, v3;
	v2 =	vmax.f32 v2, v4  }
0x3e: {  	v1 =	vsub.f32 v1, v2;
	_ =	sdelay $0x1  }
0x3f: {  	v1 =	vmul.f32 $1.442695020e+00, v1;
	_ =	sdelay $0x1  }
0x40: {  	(erf) = vpow2.f32 v1;
	_ =	sdelay $0x7  }
0x41: {  	s0 =	sadd.s32 $0xFFFFFFF0, s28  }
0x42: {  	p1 =	slt.u32 s0, $0x2710;
	v1 =	vpop (erf)  }
0x43: {  	v1 =	vpsel !p1, $0x0, v1  }
0x44: {  	[tilespmem:s4+$0xFFFFFFF0] =	vst v1  }
0x45: {  	v1 =	vld [tilespmem:s25+$0x0]  }
0x46: {  	v2 =	vld [tilespmem:s26+$0x0];
	_ =	sdelay $0x5  }
0x47: {  	v3 =	vld [tilespmem:$0x9D20]  }
0x48: {  	v1 =	vld.idx.msk [tilespmem:v1+s17+$0x0], $0xffff  }
0x49: {  	v2 =	vld.idx.msk [tilespmem:v2+s18+$0x0], $0xffff;
	_ =	sdelay $0x4  }
0x4a: {  	v1 =	vadd.f32 v2, v1;
	v2 =	vadd.f32 v3, v2;
	_ =	sdelay $0x1  }
0x4b: {  	v3 =	vmul.f32 $2.000000030e-01, v1;
	v63 =	vmul.f32 $2.000000030e-01, v2;
	_ =	sdelay $0x1  }
0x4c: {  	v1 =	vmax.f32 v1, v3;
	v2 =	vmax.f32 v2, v63  }
0x4d: {  	v1 =	vsub.f32 v1, v2;
	_ =	sdelay $0x1  }
0x4e: {  	v1 =	vmul.f32 $1.442695020e+00, v1;
	_ =	sdelay $0x1  }
0x4f: {  	(erf) = vpow2.f32 v1;
	_ =	sdelay $0x4  }
0x50: {  	s20 =	sadd.s32 $0x2, s20  }
0x51: {  	p1 =	slt.u32 s20, $0x6  }
.Ltmp0:
0x52: {  	_ = 	snop;
	(pc) =	sbr.rel @p1 .LBB2_3-.Ltmp0, $4  }
0x53: {  	_ = 	snop  }
0x54: {  	p6 =	slt.u32 s28, $0x2710;
	s28 =	sadd.s32 $0x20, s28;
	v1 =	vpop (erf)  }
0x55: {  	s31 =	simm.s32 $0x0;
	s19 =	simm.s32 $0x9EB0;
	s0 =	simm.s32 $0xB530;
	v1 =	vpsel !p6, $0x0, v1  }
0x56: {  	s26 =	sadd.s32 $0x20, s26;
	s25 =	sadd.s32 $0x20, s25;
	[tilespmem:s4+$0x0] =	vst v1;
	s4 =	sadd.s32 $0x20, s4  }
.LBB2_4:
0x57: {  	v1 =	vld [tilespmem:s0+$0x0];
	_ =	sdelay $0x1  }
0x58: {  	v2 =	vld [tilespmem:s19+$0xFFFFFE80];
	_ =	sdelay $0x2  }
0x59: {  	v3 =	vbroadcast v1, $0x0;
	_ =	sdelay $0x1  }
0x5a: {  	v2 =	vmul.f32 v3, v2;
	_ =	sdelay $0x1  }
0x5b: {  	[tilespmem:s19+$0xFFFFFE80] =	vst v2;
	v2 =	vld [tilespmem:s19+$0xFFFFFE90];
	_ =	sdelay $0x4  }
0x5c: {  	v2 =	vmul.f32 v2, v3;
	_ =	sdelay $0x1  }
0x5d: {  	[tilespmem:s19+$0xFFFFFE90] =	vst v2;
	v2 =	vld [tilespmem:s19+$0xFFFFFEA0];
	_ =	sdelay $0x4  }
0x5e: {  	v2 =	vmul.f32 v2, v3;
	_ =	sdelay $0x1  }
0x5f: {  	[tilespmem:s19+$0xFFFFFEA0] =	vst v2;
	v2 =	vld [tilespmem:s19+$0xFFFFFEB0];
	_ =	sdelay $0x2  }
0x60: {  	v3 =	vbroadcast v1, $0x1;
	_ =	sdelay $0x1  }
0x61: {  	v2 =	vmul.f32 v2, v3;
	_ =	sdelay $0x1  }
0x62: {  	[tilespmem:s19+$0xFFFFFEB0] =	vst v2;
	v2 =	vld [tilespmem:s19+$0xFFFFFEC0];
	_ =	sdelay $0x4  }
0x63: {  	v2 =	vmul.f32 v2, v3;
	_ =	sdelay $0x1  }
0x64: {  	[tilespmem:s19+$0xFFFFFEC0] =	vst v2;
	v2 =	vld [tilespmem:s19+$0xFFFFFED0];
	_ =	sdelay $0x4  }
0x65: {  	v2 =	vmul.f32 v2, v3;
	_ =	sdelay $0x1  }
0x66: {  	[tilespmem:s19+$0xFFFFFED0] =	vst v2;
	v2 =	vld [tilespmem:s19+$0xFFFFFEE0];
	_ =	sdelay $0x2  }
0x67: {  	v3 =	vbroadcast v1, $0x2;
	_ =	sdelay $0x1  }
0x68: {  	v2 =	vmul.f32 v2, v3;
	_ =	sdelay $0x1  }
0x69: {  	[tilespmem:s19+$0xFFFFFEE0] =	vst v2;
	v2 =	vld [tilespmem:s19+$0xFFFFFEF0];
	_ =	sdelay $0x4  }
0x6a: {  	v2 =	vmul.f32 v2, v3;
	_ =	sdelay $0x1  }
0x6b: {  	[tilespmem:s19+$0xFFFFFEF0] =	vst v2;
	v2 =	vld [tilespmem:s19+$0xFFFFFF00];
	_ =	sdelay $0x4  }
0x6c: {  	v2 =	vmul.f32 v2, v3;
	_ =	sdelay $0x1  }
0x6d: {  	[tilespmem:s19+$0xFFFFFF00] =	vst v2;
	v2 =	vld [tilespmem:s19+$0xFFFFFF10];
	_ =	sdelay $0x2  }
0x6e: {  	v3 =	vbroadcast v1, $0x3;
	_ =	sdelay $0x1  }
0x6f: {  	v2 =	vmul.f32 v2, v3;
	_ =	sdelay $0x1  }
0x70: {  	[tilespmem:s19+$0xFFFFFF10] =	vst v2;
	v2 =	vld [tilespmem:s19+$0xFFFFFF20];
	_ =	sdelay $0x4  }
0x71: {  	v2 =	vmul.f32 v2, v3;
	_ =	sdelay $0x1  }
0x72: {  	[tilespmem:s19+$0xFFFFFF20] =	vst v2;
	v2 =	vld [tilespmem:s19+$0xFFFFFF30];
	_ =	sdelay $0x4  }
0x73: {  	v2 =	vmul.f32 v2, v3;
	_ =	sdelay $0x1  }
0x74: {  	[tilespmem:s19+$0xFFFFFF30] =	vst v2;
	v2 =	vld [tilespmem:s19+$0xFFFFFF40];
	_ =	sdelay $0x2  }
0x75: {  	v3 =	vbroadcast v1, $0x4;
	_ =	sdelay $0x1  }
0x76: {  	v2 =	vmul.f32 v2, v3;
	_ =	sdelay $0x1  }
0x77: {  	[tilespmem:s19+$0xFFFFFF40] =	vst v2;
	v2 =	vld [tilespmem:s19+$0xFFFFFF50];
	_ =	sdelay $0x4  }
0x78: {  	v2 =	vmul.f32 v2, v3;
	_ =	sdelay $0x1  }
0x79: {  	[tilespmem:s19+$0xFFFFFF50] =	vst v2;
	v2 =	vld [tilespmem:s19+$0xFFFFFF60];
	_ =	sdelay $0x4  }
0x7a: {  	v2 =	vmul.f32 v2, v3;
	_ =	sdelay $0x1  }
0x7b: {  	[tilespmem:s19+$0xFFFFFF60] =	vst v2;
	v2 =	vld [tilespmem:s19+$0xFFFFFF70];
	_ =	sdelay $0x2  }
0x7c: {  	v3 =	vbroadcast v1, $0x5;
	_ =	sdelay $0x1  }
0x7d: {  	v2 =	vmul.f32 v2, v3;
	_ =	sdelay $0x1  }
0x7e: {  	[tilespmem:s19+$0xFFFFFF70] =	vst v2;
	v2 =	vld [tilespmem:s19+$0xFFFFFF80];
	_ =	sdelay $0x4  }
0x7f: {  	v2 =	vmul.f32 v2, v3;
	_ =	sdelay $0x1  }
0x80: {  	[tilespmem:s19+$0xFFFFFF80] =	vst v2;
	v2 =	vld [tilespmem:s19+$0xFFFFFF90];
	_ =	sdelay $0x4  }
0x81: {  	v2 =	vmul.f32 v2, v3;
	_ =	sdelay $0x1  }
0x82: {  	[tilespmem:s19+$0xFFFFFF90] =	vst v2;
	v2 =	vld [tilespmem:s19+$0xFFFFFFA0];
	_ =	sdelay $0x2  }
0x83: {  	v3 =	vbroadcast v1, $0x6;
	_ =	sdelay $0x1  }
0x84: {  	v2 =	vmul.f32 v2, v3;
	_ =	sdelay $0x1  }
0x85: {  	[tilespmem:s19+$0xFFFFFFA0] =	vst v2;
	v2 =	vld [tilespmem:s19+$0xFFFFFFB0];
	_ =	sdelay $0x4  }
0x86: {  	v2 =	vmul.f32 v2, v3;
	_ =	sdelay $0x1  }
0x87: {  	[tilespmem:s19+$0xFFFFFFB0] =	vst v2;
	v2 =	vld [tilespmem:s19+$0xFFFFFFC0];
	_ =	sdelay $0x4  }
0x88: {  	v2 =	vmul.f32 v2, v3;
	_ =	sdelay $0x1  }
0x89: {  	[tilespmem:s19+$0xFFFFFFC0] =	vst v2;
	v2 =	vld [tilespmem:s19+$0xFFFFFFD0];
	_ =	sdelay $0x2  }
0x8a: {  	v3 =	vbroadcast v1, $0x7;
	_ =	sdelay $0x1  }
0x8b: {  	v2 =	vmul.f32 v2, v3;
	_ =	sdelay $0x1  }
0x8c: {  	[tilespmem:s19+$0xFFFFFFD0] =	vst v2;
	v2 =	vld [tilespmem:s19+$0xFFFFFFE0];
	_ =	sdelay $0x4  }
0x8d: {  	v2 =	vmul.f32 v2, v3;
	_ =	sdelay $0x1  }
0x8e: {  	[tilespmem:s19+$0xFFFFFFE0] =	vst v2;
	v2 =	vld [tilespmem:s19+$0xFFFFFFF0];
	_ =	sdelay $0x4  }
0x8f: {  	v2 =	vmul.f32 v2, v3;
	_ =	sdelay $0x1  }
0x90: {  	[tilespmem:s19+$0xFFFFFFF0] =	vst v2;
	v2 =	vld [tilespmem:s19+$0x0];
	_ =	sdelay $0x2  }
0x91: {  	v3 =	vbroadcast v1, $0x8;
	_ =	sdelay $0x1  }
0x92: {  	v2 =	vmul.f32 v2, v3;
	_ =	sdelay $0x1  }
0x93: {  	[tilespmem:s19+$0x0] =	vst v2;
	v2 =	vld [tilespmem:s19+$0x10];
	_ =	sdelay $0x4  }
0x94: {  	v2 =	vmul.f32 v2, v3;
	_ =	sdelay $0x1  }
0x95: {  	[tilespmem:s19+$0x10] =	vst v2;
	v2 =	vld [tilespmem:s19+$0x20];
	_ =	sdelay $0x4  }
0x96: {  	v2 =	vmul.f32 v2, v3;
	_ =	sdelay $0x1  }
0x97: {  	[tilespmem:s19+$0x20] =	vst v2;
	v2 =	vld [tilespmem:s19+$0x30];
	_ =	sdelay $0x2  }
0x98: {  	v3 =	vbroadcast v1, $0x9;
	_ =	sdelay $0x1  }
0x99: {  	v2 =	vmul.f32 v2, v3;
	_ =	sdelay $0x1  }
0x9a: {  	[tilespmem:s19+$0x30] =	vst v2;
	v2 =	vld [tilespmem:s19+$0x40];
	_ =	sdelay $0x4  }
0x9b: {  	v2 =	vmul.f32 v2, v3;
	_ =	sdelay $0x1  }
0x9c: {  	[tilespmem:s19+$0x40] =	vst v2;
	v2 =	vld [tilespmem:s19+$0x50];
	_ =	sdelay $0x4  }
0x9d: {  	v2 =	vmul.f32 v2, v3;
	_ =	sdelay $0x1  }
0x9e: {  	[tilespmem:s19+$0x50] =	vst v2;
	v2 =	vld [tilespmem:s19+$0x60];
	_ =	sdelay $0x2  }
0x9f: {  	v3 =	vbroadcast v1, $0xA;
	_ =	sdelay $0x1  }
0xa0: {  	v2 =	vmul.f32 v2, v3;
	_ =	sdelay $0x1  }
0xa1: {  	[tilespmem:s19+$0x60] =	vst v2;
	v2 =	vld [tilespmem:s19+$0x70];
	_ =	sdelay $0x4  }
0xa2: {  	v2 =	vmul.f32 v2, v3;
	_ =	sdelay $0x1  }
0xa3: {  	[tilespmem:s19+$0x70] =	vst v2;
	v2 =	vld [tilespmem:s19+$0x80];
	_ =	sdelay $0x4  }
0xa4: {  	v2 =	vmul.f32 v2, v3;
	_ =	sdelay $0x1  }
0xa5: {  	[tilespmem:s19+$0x80] =	vst v2;
	v2 =	vld [tilespmem:s19+$0x90];
	_ =	sdelay $0x2  }
0xa6: {  	v3 =	vbroadcast v1, $0xB;
	_ =	sdelay $0x1  }
0xa7: {  	v2 =	vmul.f32 v2, v3;
	_ =	sdelay $0x1  }
0xa8: {  	[tilespmem:s19+$0x90] =	vst v2;
	v2 =	vld [tilespmem:s19+$0xA0];
	_ =	sdelay $0x4  }
0xa9: {  	v2 =	vmul.f32 v2, v3;
	_ =	sdelay $0x1  }
0xaa: {  	[tilespmem:s19+$0xA0] =	vst v2;
	v2 =	vld [tilespmem:s19+$0xB0];
	_ =	sdelay $0x4  }
0xab: {  	v2 =	vmul.f32 v2, v3;
	_ =	sdelay $0x1  }
0xac: {  	[tilespmem:s19+$0xB0] =	vst v2;
	v2 =	vld [tilespmem:s19+$0xC0];
	_ =	sdelay $0x2  }
0xad: {  	v3 =	vbroadcast v1, $0xC;
	_ =	sdelay $0x1  }
0xae: {  	v2 =	vmul.f32 v2, v3;
	_ =	sdelay $0x1  }
0xaf: {  	[tilespmem:s19+$0xC0] =	vst v2;
	v2 =	vld [tilespmem:s19+$0xD0];
	_ =	sdelay $0x4  }
0xb0: {  	v2 =	vmul.f32 v2, v3;
	_ =	sdelay $0x1  }
0xb1: {  	[tilespmem:s19+$0xD0] =	vst v2;
	v2 =	vld [tilespmem:s19+$0xE0];
	_ =	sdelay $0x4  }
0xb2: {  	v2 =	vmul.f32 v2, v3;
	_ =	sdelay $0x1  }
0xb3: {  	[tilespmem:s19+$0xE0] =	vst v2;
	v2 =	vld [tilespmem:s19+$0xF0];
	_ =	sdelay $0x2  }
0xb4: {  	v3 =	vbroadcast v1, $0xD;
	_ =	sdelay $0x1  }
0xb5: {  	v2 =	vmul.f32 v2, v3;
	_ =	sdelay $0x1  }
0xb6: {  	[tilespmem:s19+$0xF0] =	vst v2;
	v2 =	vld [tilespmem:s19+$0x100];
	_ =	sdelay $0x4  }
0xb7: {  	v2 =	vmul.f32 v2, v3;
	_ =	sdelay $0x1  }
0xb8: {  	[tilespmem:s19+$0x100] =	vst v2;
	v2 =	vld [tilespmem:s19+$0x110];
	_ =	sdelay $0x4  }
0xb9: {  	v2 =	vmul.f32 v2, v3;
	_ =	sdelay $0x1  }
0xba: {  	[tilespmem:s19+$0x110] =	vst v2;
	v2 =	vld [tilespmem:s19+$0x120];
	_ =	sdelay $0x2  }
0xbb: {  	v3 =	vbroadcast v1, $0xE;
	_ =	sdelay $0x1  }
0xbc: {  	v2 =	vmul.f32 v2, v3;
	_ =	sdelay $0x1  }
0xbd: {  	[tilespmem:s19+$0x120] =	vst v2;
	v2 =	vld [tilespmem:s19+$0x130];
	_ =	sdelay $0x4  }
0xbe: {  	v2 =	vmul.f32 v2, v3;
	_ =	sdelay $0x1  }
0xbf: {  	[tilespmem:s19+$0x130] =	vst v2;
	v2 =	vld [tilespmem:s19+$0x140];
	_ =	sdelay $0x4  }
0xc0: {  	v2 =	vmul.f32 v2, v3;
	_ =	sdelay $0x1  }
0xc1: {  	[tilespmem:s19+$0x140] =	vst v2;
	v2 =	vld [tilespmem:s19+$0x150];
	_ =	sdelay $0x2  }
0xc2: {  	v3 =	vbroadcast v1, $0xF;
	_ =	sdelay $0x1  }
0xc3: {  	v2 =	vmul.f32 v2, v3;
	_ =	sdelay $0x1  }
0xc4: {  	[tilespmem:s19+$0x150] =	vst v2;
	v2 =	vld [tilespmem:s19+$0x160];
	_ =	sdelay $0x4  }
0xc5: {  	v2 =	vmul.f32 v2, v3  }
0xc6: {  	v4 =	vmov s31  }
0xc7: {  	[tilespmem:s19+$0x160] =	vst v2;
	v2 =	vmul.u32 $0x30, v4  }
0xc8: {  	v63 =	vld [tilespmem:s19+$0x170]  }
0xc9: {  	v2 =	vbroadcast v2, $0x0;
	_ =	sdelay $0x1  }
0xca: {  	p1 =	sne.s32 s31, $0x70;
	v2 =	vadd.s32 v0, v2  }
.Ltmp1:
0xcb: {  	_ = 	snop;
	(pc) =	sbr.rel @p1 .LBB2_4-.Ltmp1, $3  }
0xcc: {  	v3 =	vmul.f32 v63, v3;
	_ =	sdelay $0x1  }
0xcd: {  	[tilespmem:s19+$0x170] =	vst v3  }
0xce: {  	s0 =	sadd.s32 $0x10, s0;
	s31 =	sadd.s32 $0x10, s31;
	s19 =	sadd.s32 $0x300, s19;
	[tilespmem:v2+s22+$0x0] =	vst.idx.msk $0xffff, v1  }
0xcf: {  	s29 =	sadd.s32 $0x1, s29  }
0xd0: {  	p1 =	sne.s32 s29, $0x4F  }
.Ltmp2:
0xd1: {  	s0 =	sadd.s32 $0x2780, s30;
	(pc) =	sbr.rel @p1 .LBB2_2-.Ltmp2, $4  }
0xd2: {  	[spmem:s2] =	stream.indirect.scatter.add.f32 [tilespmem:s22], [sflag:$0x2], $0x30, s0, s21, $0xb8;
	[tilespmem:$0x12AE0] =	vst v63  }
0xd3: {  	_ =	swait.ge [sflag:s15], $0x1800  }
0xd4: {  	s9 =	sadd.s32 $0x80, s9;
	[sflag:s15] =	ssyncset.done $0x0  }
0xd5: {  	s6 =	sadd.s32 $0x80, s6;
	s5 =	sadd.s32 $0x80, s5;
	[sflag:s15] =	ssyncadd.s32 $0xFFFFE800  }
0xd6: {  	[bflag:$0x0] =	sbarrier.arrive $0xFFFF  }
0xd7: {  	[hbm:s11], [sflag:s8] =	dma.local [spmem:s14], $0xEA0  }
0xd8: {  	s24 =	sadd.s32 $0x1, s24;
	_ =	swait.ge [sflag:s15], $0xEA0  }
0xd9: {  	p1 =	sne.s32 s24, s13;
	[sflag:s15] =	ssyncset.done $0x0  }
.Ltmp3:
0xda: {  	s0 =	simm.s32 @!p0 $0x2;
	[sflag:s15] =	ssyncadd.s32 $0xFFFFF160;
	(pc) =	sbr.rel @p1 .LBB2_1-.Ltmp3, $4  }
0xdb: {  	[hbm:s12], [sflag:s8] =	dma.local @!p0 [spmem:s16], $0x60  }
0xdc: {  	_ =	swait.ge @!p0 [sflag:s0], $0x60  }
0xdd: {  	[sflag:s0] =	ssyncset.done @!p0 $0x0  }
0xde: {  	[sflag:s0] =	ssyncadd.s32 @!p0 $0xFFFFFFA0  }
0xdf: {  	_ =	sfence.sel $0x180000  }
0xe0: {  	[bflag:$0x0] =	sbarrier.arrive $0xFFFF  }
0xe1: {  	_ =	strace $0x9000004A  }
0xe2: {  	[bflag:$0x2] =	sbarrier.arrive $0xFFFF  }
0xe3: {  	s0 =	rddreg [dreg:$0x3]  }
0xe4: {  	s0 =	sadd.s32 @!p0 $0x100000, s0  }
0xe5: {  	[sflag:s0] =	ssyncadd.tile.s32 @!p0 $0x1;
	_ =	shalt  }
.Lfunc_end2:
_tile_overlayer_lowered:
.L_overlay_start_2:
0xe6: {  	(tag) =	ssettag $0x2  }
0xe7: {  	s0 =	rddreg [dreg:$0x0];
	s2 =	stileid.u32  }
0xe8: {  	s1 =	rddreg [dreg:$0x1];
	p0 =	sne.s32 s2, $0x0  }
0xe9: {  	s3 =	rddreg [dreg:$0x2];
	[bflag:$0x3] =	sbarrier.arrive $0xFFFF;
	s2 =	simm.s32 @!p0 $0x1C02  }
0xea: {  	[timem:s3], [sflag:s2] =	dma.local @!p0 [hbm:s0], s1  }
0xeb: {  	s0 =	simm.s32 @!p0 $0x2  }
0xec: {  	_ =	swait.ge @!p0 [sflag:s0], s1  }
0xed: {  	s1 =	ssub.s32 @!p0 $0x0, s1;
	[sflag:s0] =	ssyncset.done @!p0 $0x0  }
0xee: {  	[sflag:s0] =	ssyncadd.s32 @!p0 s1  }
0xef: {  	[bflag:$0x3] =	sbarrier.arrive $0xFFFF  }
0xf0: {  	_ =	shalt  }

// kernel: kernel.7.cloned.1.call-start
scs
__scs_entry_jumppad:
0x0: {  	(pc) =	sbr.rel $0x88, $3  }
0x1: {  	(tag) =	ssettag $0x0;
	lr =	simm.s32 $0x1  }
0x2: {  	[smem:$0x3F97] =	sst lr;
	_ =	strace $0xD0000000  }
0x3: {  	_ = 	snop  }
0x4: {  	_ = 	snop  }
0x5: {  	_ = 	snop  }
0x6: {  	_ = 	snop  }
0x7: {  	_ = 	snop  }
__scs_overlays_trampoline_lowered:
0x8: {  	[smem:$0x3FA6] =	sst s0  }
0x9: {  	[smem:$0x3FA7] =	sst s1  }
0xa: {  	[smem:$0x3FA8] =	sst s2  }
0xb: {  	[smem:$0x3FA9] =	sst s3  }
0xc: {  	[smem:$0x3FAA] =	sst s4  }
0xd: {  	[smem:$0x3FAB] =	sst s5  }
0xe: {  	[smem:$0x3FAC] =	sst s6  }
0xf: {  	[smem:$0x3FAD] =	sst s7  }
0x10: {  	[smem:$0x3FAE] =	sst s8  }
0x11: {  	[smem:$0x3FAF] =	sst s9;
	s0 =	simm.s32 @!p0 $0x0  }
0x12: {  	s1 =	sld [smem:$0x3F95];
	s0 =	simm.s32 @p0 $0x1  }
0x13: {  	[smem:$0x3FB0] =	sst s0;
	s0 =	simm.s32 @!p1 $0x0  }
0x14: {  	s2 =	sld [smem:$0x3F94];
	s0 =	simm.s32 @p1 $0x1  }
0x15: {  	[smem:$0x3FB1] =	sst s0;
	s0 =	simm.s32 @!p2 $0x0  }
0x16: {  	s3 =	sld [smem:$0x3FDB];
	s0 =	simm.s32 @p2 $0x1  }
0x17: {  	s4 =	simm.s32 $0x1BF5;
	[smem:$0x3FB3] =	sst s0  }
0x18: {  	s0 =	sld [smem:$0x3F96];
	_ =	swait.ge [sflag:s4], $0x0  }
0x19: {  	s7 =	sld [smem:$0x3F97]  }
0x1a: {  	s8 =	sadd.s32 $0xFFFFE003, lr  }
0x1b: {  	s9 =	sadd.s32 $0xFFFFFEF7, lr;
	s5 =	simm.s32 $0xFFFFFFFF;
	p2 =	slt.u32 s8, $0xFFFFF086  }
0x1c: {  	p1 =	slt.u32 s9, $0xF7A;
	s5 =	simm.s32 @!p2 $0x0  }
0x1d: {  	s5 =	simm.s32 @p1 $0x1;
	p0 =	seq.s32 s7, s2  }
0x1e: {  	s7 =	smul.u32 @!p0 $0xF7A, s2;
	p2 =	seq.s32 @!p0 s5, $0x0  }
0x1f: {  	s9 =	smul.u32 $0xF7A, s1;
	s8 =	simm.s32 @!p0 $0x1BF5;
	p2 =	por !p2, p0  }
0x20: {  	[sflag:s8] =	ssyncset.s32 @!p0 $0xFFFFF086;
	s6 =	sadd.s32 @!p0 s3, s7;
	s7 =	simm.s32 @!p0 $0x108  }
0x21: {  	s3 =	sadd.s32 s3, s9;
	s6 =	sadd.s32 @!p0 $0x88, s6;
	s7 =	simm.s32 @p2 $0x1082  }
0x22: {  	[simem:s7], [sflag:s8] =	dma.local @!p0 [hbm:s6], $0xF7A  }
0x23: {  	s9 =	sor.u32 $0xD0000000, s2;
	s6 =	simm.s32 $0x108;
	_ =	swait.ge @!p0 [sflag:s8], $0x0  }
0x24: {  	s3 =	sadd.s32 $0x88, s3;
	s6 =	simm.s32 @!p1 $0x1082;
	[sflag:s4] =	ssyncset.s32 $0xFFFFF086  }
0x25: {  	[simem:s6], [sflag:s4] =	dma.local [hbm:s3], $0xF7A  }
0x26: {  	[smem:$0x3F97] =	sst s1;
	(tag) =	ssettag s2;
	_ =	strace s9  }
0x27: {  	s1 =	sld [smem:$0x3FA7]  }
0x28: {  	s2 =	sld [smem:$0x3FA8]  }
0x29: {  	s4 =	sld [smem:$0x3FAA]  }
0x2a: {  	p0 =	seq.s32 s5, $0x0;
	s5 =	sld [smem:$0x3FAB]  }
0x2b: {  	s6 =	sld [smem:$0x3FAC]  }
0x2c: {  	s7 =	sld [smem:$0x3FAD]  }
0x2d: {  	s3 =	simm.s32 $0x108;
	s8 =	sld [smem:$0x3FAE]  }
0x2e: {  	s3 =	simm.s32 @!p0 $0x1082;
	s9 =	sld [smem:$0x3FAF]  }
0x2f: {  	lr =	sadd.s32 s0, s3;
	s0 =	sld [smem:$0x3FA6]  }
0x30: {  	s3 =	sld [smem:$0x3FA9]  }
0x31: {  	[smem:$0x3FB2] =	sst s10  }
0x32: {  	s10 =	sld [smem:$0x3FB0];
	_ =	sdelay $0x3  }
0x33: {  	p0 =	seq.s32 s10, $0x1;
	s10 =	sld [smem:$0x3FB2];
	_ =	sdelay $0x3  }
0x34: {  	[smem:$0x3FB2] =	sst s10  }
0x35: {  	s10 =	sld [smem:$0x3FB1];
	_ =	sdelay $0x3  }
0x36: {  	p1 =	seq.s32 s10, $0x1;
	s10 =	sld [smem:$0x3FB2];
	_ =	sdelay $0x3  }
0x37: {  	[smem:$0x3FB2] =	sst s10  }
0x38: {  	s10 =	sld [smem:$0x3FB3]  }
0x39: {  	_ = 	snop;
	(pc) =	sbr.ind lr, $3  }
0x3a: {  	_ = 	snop  }
0x3b: {  	_ = 	snop  }
0x3c: {  	p2 =	seq.s32 s10, $0x1;
	s10 =	sld [smem:$0x3FB2]  }
0x3d: {  	_ =	shalt  }
0x3e: {  	_ =	shalt  }
0x3f: {  	_ =	shalt  }
0x40: {  	_ =	shalt  }
0x41: {  	_ =	shalt  }
0x42: {  	_ =	shalt  }
0x43: {  	_ =	shalt  }
0x44: {  	_ =	shalt  }
0x45: {  	_ =	shalt  }
0x46: {  	_ =	shalt  }
0x47: {  	_ =	shalt  }
0x48: {  	_ =	shalt  }
0x49: {  	_ =	shalt  }
0x4a: {  	_ =	shalt  }
0x4b: {  	_ =	shalt  }
0x4c: {  	_ =	shalt  }
0x4d: {  	_ =	shalt  }
0x4e: {  	_ =	shalt  }
0x4f: {  	_ =	shalt  }
0x50: {  	_ =	shalt  }
0x51: {  	_ =	shalt  }
0x52: {  	_ =	shalt  }
0x53: {  	_ =	shalt  }
0x54: {  	_ =	shalt  }
0x55: {  	_ =	shalt  }
0x56: {  	_ =	shalt  }
0x57: {  	_ =	shalt  }
0x58: {  	_ =	shalt  }
0x59: {  	_ =	shalt  }
0x5a: {  	_ =	shalt  }
0x5b: {  	_ =	shalt  }
0x5c: {  	_ =	shalt  }
0x5d: {  	_ =	shalt  }
0x5e: {  	_ =	shalt  }
0x5f: {  	_ =	shalt  }
0x60: {  	_ =	shalt  }
0x61: {  	_ =	shalt  }
0x62: {  	_ =	shalt  }
0x63: {  	_ =	shalt  }
0x64: {  	_ =	shalt  }
0x65: {  	_ =	shalt  }
0x66: {  	_ =	shalt  }
0x67: {  	_ =	shalt  }
0x68: {  	_ =	shalt  }
0x69: {  	_ =	shalt  }
0x6a: {  	_ =	shalt  }
0x6b: {  	_ =	shalt  }
0x6c: {  	_ =	shalt  }
0x6d: {  	_ =	shalt  }
0x6e: {  	_ =	shalt  }
0x6f: {  	_ =	shalt  }
0x70: {  	_ =	shalt  }
0x71: {  	_ =	shalt  }
0x72: {  	_ =	shalt  }
0x73: {  	_ =	shalt  }
0x74: {  	_ =	shalt  }
0x75: {  	_ =	shalt  }
0x76: {  	_ =	shalt  }
0x77: {  	_ =	shalt  }
0x78: {  	_ =	shalt  }
0x79: {  	_ =	shalt  }
0x7a: {  	_ =	shalt  }
0x7b: {  	_ =	shalt  }
0x7c: {  	_ =	shalt  }
0x7d: {  	_ =	shalt  }
0x7e: {  	_ =	shalt  }
0x7f: {  	_ =	shalt  }
0x80: {  	_ =	shalt  }
0x81: {  	_ =	shalt  }
0x82: {  	_ =	shalt  }
0x83: {  	_ =	shalt  }
0x84: {  	_ =	shalt  }
0x85: {  	_ =	shalt  }
0x86: {  	_ =	shalt  }
0x87: {  	_ =	shalt  }
.Lfunc_end0:
.L_simem_size_0:
called_computation_lowered:
.L_overlay_start_0:
0x88: {  	s2 =	sld [smem:$0x3FD9]  }
0x89: {  	s3 =	sld [smem:$0x3FFE];
	_ =	sdelay $0x1  }
0x8a: {  	s1 =	srdreg.scid  }
0x8b: {  	s0 =	sand.u32 $0x1, s1  }
0x8c: {  	s17 =	sshll.u32 s0, $0xA;
	s2 =	sadd.s32 s3, s2  }
0x8d: {  	s2 =	sadd.s32 s2, s17  }
0x8e: {  	[smem:$0x3FBE] =	sst s2  }
0x8f: {  	_ = 	snop  }
0x90: {  	s2 =	sld [smem:$0x3FD0];
	(tm) =	ssettm $0x1  }
0x91: {  	s18 =	sld [smem:$0x3FFB];
	_ =	sdelay $0x3  }
0x92: {  	_ =	strace s18  }
0x93: {  	s3 =	sld [smem:$0x3FFC];
	_ =	sdelay $0x3  }
0x94: {  	_ =	strace s3  }
0x95: {  	s3 =	sld [smem:$0x3FFD];
	_ =	sdelay $0x3  }
0x96: {  	_ =	strace s3  }
0x97: {  	_ =	strace $0x8FFFFFFF  }
0x98: {  	s19 =	sld [smem:$0x3FDB];
	_ =	sdelay $0x1  }
0x99: {  	s4 =	simm.s32 $_scs_section_size  }
0x9a: {  	s5 =	simm.s32 $_size__tile_overlayer_lowered;
	s6 =	simm.s32 $_tile_overlayer_lowered  }
0x9b: {  	s22 =	simm.s32 $0x1BFF;
	s21 =	sshll.u32 s6, $0x1;
	s3 =	sadd.s32 s4, s19  }
0x9c: {  	s7 =	simm.s32 $0x0;
	s20 =	sshll.u32 s5, $0x1;
	s5 =	sadd.s32 s21, s3  }
0x9d: {  	[timem:s7], [sflag:s22] =	dma.local [hbm:s5], s20  }
0x9e: {  	_ =	swait.ge [sflag:s22], s20  }
0x9f: {  	s4 =	ssub.s32 $0x0, s20;
	[sflag:s22] =	ssyncset.done $0x0  }
0xa0: {  	[sflag:s22] =	ssyncadd.s32 s4;
	_ =	sdelay $0x1  }
0xa1: {  	s23 =	simm.s32 $0x1B8B  }
0xa2: {  	_ =	swait.ge [sflag:s23], $0x1  }
0xa3: {  	[sflag:s23] =	ssyncset.done $0x0  }
0xa4: {  	s25 =	simm.s32 $0x1B8E;
	s24 =	sld [smem:$0x3FFE];
	[sflag:s23] =	ssyncadd.s32 $0xFFFFFFFF  }
0xa5: {  	s26 =	simm.s32 $execute0_lowered;
	[smem:$0x3FD2] =	sst s25  }
0xa6: {  	s5 =	sshll.u32 s26, $0x1;
	_ =	strace $0x80000046;
	[dreg:$0x1] =	wrdreg $0xFFFFFFFF  }
0xa7: {  	s28 =	simm.s32 $_size_execute0_lowered;
	s3 =	sadd.s32 s3, s5;
	[dreg:$0x0] =	wrdreg $0x0  }
0xa8: {  	s5 =	sshll.u32 s28, $0x1;
	[dreg:$0x2] =	wrdreg s3  }
0xa9: {  	[dreg:$0x3] =	wrdreg s5  }
0xaa: {  	[dreg:$0x4] =	wrdreg $0xC0  }
0xab: {  	_ =	task [dreg:s7], $0x5FFFF  }
0xac: {  	[dreg:$0x1] =	wrdreg $0xFFFFFFFF  }
0xad: {  	[dreg:$0x0] =	wrdreg $0x60  }
0xae: {  	[dreg:$0x2] =	wrdreg s24  }
0xaf: {  	[dreg:$0x3] =	wrdreg s2  }
0xb0: {  	[dreg:$0x4] =	wrdreg $0xC1B00  }
0xb1: {  	[dreg:$0x5] =	wrdreg $0x9  }
0xb2: {  	_ =	task.clear_ibuf [dreg:s7], $0x6FFFF;
	_ =	strace $0x90000046  }
0xb3: {  	s29 =	simm.s32 $0x9;
	_ =	strace $0x80000048  }
0xb4: {  	_ =	swait.ge [sflag:s29], $0x1  }
0xb5: {  	[sflag:s29] =	ssyncadd.s32 $0xFFFFFFFF  }
0xb6: {  	_ =	strace $0x90000048  }
0xb7: {  	_ =	sfence  }
0xb8: {  	s30 =	sld [smem:$0x0];
	_ =	sdelay $0x2  }
0xb9: {  	s31 =	sshll.u32 s1, $0xD;
	s1 =	sshrl.u32 s1, $0x2  }
0xba: {  	s3 =	sand.u32 $0x4000, s31;
	s1 =	sadd.s32 s1, s30  }
0xbb: {  	s0 =	sor.u32 s3, s0;
	s1 =	sshll.u32 s1, $0x11  }
0xbc: {  	s0 =	sor.u32 s1, s0  }
0xbd: {  	s0 =	sadd.s32 $0x8F2B, s0  }
0xbe: {  	[sflag:s0] =	ssyncadd.remote.s32 $0x1  }
0xbf: {  	_ =	sfence.sel $0xFFFF  }
0xc0: {  	[dreg:$0x0] =	wrdreg $0xFFFFFFFF;
	(pc) =	sbr.abs _section_cstart, $3  }
0xc1: {  	[dreg:$0x1] =	wrdreg $0xFFFFFFFF  }
0xc2: {  	_ =	task.clear_ibuf [dreg:s7], $0x2FFFF;
	_ =	strace $0x9FFFFFFF  }
0xc3: {  	(tm) =	ssettm $0x7FFFFFFF  }
tec
execute0_lowered:
.L_overlay_start_1:
0x0: {  	(tag) =	ssettag $0x1  }
0x1: {  	s1 =	rddreg [dreg:$0x0]  }
0x2: {  	s0 =	rddreg [dreg:$0x1]  }
0x3: {  	s2 =	rddreg [dreg:$0x2]  }
0x4: {  	s3 =	srdreg.scid;
	s5 =	stileid.u32  }
0x5: {  	s15 =	simm.s32 $0x2;
	s17 =	simm.s32 $0x4F00;
	s18 =	simm.s32 $0x7610  }
0x6: {  	s21 =	simm.s32 $0x80;
	s22 =	simm.s32 $0x9D30;
	s23 =	simm.s32 $0x1  }
0x7: {  	s24 =	simm.s32 $0x0;
	s4 =	sand.u32 $0x1, s3;
	s3 =	simm.s32 $0x0  }
0x8: {  	s7 =	sadd.s32 $0x16600, s1;
	s28 =	sadd.s32 $0x16000, s1;
	s29 =	sadd.s32 $0x20C00, s1  }
0x9: {  	s11 =	sadd.s32 $0x22400, s1;
	s12 =	smul.u32 $0xAF80, s5;
	s30 =	sshll.u32 s5, $0x6  }
0xa: {  	s16 =	sadd.s32 $0xAF800, s2;
	p0 =	sne.s32 s5, $0x0;
	[smem:$0x7FF] =	sst s3  }
0xb: {  	s6 =	sshll.u32 s4, $0x4;
	_ =	strace $0x80000047;
	[dreg:$0x4] =	wrdreg s7  }
0xc: {  	s8 =	ssub.s32 $0x2, s4;
	s4 =	smul.u32 $0xAFC80, s4;
	[dreg:$0x5] =	wrdreg s28  }
0xd: {  	s16 =	sshrl.u32 @!p0 s16, $0x3;
	s6 =	sor.u32 s5, s6;
	[dreg:$0x6] =	wrdreg s29  }
0xe: {  	s7 =	sadd.s32 $0x20E00, s1;
	s10 =	sshrl.u32 s8, $0x1;
	s14 =	sadd.s32 s12, s2  }
0xf: {  	s6 =	smul.u32 $0x4F0, s6;
	s13 =	ssub.s32 s8, s10;
	s8 =	sor.u32 $0x1C02, s30  }
0x10: {  	v0 =	vlaneseq.u32;
	s31 =	sadd.s32 s12, s4;
	s4 =	sshrl.u32 s4, $0x3;
	s14 =	sshrl.u32 s14, $0x3  }
0x11: {  	v0 =	vmul.u32 $0x48, v0;
	s4 =	sadd.s32 s11, s4;
	s13 =	smax.u32 s13, $0x1;
	s0 =	sadd.s32 s0, s6  }
0x12: {  	s9 =	sadd.s32 s6, s1;
	[dreg:$0x7] =	wrdreg s0;
	s0 =	sshrl.u32 s31, $0x3  }
0x13: {  	v0 =	vadd.s32 $0x40, v0;
	s12 =	sadd.s32 $0x15F00, s4;
	s10 =	sadd.s32 $0x16E00, s9;
	s11 =	sadd.s32 s11, s0  }
.LBB2_1:
0x14: {  	[spmem:s14], [sflag:s8] =	dma.local [hbm:s7], $0x15F0  }
0x15: {  	_ =	swait.ge [sflag:s15], $0x15F0  }
0x16: {  	[sflag:s15] =	ssyncset.done $0x0  }
0x17: {  	s0 =	simm.s32 @!p0 $0x2;
	[sflag:s15] =	ssyncadd.s32 $0xFFFFEA10  }
0x18: {  	[spmem:s16], [sflag:s8] =	dma.local @!p0 [hbm:s7], $0x90  }
0x19: {  	_ =	swait.ge @!p0 [sflag:s0], $0x90  }
0x1a: {  	[sflag:s0] =	ssyncset.done @!p0 $0x0  }
0x1b: {  	s25 =	rddreg [dreg:$0x4];
	[sflag:s0] =	ssyncadd.s32 @!p0 $0xFFFFFF70  }
0x1c: {  	[tilespmem:s17], [sflag:$0x2] =	stream.linear.gather [hbm4b:s25+s3], $0x2710, $0x38;
	[tilespmem:$0x17178] =	vst v63  }
0x1d: {  	_ =	swait.ge [sflag:s15], $0x2710  }
0x1e: {  	[sflag:s15] =	ssyncset.done $0x0  }
0x1f: {  	s26 =	rddreg [dreg:$0x5];
	[sflag:s15] =	ssyncadd.s32 $0xFFFFD8F0  }
0x20: {  	[tilespmem:s18], [sflag:$0x2] =	stream.linear.gather [hbm4b:s26+s3], $0x2710, $0x38;
	[tilespmem:$0x17178] =	vst v63  }
0x21: {  	_ =	swait.ge [sflag:s15], $0x2710  }
0x22: {  	[sflag:s15] =	ssyncset.done $0x0  }
0x23: {  	s4 =	simm.s32 $0x9D20;
	s28 =	rddreg [dreg:$0x6];
	[sflag:s15] =	ssyncadd.s32 $0xFFFFD8F0  }
0x24: {  	[tilespmem:s4], [sflag:$0x2] =	stream.linear.gather [hbm4b:s28+s3], $0x10, $0x38;
	[tilespmem:$0x17178] =	vst v63  }
0x25: {  	_ =	swait.ge [sflag:s15], $0x10  }
0x26: {  	[sflag:s15] =	ssyncset.done $0x0  }
0x27: {  	s30 =	rddreg [dreg:$0x7];
	[sflag:s15] =	ssyncadd.s32 $0xFFFFFFF0  }
0x28: {  	[tilespmem:s3], [sflag:$0x2] =	stream.linear.gather [hbm4b:s30+s3], $0x2780, $0x38;
	[tilespmem:$0x17178] =	vst v63  }
0x29: {  	_ =	swait.ge [sflag:s15], $0x2780  }
0x2a: {  	[sflag:s15] =	ssyncset.done $0x0  }
0x2b: {  	s31 =	simm.s32 $0x2780;
	[sflag:s15] =	ssyncadd.s32 $0xFFFFD880  }
0x2c: {  	[tilespmem:s31], [sflag:$0x2] =	stream.linear.gather [hbm4b:s10+s3], $0x2780, $0x38;
	[tilespmem:$0x17178] =	vst v63  }
0x2d: {  	_ =	swait.ge [sflag:s15], $0x2780  }
0x2e: {  	[sflag:s15] =	ssyncset.done $0x0  }
0x2f: {  	s5 =	simm.s32 $0x10;
	s6 =	simm.s32 $0x2790;
	[sflag:s15] =	ssyncadd.s32 $0xFFFFD880  }
0x30: {  	s9 =	simm.s32 $0x10;
	s29 =	simm.s32 $0x0;
	[bflag:$0x0] =	sbarrier.arrive $0xFFFF  }
.LBB2_2:
0x31: {  	s30 =	sshll.u32 s29, $0x7  }
0x32: {  	[tilespmem:s22], [sflag:$0x1] =	stream.indirect.gather [hbm4b:s1+s21], $0x48, s30, s21, $0xb8;
	[tilespmem:$0x17178] =	vst v63  }
0x33: {  	s20 =	simm.s32 $0xFFFFFFFE;
	_ =	swait.ge [sflag:s23], $0x2400  }
0x34: {  	s4 =	simm.s32 $0xC140;
	s25 =	smov.u32 s5;
	[sflag:s23] =	ssyncset.done $0x0  }
0x35: {  	s26 =	smov.u32 s6;
	s28 =	smov.u32 s9;
	[sflag:s23] =	ssyncadd.s32 $0xFFFFDC00  }
.LBB2_3:
0x36: {  	v1 =	vld [tilespmem:s25+$0xFFFFFFF0]  }
0x37: {  	v2 =	vld [tilespmem:s26+$0xFFFFFFF0];
	_ =	sdelay $0x5  }
0x38: {  	v3 =	vld [tilespmem:$0x9D20]  }
0x39: {  	v1 =	vld.idx.msk [tilespmem:v1+s17+$0x0], $0xffff  }
0x3a: {  	v2 =	vld.idx.msk [tilespmem:v2+s18+$0x0], $0xffff;
	_ =	sdelay $0x4  }
0x3b: {  	v1 =	vadd.f32 v2, v1;
	v2 =	vadd.f32 v3, v2;
	_ =	sdelay $0x1  }
0x3c: {  	v3 =	vmul.f32 $2.000000030e-01, v1;
	v4 =	vmul.f32 $2.000000030e-01, v2;
	_ =	sdelay $0x1  }
0x3d: {  	v1 =	vmax.f32 v1, v3;
	v2 =	vmax.f32 v2, v4  }
0x3e: {  	v1 =	vsub.f32 v1, v2;
	_ =	sdelay $0x1  }
0x3f: {  	v1 =	vmul.f32 $1.442695020e+00, v1;
	_ =	sdelay $0x1  }
0x40: {  	(erf) = vpow2.f32 v1;
	_ =	sdelay $0x7  }
0x41: {  	s0 =	sadd.s32 $0xFFFFFFF0, s28  }
0x42: {  	p1 =	slt.u32 s0, $0x2710;
	v1 =	vpop (erf)  }
0x43: {  	v1 =	vpsel !p1, $0x0, v1  }
0x44: {  	[tilespmem:s4+$0xFFFFFFF0] =	vst v1  }
0x45: {  	v1 =	vld [tilespmem:s25+$0x0]  }
0x46: {  	v2 =	vld [tilespmem:s26+$0x0];
	_ =	sdelay $0x5  }
0x47: {  	v3 =	vld [tilespmem:$0x9D20]  }
0x48: {  	v1 =	vld.idx.msk [tilespmem:v1+s17+$0x0], $0xffff  }
0x49: {  	v2 =	vld.idx.msk [tilespmem:v2+s18+$0x0], $0xffff;
	_ =	sdelay $0x4  }
0x4a: {  	v1 =	vadd.f32 v2, v1;
	v2 =	vadd.f32 v3, v2;
	_ =	sdelay $0x1  }
0x4b: {  	v3 =	vmul.f32 $2.000000030e-01, v1;
	v63 =	vmul.f32 $2.000000030e-01, v2;
	_ =	sdelay $0x1  }
0x4c: {  	v1 =	vmax.f32 v1, v3;
	v2 =	vmax.f32 v2, v63  }
0x4d: {  	v1 =	vsub.f32 v1, v2;
	_ =	sdelay $0x1  }
0x4e: {  	v1 =	vmul.f32 $1.442695020e+00, v1;
	_ =	sdelay $0x1  }
0x4f: {  	(erf) = vpow2.f32 v1;
	_ =	sdelay $0x4  }
0x50: {  	s20 =	sadd.s32 $0x2, s20  }
0x51: {  	p1 =	slt.u32 s20, $0x6  }
.Ltmp0:
0x52: {  	_ = 	snop;
	(pc) =	sbr.rel @p1 .LBB2_3-.Ltmp0, $4  }
0x53: {  	_ = 	snop  }
0x54: {  	p6 =	slt.u32 s28, $0x2710;
	s28 =	sadd.s32 $0x20, s28;
	v1 =	vpop (erf)  }
0x55: {  	s31 =	simm.s32 $0x0;
	s19 =	simm.s32 $0x9F70;
	s0 =	simm.s32 $0xC130;
	v1 =	vpsel !p6, $0x0, v1  }
0x56: {  	s26 =	sadd.s32 $0x20, s26;
	s25 =	sadd.s32 $0x20, s25;
	[tilespmem:s4+$0x0] =	vst v1;
	s4 =	sadd.s32 $0x20, s4  }
.LBB2_4:
0x57: {  	v1 =	vld [tilespmem:s0+$0x0];
	_ =	sdelay $0x1  }
0x58: {  	v2 =	vld [tilespmem:s19+$0xFFFFFDC0];
	_ =	sdelay $0x2  }
0x59: {  	v3 =	vbroadcast v1, $0x0;
	_ =	sdelay $0x1  }
0x5a: {  	v2 =	vmul.f32 v3, v2;
	_ =	sdelay $0x1  }
0x5b: {  	[tilespmem:s19+$0xFFFFFDC0] =	vst v2;
	v2 =	vld [tilespmem:s19+$0xFFFFFDD0];
	_ =	sdelay $0x4  }
0x5c: {  	v2 =	vmul.f32 v2, v3;
	_ =	sdelay $0x1  }
0x5d: {  	[tilespmem:s19+$0xFFFFFDD0] =	vst v2;
	v2 =	vld [tilespmem:s19+$0xFFFFFDE0];
	_ =	sdelay $0x4  }
0x5e: {  	v2 =	vmul.f32 v2, v3;
	_ =	sdelay $0x1  }
0x5f: {  	[tilespmem:s19+$0xFFFFFDE0] =	vst v2;
	v2 =	vld [tilespmem:s19+$0xFFFFFDF0];
	_ =	sdelay $0x4  }
0x60: {  	v2 =	vmul.f32 v2, v3;
	_ =	sdelay $0x1  }
0x61: {  	[tilespmem:s19+$0xFFFFFDF0] =	vst v2;
	v2 =	vld [tilespmem:s19+$0xFFFFFE08];
	_ =	sdelay $0x2  }
0x62: {  	v3 =	vbroadcast v1, $0x1;
	_ =	sdelay $0x1  }
0x63: {  	v2 =	vmul.f32 v2, v3;
	_ =	sdelay $0x1  }
0x64: {  	[tilespmem:s19+$0xFFFFFE08] =	vst v2;
	v2 =	vld [tilespmem:s19+$0xFFFFFE18];
	_ =	sdelay $0x4  }
0x65: {  	v2 =	vmul.f32 v2, v3;
	_ =	sdelay $0x1  }
0x66: {  	[tilespmem:s19+$0xFFFFFE18] =	vst v2;
	v2 =	vld [tilespmem:s19+$0xFFFFFE28];
	_ =	sdelay $0x4  }
0x67: {  	v2 =	vmul.f32 v2, v3;
	_ =	sdelay $0x1  }
0x68: {  	[tilespmem:s19+$0xFFFFFE28] =	vst v2;
	v2 =	vld [tilespmem:s19+$0xFFFFFE38];
	_ =	sdelay $0x4  }
0x69: {  	v2 =	vmul.f32 v2, v3;
	_ =	sdelay $0x1  }
0x6a: {  	[tilespmem:s19+$0xFFFFFE38] =	vst v2;
	v2 =	vld [tilespmem:s19+$0xFFFFFE50];
	_ =	sdelay $0x2  }
0x6b: {  	v3 =	vbroadcast v1, $0x2;
	_ =	sdelay $0x1  }
0x6c: {  	v2 =	vmul.f32 v2, v3;
	_ =	sdelay $0x1  }
0x6d: {  	[tilespmem:s19+$0xFFFFFE50] =	vst v2;
	v2 =	vld [tilespmem:s19+$0xFFFFFE60];
	_ =	sdelay $0x4  }
0x6e: {  	v2 =	vmul.f32 v2, v3;
	_ =	sdelay $0x1  }
0x6f: {  	[tilespmem:s19+$0xFFFFFE60] =	vst v2;
	v2 =	vld [tilespmem:s19+$0xFFFFFE70];
	_ =	sdelay $0x4  }
0x70: {  	v2 =	vmul.f32 v2, v3;
	_ =	sdelay $0x1  }
0x71: {  	[tilespmem:s19+$0xFFFFFE70] =	vst v2;
	v2 =	vld [tilespmem:s19+$0xFFFFFE80];
	_ =	sdelay $0x4  }
0x72: {  	v2 =	vmul.f32 v2, v3;
	_ =	sdelay $0x1  }
0x73: {  	[tilespmem:s19+$0xFFFFFE80] =	vst v2;
	v2 =	vld [tilespmem:s19+$0xFFFFFE98];
	_ =	sdelay $0x2  }
0x74: {  	v3 =	vbroadcast v1, $0x3;
	_ =	sdelay $0x1  }
0x75: {  	v2 =	vmul.f32 v2, v3;
	_ =	sdelay $0x1  }
0x76: {  	[tilespmem:s19+$0xFFFFFE98] =	vst v2;
	v2 =	vld [tilespmem:s19+$0xFFFFFEA8];
	_ =	sdelay $0x4  }
0x77: {  	v2 =	vmul.f32 v2, v3;
	_ =	sdelay $0x1  }
0x78: {  	[tilespmem:s19+$0xFFFFFEA8] =	vst v2;
	v2 =	vld [tilespmem:s19+$0xFFFFFEB8];
	_ =	sdelay $0x4  }
0x79: {  	v2 =	vmul.f32 v2, v3;
	_ =	sdelay $0x1  }
0x7a: {  	[tilespmem:s19+$0xFFFFFEB8] =	vst v2;
	v2 =	vld [tilespmem:s19+$0xFFFFFEC8];
	_ =	sdelay $0x4  }
0x7b: {  	v2 =	vmul.f32 v2, v3;
	_ =	sdelay $0x1  }
0x7c: {  	[tilespmem:s19+$0xFFFFFEC8] =	vst v2;
	v2 =	vld [tilespmem:s19+$0xFFFFFEE0];
	_ =	sdelay $0x2  }
0x7d: {  	v3 =	vbroadcast v1, $0x4;
	_ =	sdelay $0x1  }
0x7e: {  	v2 =	vmul.f32 v2, v3;
	_ =	sdelay $0x1  }
0x7f: {  	[tilespmem:s19+$0xFFFFFEE0] =	vst v2;
	v2 =	vld [tilespmem:s19+$0xFFFFFEF0];
	_ =	sdelay $0x4  }
0x80: {  	v2 =	vmul.f32 v2, v3;
	_ =	sdelay $0x1  }
0x81: {  	[tilespmem:s19+$0xFFFFFEF0] =	vst v2;
	v2 =	vld [tilespmem:s19+$0xFFFFFF00];
	_ =	sdelay $0x4  }
0x82: {  	v2 =	vmul.f32 v2, v3;
	_ =	sdelay $0x1  }
0x83: {  	[tilespmem:s19+$0xFFFFFF00] =	vst v2;
	v2 =	vld [tilespmem:s19+$0xFFFFFF10];
	_ =	sdelay $0x4  }
0x84: {  	v2 =	vmul.f32 v2, v3;
	_ =	sdelay $0x1  }
0x85: {  	[tilespmem:s19+$0xFFFFFF10] =	vst v2;
	v2 =	vld [tilespmem:s19+$0xFFFFFF28];
	_ =	sdelay $0x2  }
0x86: {  	v3 =	vbroadcast v1, $0x5;
	_ =	sdelay $0x1  }
0x87: {  	v2 =	vmul.f32 v2, v3;
	_ =	sdelay $0x1  }
0x88: {  	[tilespmem:s19+$0xFFFFFF28] =	vst v2;
	v2 =	vld [tilespmem:s19+$0xFFFFFF38];
	_ =	sdelay $0x4  }
0x89: {  	v2 =	vmul.f32 v2, v3;
	_ =	sdelay $0x1  }
0x8a: {  	[tilespmem:s19+$0xFFFFFF38] =	vst v2;
	v2 =	vld [tilespmem:s19+$0xFFFFFF48];
	_ =	sdelay $0x4  }
0x8b: {  	v2 =	vmul.f32 v2, v3;
	_ =	sdelay $0x1  }
0x8c: {  	[tilespmem:s19+$0xFFFFFF48] =	vst v2;
	v2 =	vld [tilespmem:s19+$0xFFFFFF58];
	_ =	sdelay $0x4  }
0x8d: {  	v2 =	vmul.f32 v2, v3;
	_ =	sdelay $0x1  }
0x8e: {  	[tilespmem:s19+$0xFFFFFF58] =	vst v2;
	v2 =	vld [tilespmem:s19+$0xFFFFFF70];
	_ =	sdelay $0x2  }
0x8f: {  	v3 =	vbroadcast v1, $0x6;
	_ =	sdelay $0x1  }
0x90: {  	v2 =	vmul.f32 v2, v3;
	_ =	sdelay $0x1  }
0x91: {  	[tilespmem:s19+$0xFFFFFF70] =	vst v2;
	v2 =	vld [tilespmem:s19+$0xFFFFFF80];
	_ =	sdelay $0x4  }
0x92: {  	v2 =	vmul.f32 v2, v3;
	_ =	sdelay $0x1  }
0x93: {  	[tilespmem:s19+$0xFFFFFF80] =	vst v2;
	v2 =	vld [tilespmem:s19+$0xFFFFFF90];
	_ =	sdelay $0x4  }
0x94: {  	v2 =	vmul.f32 v2, v3;
	_ =	sdelay $0x1  }
0x95: {  	[tilespmem:s19+$0xFFFFFF90] =	vst v2;
	v2 =	vld [tilespmem:s19+$0xFFFFFFA0];
	_ =	sdelay $0x4  }
0x96: {  	v2 =	vmul.f32 v2, v3;
	_ =	sdelay $0x1  }
0x97: {  	[tilespmem:s19+$0xFFFFFFA0] =	vst v2;
	v2 =	vld [tilespmem:s19+$0xFFFFFFB8];
	_ =	sdelay $0x2  }
0x98: {  	v3 =	vbroadcast v1, $0x7;
	_ =	sdelay $0x1  }
0x99: {  	v2 =	vmul.f32 v2, v3;
	_ =	sdelay $0x1  }
0x9a: {  	[tilespmem:s19+$0xFFFFFFB8] =	vst v2;
	v2 =	vld [tilespmem:s19+$0xFFFFFFC8];
	_ =	sdelay $0x4  }
0x9b: {  	v2 =	vmul.f32 v2, v3;
	_ =	sdelay $0x1  }
0x9c: {  	[tilespmem:s19+$0xFFFFFFC8] =	vst v2;
	v2 =	vld [tilespmem:s19+$0xFFFFFFD8];
	_ =	sdelay $0x4  }
0x9d: {  	v2 =	vmul.f32 v2, v3;
	_ =	sdelay $0x1  }
0x9e: {  	[tilespmem:s19+$0xFFFFFFD8] =	vst v2;
	v2 =	vld [tilespmem:s19+$0xFFFFFFE8];
	_ =	sdelay $0x4  }
0x9f: {  	v2 =	vmul.f32 v2, v3;
	_ =	sdelay $0x1  }
0xa0: {  	[tilespmem:s19+$0xFFFFFFE8] =	vst v2;
	v2 =	vld [tilespmem:s19+$0x0];
	_ =	sdelay $0x2  }
0xa1: {  	v3 =	vbroadcast v1, $0x8;
	_ =	sdelay $0x1  }
0xa2: {  	v2 =	vmul.f32 v2, v3;
	_ =	sdelay $0x1  }
0xa3: {  	[tilespmem:s19+$0x0] =	vst v2;
	v2 =	vld [tilespmem:s19+$0x10];
	_ =	sdelay $0x4  }
0xa4: {  	v2 =	vmul.f32 v2, v3;
	_ =	sdelay $0x1  }
0xa5: {  	[tilespmem:s19+$0x10] =	vst v2;
	v2 =	vld [tilespmem:s19+$0x20];
	_ =	sdelay $0x4  }
0xa6: {  	v2 =	vmul.f32 v2, v3;
	_ =	sdelay $0x1  }
0xa7: {  	[tilespmem:s19+$0x20] =	vst v2;
	v2 =	vld [tilespmem:s19+$0x30];
	_ =	sdelay $0x4  }
0xa8: {  	v2 =	vmul.f32 v2, v3;
	_ =	sdelay $0x1  }
0xa9: {  	[tilespmem:s19+$0x30] =	vst v2;
	v2 =	vld [tilespmem:s19+$0x48];
	_ =	sdelay $0x2  }
0xaa: {  	v3 =	vbroadcast v1, $0x9;
	_ =	sdelay $0x1  }
0xab: {  	v2 =	vmul.f32 v2, v3;
	_ =	sdelay $0x1  }
0xac: {  	[tilespmem:s19+$0x48] =	vst v2;
	v2 =	vld [tilespmem:s19+$0x58];
	_ =	sdelay $0x4  }
0xad: {  	v2 =	vmul.f32 v2, v3;
	_ =	sdelay $0x1  }
0xae: {  	[tilespmem:s19+$0x58] =	vst v2;
	v2 =	vld [tilespmem:s19+$0x68];
	_ =	sdelay $0x4  }
0xaf: {  	v2 =	vmul.f32 v2, v3;
	_ =	sdelay $0x1  }
0xb0: {  	[tilespmem:s19+$0x68] =	vst v2;
	v2 =	vld [tilespmem:s19+$0x78];
	_ =	sdelay $0x4  }
0xb1: {  	v2 =	vmul.f32 v2, v3;
	_ =	sdelay $0x1  }
0xb2: {  	[tilespmem:s19+$0x78] =	vst v2;
	v2 =	vld [tilespmem:s19+$0x90];
	_ =	sdelay $0x2  }
0xb3: {  	v3 =	vbroadcast v1, $0xA;
	_ =	sdelay $0x1  }
0xb4: {  	v2 =	vmul.f32 v2, v3;
	_ =	sdelay $0x1  }
0xb5: {  	[tilespmem:s19+$0x90] =	vst v2;
	v2 =	vld [tilespmem:s19+$0xA0];
	_ =	sdelay $0x4  }
0xb6: {  	v2 =	vmul.f32 v2, v3;
	_ =	sdelay $0x1  }
0xb7: {  	[tilespmem:s19+$0xA0] =	vst v2;
	v2 =	vld [tilespmem:s19+$0xB0];
	_ =	sdelay $0x4  }
0xb8: {  	v2 =	vmul.f32 v2, v3;
	_ =	sdelay $0x1  }
0xb9: {  	[tilespmem:s19+$0xB0] =	vst v2;
	v2 =	vld [tilespmem:s19+$0xC0];
	_ =	sdelay $0x4  }
0xba: {  	v2 =	vmul.f32 v2, v3;
	_ =	sdelay $0x1  }
0xbb: {  	[tilespmem:s19+$0xC0] =	vst v2;
	v2 =	vld [tilespmem:s19+$0xD8];
	_ =	sdelay $0x2  }
0xbc: {  	v3 =	vbroadcast v1, $0xB;
	_ =	sdelay $0x1  }
0xbd: {  	v2 =	vmul.f32 v2, v3;
	_ =	sdelay $0x1  }
0xbe: {  	[tilespmem:s19+$0xD8] =	vst v2;
	v2 =	vld [tilespmem:s19+$0xE8];
	_ =	sdelay $0x4  }
0xbf: {  	v2 =	vmul.f32 v2, v3;
	_ =	sdelay $0x1  }
0xc0: {  	[tilespmem:s19+$0xE8] =	vst v2;
	v2 =	vld [tilespmem:s19+$0xF8];
	_ =	sdelay $0x4  }
0xc1: {  	v2 =	vmul.f32 v2, v3;
	_ =	sdelay $0x1  }
0xc2: {  	[tilespmem:s19+$0xF8] =	vst v2;
	v2 =	vld [tilespmem:s19+$0x108];
	_ =	sdelay $0x4  }
0xc3: {  	v2 =	vmul.f32 v2, v3;
	_ =	sdelay $0x1  }
0xc4: {  	[tilespmem:s19+$0x108] =	vst v2;
	v2 =	vld [tilespmem:s19+$0x120];
	_ =	sdelay $0x2  }
0xc5: {  	v3 =	vbroadcast v1, $0xC;
	_ =	sdelay $0x1  }
0xc6: {  	v2 =	vmul.f32 v2, v3;
	_ =	sdelay $0x1  }
0xc7: {  	[tilespmem:s19+$0x120] =	vst v2;
	v2 =	vld [tilespmem:s19+$0x130];
	_ =	sdelay $0x4  }
0xc8: {  	v2 =	vmul.f32 v2, v3;
	_ =	sdelay $0x1  }
0xc9: {  	[tilespmem:s19+$0x130] =	vst v2;
	v2 =	vld [tilespmem:s19+$0x140];
	_ =	sdelay $0x4  }
0xca: {  	v2 =	vmul.f32 v2, v3;
	_ =	sdelay $0x1  }
0xcb: {  	[tilespmem:s19+$0x140] =	vst v2;
	v2 =	vld [tilespmem:s19+$0x150];
	_ =	sdelay $0x4  }
0xcc: {  	v2 =	vmul.f32 v2, v3;
	_ =	sdelay $0x1  }
0xcd: {  	[tilespmem:s19+$0x150] =	vst v2;
	v2 =	vld [tilespmem:s19+$0x168];
	_ =	sdelay $0x2  }
0xce: {  	v3 =	vbroadcast v1, $0xD;
	_ =	sdelay $0x1  }
0xcf: {  	v2 =	vmul.f32 v2, v3;
	_ =	sdelay $0x1  }
0xd0: {  	[tilespmem:s19+$0x168] =	vst v2;
	v2 =	vld [tilespmem:s19+$0x178];
	_ =	sdelay $0x4  }
0xd1: {  	v2 =	vmul.f32 v2, v3;
	_ =	sdelay $0x1  }
0xd2: {  	[tilespmem:s19+$0x178] =	vst v2;
	v2 =	vld [tilespmem:s19+$0x188];
	_ =	sdelay $0x4  }
0xd3: {  	v2 =	vmul.f32 v2, v3;
	_ =	sdelay $0x1  }
0xd4: {  	[tilespmem:s19+$0x188] =	vst v2;
	v2 =	vld [tilespmem:s19+$0x198];
	_ =	sdelay $0x4  }
0xd5: {  	v2 =	vmul.f32 v2, v3;
	_ =	sdelay $0x1  }
0xd6: {  	[tilespmem:s19+$0x198] =	vst v2;
	v2 =	vld [tilespmem:s19+$0x1B0];
	_ =	sdelay $0x2  }
0xd7: {  	v3 =	vbroadcast v1, $0xE;
	_ =	sdelay $0x1  }
0xd8: {  	v2 =	vmul.f32 v2, v3;
	_ =	sdelay $0x1  }
0xd9: {  	[tilespmem:s19+$0x1B0] =	vst v2;
	v2 =	vld [tilespmem:s19+$0x1C0];
	_ =	sdelay $0x4  }
0xda: {  	v2 =	vmul.f32 v2, v3;
	_ =	sdelay $0x1  }
0xdb: {  	[tilespmem:s19+$0x1C0] =	vst v2;
	v2 =	vld [tilespmem:s19+$0x1D0];
	_ =	sdelay $0x4  }
0xdc: {  	v2 =	vmul.f32 v2, v3;
	_ =	sdelay $0x1  }
0xdd: {  	[tilespmem:s19+$0x1D0] =	vst v2;
	v2 =	vld [tilespmem:s19+$0x1E0];
	_ =	sdelay $0x4  }
0xde: {  	v2 =	vmul.f32 v2, v3;
	_ =	sdelay $0x1  }
0xdf: {  	[tilespmem:s19+$0x1E0] =	vst v2;
	v2 =	vld [tilespmem:s19+$0x1F8];
	_ =	sdelay $0x2  }
0xe0: {  	v3 =	vbroadcast v1, $0xF;
	_ =	sdelay $0x1  }
0xe1: {  	v2 =	vmul.f32 v2, v3;
	_ =	sdelay $0x1  }
0xe2: {  	[tilespmem:s19+$0x1F8] =	vst v2;
	v2 =	vld [tilespmem:s19+$0x208];
	_ =	sdelay $0x4  }
0xe3: {  	v2 =	vmul.f32 v2, v3;
	_ =	sdelay $0x1  }
0xe4: {  	[tilespmem:s19+$0x208] =	vst v2;
	v2 =	vld [tilespmem:s19+$0x218];
	_ =	sdelay $0x4  }
0xe5: {  	v2 =	vmul.f32 v2, v3  }
0xe6: {  	v4 =	vmov s31  }
0xe7: {  	[tilespmem:s19+$0x218] =	vst v2;
	v2 =	vmul.u32 $0x48, v4  }
0xe8: {  	v63 =	vld [tilespmem:s19+$0x228]  }
0xe9: {  	v2 =	vbroadcast v2, $0x0;
	_ =	sdelay $0x1  }
0xea: {  	p1 =	sne.s32 s31, $0x70;
	v2 =	vadd.s32 v0, v2  }
.Ltmp1:
0xeb: {  	_ = 	snop;
	(pc) =	sbr.rel @p1 .LBB2_4-.Ltmp1, $3  }
0xec: {  	v3 =	vmul.f32 v63, v3;
	_ =	sdelay $0x1  }
0xed: {  	[tilespmem:s19+$0x228] =	vst v3  }
0xee: {  	s0 =	sadd.s32 $0x10, s0;
	s31 =	sadd.s32 $0x10, s31;
	s19 =	sadd.s32 $0x480, s19;
	[tilespmem:v2+s22+$0x0] =	vst.idx.msk $0xffff, v1  }
0xef: {  	s29 =	sadd.s32 $0x1, s29  }
0xf0: {  	p1 =	sne.s32 s29, $0x4F  }
.Ltmp2:
0xf1: {  	s0 =	sadd.s32 $0x2780, s30;
	(pc) =	sbr.rel @p1 .LBB2_2-.Ltmp2, $4  }
0xf2: {  	[spmem:s2] =	stream.indirect.scatter.add.f32 [tilespmem:s22], [sflag:$0x2], $0x48, s0, s21, $0xb8;
	[tilespmem:$0x17178] =	vst v63  }
0xf3: {  	_ =	swait.ge [sflag:s15], $0x2400  }
0xf4: {  	s9 =	sadd.s32 $0x80, s9;
	[sflag:s15] =	ssyncset.done $0x0  }
0xf5: {  	s6 =	sadd.s32 $0x80, s6;
	s5 =	sadd.s32 $0x80, s5;
	[sflag:s15] =	ssyncadd.s32 $0xFFFFDC00  }
0xf6: {  	[bflag:$0x0] =	sbarrier.arrive $0xFFFF  }
0xf7: {  	[hbm:s11], [sflag:s8] =	dma.local [spmem:s14], $0x15F0  }
0xf8: {  	s24 =	sadd.s32 $0x1, s24;
	_ =	swait.ge [sflag:s15], $0x15F0  }
0xf9: {  	p1 =	sne.s32 s24, s13;
	[sflag:s15] =	ssyncset.done $0x0  }
.Ltmp3:
0xfa: {  	s0 =	simm.s32 @!p0 $0x2;
	[sflag:s15] =	ssyncadd.s32 $0xFFFFEA10;
	(pc) =	sbr.rel @p1 .LBB2_1-.Ltmp3, $4  }
0xfb: {  	[hbm:s12], [sflag:s8] =	dma.local @!p0 [spmem:s16], $0x90  }
0xfc: {  	_ =	swait.ge @!p0 [sflag:s0], $0x90  }
0xfd: {  	[sflag:s0] =	ssyncset.done @!p0 $0x0  }
0xfe: {  	[sflag:s0] =	ssyncadd.s32 @!p0 $0xFFFFFF70  }
0xff: {  	_ =	sfence.sel $0x180000  }
0x100: {  	[bflag:$0x0] =	sbarrier.arrive $0xFFFF  }
0x101: {  	_ =	strace $0x90000047  }
0x102: {  	[bflag:$0x2] =	sbarrier.arrive $0xFFFF  }
0x103: {  	s0 =	rddreg [dreg:$0x3]  }
0x104: {  	s0 =	sadd.s32 @!p0 $0x100000, s0  }
0x105: {  	[sflag:s0] =	ssyncadd.tile.s32 @!p0 $0x1;
	_ =	shalt  }
.Lfunc_end2:
_tile_overlayer_lowered:
.L_overlay_start_2:
0x106: {  	(tag) =	ssettag $0x2  }
0x107: {  	s0 =	rddreg [dreg:$0x0];
	s2 =	stileid.u32  }
0x108: {  	s1 =	rddreg [dreg:$0x1];
	p0 =	sne.s32 s2, $0x0  }
0x109: {  	s3 =	rddreg [dreg:$0x2];
	[bflag:$0x3] =	sbarrier.arrive $0xFFFF;
	s2 =	simm.s32 @!p0 $0x1C02  }
0x10a: {  	[timem:s3], [sflag:s2] =	dma.local @!p0 [hbm:s0], s1  }
0x10b: {  	s0 =	simm.s32 @!p0 $0x2  }
0x10c: {  	_ =	swait.ge @!p0 [sflag:s0], s1  }
0x10d: {  	s1 =	ssub.s32 @!p0 $0x0, s1;
	[sflag:s0] =	ssyncset.done @!p0 $0x0  }
0x10e: {  	[sflag:s0] =	ssyncadd.s32 @!p0 s1  }
0x10f: {  	[bflag:$0x3] =	sbarrier.arrive $0xFFFF  }
0x110: {  	_ =	shalt  }

</sc_bundles>
